<compile_context>
chip_gen: v7x
topology: tpu7x:2x2x1
jax: 0.10.2.dev20260603
libtpu: 0.0.44.dev20260713+nightly
codegen_flags: <defaults>
</compile_context>

<pallas_src>
import functools

import jax
import jax.numpy as jnp
from jax import lax
from jax.experimental import pallas as pl
from jax.experimental.pallas import tpu as pltpu
from jax.experimental.pallas import tpu_sc as plsc

N = 10000
E = 320000
F = 128
NC, NS = 2, 16
NW = NC * NS
CH = 128
NCH = 79
E_PAD = NW * NCH * CH
NACC = 10016
Z_LO = 624
Z_HI = NACC - (NS - 1) * Z_LO
D_LO = 624
D_HI = N - (NS - 1) * D_LO
RCH = 104
RNCH = Z_LO // RCH
ZTAIL = Z_HI - RNCH * RCH
DTAIL = D_HI - RNCH * RCH


def _sc_mesh():
    return plsc.VectorSubcoreMesh(core_axis_name="c", subcore_axis_name="s",
                                  num_cores=NC, num_subcores=NS)


def _sc_degree(didx):
    @functools.partial(
        pl.kernel,
        out_type=jax.ShapeDtypeStruct((NC * N,), jnp.float32),
        mesh=_sc_mesh(),
        scratch_types=[
            pltpu.VMEM((NCH, CH), jnp.int32),
            pltpu.VMEM((CH,), jnp.float32),
            pltpu.VMEM((Z_HI,), jnp.float32),
            pltpu.VMEM_SHARED((NACC,), jnp.float32),
        ],
    )
    def k(didx_hbm, out_hbm, dall, ones, zbuf, acc):
        cid = lax.axis_index("c")
        sid = lax.axis_index("s")
        wid = sid * NC + cid
        one16 = jnp.ones((16,), jnp.float32)
        zero16 = jnp.zeros((16,), jnp.float32)
        for j in range(CH // 16):
            ones[pl.ds(j * 16, 16)] = one16
        for j in range(Z_HI // 16):
            zbuf[pl.ds(j * 16, 16)] = zero16

        @pl.when(sid < NS - 1)
        def _():
            pltpu.sync_copy(zbuf.at[pl.ds(0, Z_LO)],
                            acc.at[pl.ds(sid * Z_LO, Z_LO)])

        @pl.when(sid == NS - 1)
        def _():
            pltpu.sync_copy(zbuf, acc.at[pl.ds((NS - 1) * Z_LO, Z_HI)])

        plsc.subcore_barrier()
        pltpu.sync_copy(didx_hbm.at[wid], dall)

        def chunk(c, carry):
            pltpu.sync_copy(ones, acc.at[dall.at[c]], add=True)
            return carry

        lax.fori_loop(0, NCH, chunk, 0)
        plsc.subcore_barrier()

        @pl.when(sid < NS - 1)
        def _():
            pltpu.sync_copy(acc.at[pl.ds(sid * D_LO, D_LO)],
                            zbuf.at[pl.ds(0, D_LO)])
            pltpu.sync_copy(zbuf.at[pl.ds(0, D_LO)],
                            out_hbm.at[pl.ds(cid * N + sid * D_LO, D_LO)])

        @pl.when(sid == NS - 1)
        def _():
            pltpu.sync_copy(acc.at[pl.ds((NS - 1) * D_LO, D_HI)],
                            zbuf.at[pl.ds(0, D_HI)])
            pltpu.sync_copy(
                zbuf.at[pl.ds(0, D_HI)],
                out_hbm.at[pl.ds(cid * N + (NS - 1) * D_LO, D_HI)])

    return k(didx)


def _sc_scatter(g, idx):
    @functools.partial(
        pl.kernel,
        out_type=jax.ShapeDtypeStruct((NC, N, F), jnp.float32),
        mesh=_sc_mesh(),
        scratch_types=[
            pltpu.VMEM((2 * CH,), jnp.int32),
            pltpu.VMEM((2 * CH,), jnp.int32),
            pltpu.VMEM((2 * CH,), jnp.int32),
            pltpu.VMEM((2 * CH,), jnp.int32),
            pltpu.VMEM((CH, F), jnp.float32),
            pltpu.VMEM((CH, F), jnp.float32),
            pltpu.VMEM((RCH, F), jnp.float32),
            pltpu.VMEM_SHARED((NACC, F), jnp.float32),
            pltpu.SemaphoreType.DMA,
            pltpu.SemaphoreType.DMA,
            pltpu.SemaphoreType.DMA,
            pltpu.SemaphoreType.DMA,
            pltpu.SemaphoreType.DMA,
            pltpu.SemaphoreType.DMA,
        ],
    )
    def k(g_hbm, idx_hbm, out_hbm,
          ib0, ib1, ib2, ib3, rows0, rows1, zbuf, acc,
          is0, is1, is2, is3, gs0, gs1):
        cid = lax.axis_index("c")
        sid = lax.axis_index("s")
        wid = sid * NC + cid
        ibufs = (ib0, ib1, ib2, ib3)
        isems = (is0, is1, is2, is3)
        rowss = (rows0, rows1)
        gsems = (gs0, gs1)
        zero16 = jnp.zeros((16,), jnp.float32)

        def zrow(r, carry):
            for j in range(F // 16):
                zbuf[r, pl.ds(j * 16, 16)] = zero16
            return carry

        lax.fori_loop(0, RCH, zrow, 0)
        zrow0 = sid * Z_LO

        def zacc(kk, carry):
            pltpu.sync_copy(zbuf, acc.at[pl.ds(zrow0 + kk * RCH, RCH)])
            return carry

        lax.fori_loop(0, RNCH, zacc, 0)

        @pl.when(sid == NS - 1)
        def _():
            pltpu.sync_copy(zbuf.at[pl.ds(0, ZTAIL)],
                            acc.at[pl.ds(zrow0 + RNCH * RCH, ZTAIL)])

        plsc.subcore_barrier()
        pltpu.sync_copy(idx_hbm.at[wid, 0], ib0)
        pltpu.async_copy(g_hbm.at[ib0.at[pl.ds(0, CH)]], rows0, gs0)
        pltpu.sync_copy(idx_hbm.at[wid, 1], ib1)
        pltpu.async_copy(g_hbm.at[ib1.at[pl.ds(0, CH)]], rows1, gs1)
        pltpu.async_copy(idx_hbm.at[wid, 2], ib2, is2)
        pltpu.async_copy(idx_hbm.at[wid, 3], ib3, is3)

        def chunk(c, carry):
            for par in range(4):
                ibuf, isem = ibufs[par], isems[par]
                nbuf, nsem = ibufs[(par + 2) % 4], isems[(par + 2) % 4]
                rows, gsem = rowss[par % 2], gsems[par % 2]

                @pl.when(lax.rem(c, 4) == par)
                def _():
                    pltpu.make_async_copy(
                        g_hbm.at[ibuf.at[pl.ds(0, CH)]], rows, gsem).wait()
                    pltpu.sync_copy(rows, acc.at[ibuf.at[pl.ds(CH, CH)]],
                                    add=True)

                    @pl.when(c + 2 < NCH)
                    def _():
                        pltpu.make_async_copy(
                            idx_hbm.at[wid, c + 2], nbuf, nsem).wait()
                        pltpu.async_copy(
                            g_hbm.at[nbuf.at[pl.ds(0, CH)]], rows, gsem)

                    @pl.when(c + 4 < NCH)
                    def _():
                        pltpu.async_copy(idx_hbm.at[wid, c + 4], ibuf, isem)
            return carry

        lax.fori_loop(0, NCH, chunk, 0)
        plsc.subcore_barrier()
        drow0 = sid * D_LO

        def dissue(kk, carry):
            r = drow0 + kk * RCH
            pltpu.async_copy(acc.at[pl.ds(r, RCH)],
                             out_hbm.at[cid, pl.ds(r, RCH)], gs0)
            return carry

        lax.fori_loop(0, RNCH, dissue, 0)

        @pl.when(sid == NS - 1)
        def _():
            r = drow0 + RNCH * RCH
            pltpu.async_copy(acc.at[pl.ds(r, DTAIL)],
                             out_hbm.at[cid, pl.ds(r, DTAIL)], gs1)
            pltpu.make_async_copy(acc.at[pl.ds(r, DTAIL)],
                                  out_hbm.at[cid, pl.ds(r, DTAIL)], gs1).wait()

        def dwait(kk, carry):
            r = drow0 + kk * RCH
            pltpu.make_async_copy(acc.at[pl.ds(r, RCH)],
                                  out_hbm.at[cid, pl.ds(r, RCH)], gs0).wait()
            return carry

        lax.fori_loop(0, RNCH, dwait, 0)

    return k(g, idx)


BM = 1000


def _tc_pre(x, W, dinv):
    def body(x_ref, w_ref, d_ref, o_ref):
        o_ref[...] = d_ref[...] * jnp.dot(
            x_ref[...], w_ref[...], preferred_element_type=jnp.float32)

    return pl.pallas_call(
        body,
        grid=(N // BM,),
        in_specs=[pl.BlockSpec((BM, F), lambda i: (i, 0)),
                  pl.BlockSpec((F, F), lambda i: (0, 0)),
                  pl.BlockSpec((BM, 1), lambda i: (i, 0))],
        out_specs=pl.BlockSpec((BM, F), lambda i: (i, 0)),
        out_shape=jax.ShapeDtypeStruct((N, F), jnp.float32),
    )(x, W, dinv)


def _tc_mid(parts, g1, b1, W2, dinv):
    def body(p_ref, g_ref, b_ref, w_ref, d_ref, o_ref):
        d = d_ref[...]
        z = d * (p_ref[0] + p_ref[1] + g_ref[...]) + b_ref[...]
        z = jnp.maximum(z, 0.0)
        o_ref[...] = d * jnp.dot(z, w_ref[...],
                                 preferred_element_type=jnp.float32)

    return pl.pallas_call(
        body,
        grid=(N // BM,),
        in_specs=[pl.BlockSpec((NC, BM, F), lambda i: (0, i, 0)),
                  pl.BlockSpec((BM, F), lambda i: (i, 0)),
                  pl.BlockSpec((1, F), lambda i: (0, 0)),
                  pl.BlockSpec((F, F), lambda i: (0, 0)),
                  pl.BlockSpec((BM, 1), lambda i: (i, 0))],
        out_specs=pl.BlockSpec((BM, F), lambda i: (i, 0)),
        out_shape=jax.ShapeDtypeStruct((N, F), jnp.float32),
    )(parts, g1, b1.reshape(1, F), W2, dinv)


def _tc_post(parts, g2, b2, dinv):
    def body(p_ref, g_ref, b_ref, d_ref, o_ref):
        o_ref[...] = (d_ref[...] * (p_ref[0] + p_ref[1] + g_ref[...])
                      + b_ref[...])

    return pl.pallas_call(
        body,
        grid=(N // BM,),
        in_specs=[pl.BlockSpec((NC, BM, F), lambda i: (0, i, 0)),
                  pl.BlockSpec((BM, F), lambda i: (i, 0)),
                  pl.BlockSpec((1, F), lambda i: (0, 0)),
                  pl.BlockSpec((BM, 1), lambda i: (i, 0))],
        out_specs=pl.BlockSpec((BM, F), lambda i: (i, 0)),
        out_shape=jax.ShapeDtypeStruct((N, F), jnp.float32),
    )(parts, g2, b2.reshape(1, F), dinv)


def kernel(x, edge_index, edge_attr, y, W1, b1, W2, b2, We, be):
    pad = E_PAD - E
    pad_src = jnp.arange(pad, dtype=jnp.int32) % N
    pad_dst = N + (jnp.arange(pad, dtype=jnp.int32) % (NACC - N))
    sidx = jnp.concatenate(
        [edge_index[0], pad_src]).reshape(NW, NCH, CH)
    didx = jnp.concatenate(
        [edge_index[1], pad_dst]).reshape(NW, NCH, CH)
    idx = jnp.concatenate([sidx, didx], axis=-1)
    degp = _sc_degree(didx).reshape(NC, N)
    deg = degp[0] + degp[1] + 1.0
    dinv = lax.rsqrt(deg).reshape(N, 1)
    g1 = _tc_pre(x, W1, dinv)
    p1 = _sc_scatter(g1, idx)
    g2 = _tc_mid(p1, g1, b1, W2, dinv)
    p2 = _sc_scatter(g2, idx)
    return _tc_post(p2, g2, b2, dinv)

# --- scband reference (transcript-rebuilt; emitter-appended) ---
"""Pipeline reference for scband-graph-convolutional-network-84885733638246 (READ-ONLY COPY).

The authoritative reference and input builder live on the scoring server;
editing this copy changes nothing except your own understanding.
"""

import jax, jax.numpy as jnp
import numpy as np


def gcn_conv(x, edge_index, W, b):
    # Kipf & Welling GCNConv: D^{-1/2} (A+I) D^{-1/2} X W + b
    N = x.shape[0]
    loops = jnp.arange(N, dtype=edge_index.dtype)
    src = jnp.concatenate([edge_index[0], loops])
    dst = jnp.concatenate([edge_index[1], loops])
    h = x @ W
    deg = jnp.zeros((N,), dtype=x.dtype).at[dst].add(1.0)
    dinv = jnp.where(deg > 0, 1.0 / jnp.sqrt(deg), 0.0)
    norm = dinv[src] * dinv[dst]
    msg = h[src] * norm[:, None]
    out = jnp.zeros((N, W.shape[1]), dtype=x.dtype).at[dst].add(msg)
    return out + b


def setup_inputs(seed: int = 0) -> dict:
    key = jax.random.key(seed)
    ks = jax.random.split(key, 10)
    N, E = 10000, 320000
    F_in, F_edge, H, F_out = 128, 4, 128, 128
    x = jax.random.normal(ks[0], (N, F_in), dtype=jnp.float32)
    edge_index = jax.random.randint(ks[1], (2, E), 0, N, dtype=jnp.int32)
    edge_attr = jax.random.normal(ks[2], (E, F_edge), dtype=jnp.float32)
    y = jax.random.randint(ks[3], (N,), 0, 10, dtype=jnp.int32)
    W1 = jax.random.normal(ks[4], (F_in, H), dtype=jnp.float32) * 0.05
    b1 = jnp.zeros((H,), dtype=jnp.float32)
    W2 = jax.random.normal(ks[5], (H, F_out), dtype=jnp.float32) * 0.05
    b2 = jnp.zeros((F_out,), dtype=jnp.float32)
    We = jax.random.normal(ks[6], (F_edge, F_out), dtype=jnp.float32) * 0.05
    be = jnp.zeros((F_out,), dtype=jnp.float32)
    return {"x": x, "edge_index": edge_index, "edge_attr": edge_attr, "y": y,
            "W1": W1, "b1": b1, "W2": W2, "b2": b2, "We": We, "be": be}


def reference(x, edge_index, edge_attr, y, W1, b1, W2, b2, We, be):
    x_node = gcn_conv(x, edge_index, W1, b1)
    x_node = jax.nn.relu(x_node)
    x_node = gcn_conv(x_node, edge_index, W2, b2)
    x_edge = edge_attr @ We + be  # computed in original forward but not returned
    return x_node

if __name__ == "__main__":
    import jax
    _d = setup_inputs()
    print(jax.jit(kernel)(*tuple(_d.values())))

</pallas_src>

<mosaic_0001>
#map = affine_map<(d0, d1) -> (0, 0)>
#map1 = affine_map<(d0, d1) -> (0, 0, 0)>
module attributes {stable_mosaic.version = 14 : i64} {
  func.func @k(%arg0: i32, %arg1: i32, %arg2: memref<10000x128xf32, #tpu.memory_space<hbm>>, %arg3: memref<32x79x256xi32, #tpu.memory_space<hbm>>, %arg4: memref<2x10000x128xf32, #tpu.memory_space<hbm>>, %arg5: memref<256xi32, #tpu.memory_space<vmem>>, %arg6: memref<256xi32, #tpu.memory_space<vmem>>, %arg7: memref<256xi32, #tpu.memory_space<vmem>>, %arg8: memref<256xi32, #tpu.memory_space<vmem>>, %arg9: memref<128x128xf32, #tpu.memory_space<vmem>>, %arg10: memref<128x128xf32, #tpu.memory_space<vmem>>, %arg11: memref<104x128xf32, #tpu.memory_space<vmem>>, %arg12: memref<10016x128xf32, #tpu.memory_space<vmem_shared>>, %arg13: memref<!tpu.dma_semaphore, #tpu.memory_space<semaphore_mem>>, %arg14: memref<!tpu.dma_semaphore, #tpu.memory_space<semaphore_mem>>, %arg15: memref<!tpu.dma_semaphore, #tpu.memory_space<semaphore_mem>>, %arg16: memref<!tpu.dma_semaphore, #tpu.memory_space<semaphore_mem>>, %arg17: memref<!tpu.dma_semaphore, #tpu.memory_space<semaphore_mem>>, %arg18: memref<!tpu.dma_semaphore, #tpu.memory_space<semaphore_mem>>) attributes {dimension_semantics = [#tpu.dimension_semantics<core_parallel>, #tpu.dimension_semantics<subcore_parallel>], iteration_bounds = array<i64: 2, 16>, scalar_prefetch = 0 : i64, scratch_operands = 14 : i64, tpu.core_type = #tpu.core_type<sc_vector_subcore>, window_params = [{transform_indices = #map}, {transform_indices = #map1}, {transform_indices = #map1}]} {
    %mul3A = arith.constant 2 : i32
    %mul3A_0 = arith.muli %arg1, %mul3A : i32
    %add3A = arith.addi %mul3A_0, %arg0 : i32
    %broadcast_in_dim3A = arith.constant 0.000000e+00 : f32
    %broadcast_in_dim3A_1 = vector.broadcast %broadcast_in_dim3A : f32 to vector<16xf32>
    %scan3A = arith.constant 0 : i32
    %scan3A_2 = arith.constant 0 : i32
    %scan3A_3 = arith.constant 104 : i32
    %scan3A_4 = arith.addi %scan3A_2, %scan3A_3 : i32
    %scan3A_5 = arith.constant 1 : i32
    scf.for %scan3A_67 = %scan3A_2 to %scan3A_4 step %scan3A_5  : i32 {
      %swap3A = arith.index_cast %scan3A_67 : i32 to index
      %swap3A_68 = arith.constant 0 : index
      %swap3A_69 = tpu.vector_load %arg11[%swap3A, %swap3A_68] {strides = array<i32>} : memref<104x128xf32, #tpu.memory_space<vmem>>, vector<1x16xf32>,
      %swap3A_70 = vector.shape_cast %swap3A_69 : vector<1x16xf32> to vector<16xf32>
      %swap3A_71 = vector.shape_cast %broadcast_in_dim3A_1 : vector<16xf32> to vector<1x16xf32>
      tpu.vector_store %arg11[%swap3A, %swap3A_68], %swap3A_71 {strides = array<i32>} : memref<104x128xf32, #tpu.memory_space<vmem>>, vector<1x16xf32>,
      %swap3A_72 = arith.index_cast %scan3A_67 : i32 to index
      %swap3A_73 = arith.constant 16 : index
      %swap3A_74 = tpu.vector_load %arg11[%swap3A_72, %swap3A_73] {strides = array<i32>} : memref<104x128xf32, #tpu.memory_space<vmem>>, vector<1x16xf32>,
      %swap3A_75 = vector.shape_cast %swap3A_74 : vector<1x16xf32> to vector<16xf32>
      %swap3A_76 = vector.shape_cast %broadcast_in_dim3A_1 : vector<16xf32> to vector<1x16xf32>
      tpu.vector_store %arg11[%swap3A_72, %swap3A_73], %swap3A_76 {strides = array<i32>} : memref<104x128xf32, #tpu.memory_space<vmem>>, vector<1x16xf32>,
      %swap3A_77 = arith.index_cast %scan3A_67 : i32 to index
      %swap3A_78 = arith.constant 32 : index
      %swap3A_79 = tpu.vector_load %arg11[%swap3A_77, %swap3A_78] {strides = array<i32>} : memref<104x128xf32, #tpu.memory_space<vmem>>, vector<1x16xf32>,
      %swap3A_80 = vector.shape_cast %swap3A_79 : vector<1x16xf32> to vector<16xf32>
      %swap3A_81 = vector.shape_cast %broadcast_in_dim3A_1 : vector<16xf32> to vector<1x16xf32>
      tpu.vector_store %arg11[%swap3A_77, %swap3A_78], %swap3A_81 {strides = array<i32>} : memref<104x128xf32, #tpu.memory_space<vmem>>, vector<1x16xf32>,
      %swap3A_82 = arith.index_cast %scan3A_67 : i32 to index
      %swap3A_83 = arith.constant 48 : index
      %swap3A_84 = tpu.vector_load %arg11[%swap3A_82, %swap3A_83] {strides = array<i32>} : memref<104x128xf32, #tpu.memory_space<vmem>>, vector<1x16xf32>,
      %swap3A_85 = vector.shape_cast %swap3A_84 : vector<1x16xf32> to vector<16xf32>
      %swap3A_86 = vector.shape_cast %broadcast_in_dim3A_1 : vector<16xf32> to vector<1x16xf32>
      tpu.vector_store %arg11[%swap3A_82, %swap3A_83], %swap3A_86 {strides = array<i32>} : memref<104x128xf32, #tpu.memory_space<vmem>>, vector<1x16xf32>,
      %swap3A_87 = arith.index_cast %scan3A_67 : i32 to index
      %swap3A_88 = arith.constant 64 : index
      %swap3A_89 = tpu.vector_load %arg11[%swap3A_87, %swap3A_88] {strides = array<i32>} : memref<104x128xf32, #tpu.memory_space<vmem>>, vector<1x16xf32>,
      %swap3A_90 = vector.shape_cast %swap3A_89 : vector<1x16xf32> to vector<16xf32>
      %swap3A_91 = vector.shape_cast %broadcast_in_dim3A_1 : vector<16xf32> to vector<1x16xf32>
      tpu.vector_store %arg11[%swap3A_87, %swap3A_88], %swap3A_91 {strides = array<i32>} : memref<104x128xf32, #tpu.memory_space<vmem>>, vector<1x16xf32>,
      %swap3A_92 = arith.index_cast %scan3A_67 : i32 to index
      %swap3A_93 = arith.constant 80 : index
      %swap3A_94 = tpu.vector_load %arg11[%swap3A_92, %swap3A_93] {strides = array<i32>} : memref<104x128xf32, #tpu.memory_space<vmem>>, vector<1x16xf32>,
      %swap3A_95 = vector.shape_cast %swap3A_94 : vector<1x16xf32> to vector<16xf32>
      %swap3A_96 = vector.shape_cast %broadcast_in_dim3A_1 : vector<16xf32> to vector<1x16xf32>
      tpu.vector_store %arg11[%swap3A_92, %swap3A_93], %swap3A_96 {strides = array<i32>} : memref<104x128xf32, #tpu.memory_space<vmem>>, vector<1x16xf32>,
      %swap3A_97 = arith.index_cast %scan3A_67 : i32 to index
      %swap3A_98 = arith.constant 96 : index
      %swap3A_99 = tpu.vector_load %arg11[%swap3A_97, %swap3A_98] {strides = array<i32>} : memref<104x128xf32, #tpu.memory_space<vmem>>, vector<1x16xf32>,
      %swap3A_100 = vector.shape_cast %swap3A_99 : vector<1x16xf32> to vector<16xf32>
      %swap3A_101 = vector.shape_cast %broadcast_in_dim3A_1 : vector<16xf32> to vector<1x16xf32>
      tpu.vector_store %arg11[%swap3A_97, %swap3A_98], %swap3A_101 {strides = array<i32>} : memref<104x128xf32, #tpu.memory_space<vmem>>, vector<1x16xf32>,
      %swap3A_102 = arith.index_cast %scan3A_67 : i32 to index
      %swap3A_103 = arith.constant 112 : index
      %swap3A_104 = tpu.vector_load %arg11[%swap3A_102, %swap3A_103] {strides = array<i32>} : memref<104x128xf32, #tpu.memory_space<vmem>>, vector<1x16xf32>,
      %swap3A_105 = vector.shape_cast %swap3A_104 : vector<1x16xf32> to vector<16xf32>
      %swap3A_106 = vector.shape_cast %broadcast_in_dim3A_1 : vector<16xf32> to vector<1x16xf32>
      tpu.vector_store %arg11[%swap3A_102, %swap3A_103], %swap3A_106 {strides = array<i32>} : memref<104x128xf32, #tpu.memory_space<vmem>>, vector<1x16xf32>,
    }
    %scan3A_6 = arith.constant 104 : i32
    %mul3A_7 = arith.constant 624 : i32
    %mul3A_8 = arith.muli %arg1, %mul3A_7 : i32
    %scan3A_9 = arith.constant 0 : i32
    %scan3A_10 = arith.constant 0 : i32
    %scan3A_11 = arith.constant 6 : i32
    %scan3A_12 = arith.addi %scan3A_10, %scan3A_11 : i32
    %scan3A_13 = arith.constant 1 : i32
    scf.for %scan3A_67 = %scan3A_10 to %scan3A_12 step %scan3A_13  : i32 {
      %mul3A_68 = arith.constant 104 : i32
      %mul3A_69 = arith.muli %scan3A_67, %mul3A_68 : i32
      %add3A_70 = arith.addi %mul3A_8, %mul3A_69 : i32
      "tpu.region"() ({
        %run_scoped3A_71 = tpu.sem_alloc : memref<!tpu.dma_semaphore, #tpu.memory_space<semaphore_mem>>
        %dma_start3A_72 = arith.constant 0 : i32
        %dma_start3A_73 = tpu.memref_slice %arg12[%add3A_70, %dma_start3A_72] : memref<10016x128xf32, #tpu.memory_space<vmem_shared>> -> memref<104x128xf32, #tpu.memory_space<vmem_shared>>
        %dma_start3A_74 = arith.constant 0 : i32
        %dma_start3A_75 = tpu.memref_slice %arg12[%add3A_70, %dma_start3A_74] : memref<10016x128xf32, #tpu.memory_space<vmem_shared>> -> memref<104x128xf32, #tpu.memory_space<vmem_shared>>
        tpu.enqueue_dma source(%arg11 : memref<104x128xf32, #tpu.memory_space<vmem>>) target(%dma_start3A_75 : memref<104x128xf32, #tpu.memory_space<vmem_shared>>) target_semaphore(%run_scoped3A_71 : memref<!tpu.dma_semaphore, #tpu.memory_space<semaphore_mem>>)
        %dma_wait3A = arith.constant 0 : i32
        %dma_wait3A_76 = tpu.memref_slice %arg12[%add3A_70, %dma_wait3A] : memref<10016x128xf32, #tpu.memory_space<vmem_shared>> -> memref<104x128xf32, #tpu.memory_space<vmem_shared>>
        %dma_wait3A_77 = arith.constant 0 : i32
        %dma_wait3A_78 = tpu.memref_slice %arg12[%add3A_70, %dma_wait3A_77] : memref<10016x128xf32, #tpu.memory_space<vmem_shared>> -> memref<104x128xf32, #tpu.memory_space<vmem_shared>>
        tpu.wait_dma2 semaphore(%run_scoped3A_71 : memref<!tpu.dma_semaphore, #tpu.memory_space<semaphore_mem>>) src(%arg11 : memref<104x128xf32, #tpu.memory_space<vmem>>) dst(%dma_wait3A_78 : memref<104x128xf32, #tpu.memory_space<vmem_shared>>)
        tpu.yield
      }) : () -> ()
    }
    %scan3A_14 = arith.constant 6 : i32
    %eq3A = arith.constant 15 : i32
    %eq3A_15 = arith.cmpi eq, %arg1, %eq3A : i32
    %convert_element_type3A = arith.extui %eq3A_15 : i1 to i32
    %cond3A = arith.constant 0 : i32
    %cond3A_16 = arith.cmpi ne, %convert_element_type3A, %cond3A : i32
    scf.if %cond3A_16 {
      %add3A_67 = arith.constant 624 : i32
      %add3A_68 = arith.addi %mul3A_8, %add3A_67 : i32
      "tpu.region"() ({
        %run_scoped3A_69 = tpu.sem_alloc : memref<!tpu.dma_semaphore, #tpu.memory_space<semaphore_mem>>
        %dma_start3A_70 = arith.constant 0 : i32
        %dma_start3A_71 = arith.constant 0 : i32
        %dma_start3A_72 = tpu.memref_slice %arg11[%dma_start3A_70, %dma_start3A_71] : memref<104x128xf32, #tpu.memory_space<vmem>> -> memref<32x128xf32, #tpu.memory_space<vmem>>
        %dma_start3A_73 = arith.constant 0 : i32
        %dma_start3A_74 = tpu.memref_slice %arg12[%add3A_68, %dma_start3A_73] : memref<10016x128xf32, #tpu.memory_space<vmem_shared>> -> memref<32x128xf32, #tpu.memory_space<vmem_shared>>
        %dma_start3A_75 = arith.constant 0 : i32
        %dma_start3A_76 = tpu.memref_slice %arg12[%add3A_68, %dma_start3A_75] : memref<10016x128xf32, #tpu.memory_space<vmem_shared>> -> memref<32x128xf32, #tpu.memory_space<vmem_shared>>
        %dma_start3A_77 = arith.constant 0 : i32
        %dma_start3A_78 = arith.constant 0 : i32
        %dma_start3A_79 = tpu.memref_slice %arg11[%dma_start3A_77, %dma_start3A_78] : memref<104x128xf32, #tpu.memory_space<vmem>> -> memref<32x128xf32, #tpu.memory_space<vmem>>
        tpu.enqueue_dma source(%dma_start3A_79 : memref<32x128xf32, #tpu.memory_space<vmem>>) target(%dma_start3A_76 : memref<32x128xf32, #tpu.memory_space<vmem_shared>>) target_semaphore(%run_scoped3A_69 : memref<!tpu.dma_semaphore, #tpu.memory_space<semaphore_mem>>)
        %dma_wait3A = arith.constant 0 : i32
        %dma_wait3A_80 = arith.constant 0 : i32
        %dma_wait3A_81 = tpu.memref_slice %arg11[%dma_wait3A, %dma_wait3A_80] : memref<104x128xf32, #tpu.memory_space<vmem>> -> memref<32x128xf32, #tpu.memory_space<vmem>>
        %dma_wait3A_82 = arith.constant 0 : i32
        %dma_wait3A_83 = tpu.memref_slice %arg12[%add3A_68, %dma_wait3A_82] : memref<10016x128xf32, #tpu.memory_space<vmem_shared>> -> memref<32x128xf32, #tpu.memory_space<vmem_shared>>
        %dma_wait3A_84 = arith.constant 0 : i32
        %dma_wait3A_85 = tpu.memref_slice %arg12[%add3A_68, %dma_wait3A_84] : memref<10016x128xf32, #tpu.memory_space<vmem_shared>> -> memref<32x128xf32, #tpu.memory_space<vmem_shared>>
        %dma_wait3A_86 = arith.constant 0 : i32
        %dma_wait3A_87 = arith.constant 0 : i32
        %dma_wait3A_88 = tpu.memref_slice %arg11[%dma_wait3A_86, %dma_wait3A_87] : memref<104x128xf32, #tpu.memory_space<vmem>> -> memref<32x128xf32, #tpu.memory_space<vmem>>
        tpu.wait_dma2 semaphore(%run_scoped3A_69 : memref<!tpu.dma_semaphore, #tpu.memory_space<semaphore_mem>>) src(%dma_wait3A_88 : memref<32x128xf32, #tpu.memory_space<vmem>>) dst(%dma_wait3A_85 : memref<32x128xf32, #tpu.memory_space<vmem_shared>>)
        tpu.yield
      }) : () -> ()
    } else {
    }
    %barrier3A = arith.constant 0 : index
    tpu.barrier barrier_id(%barrier3A)
    %run_scoped3A = arith.constant 0 : i32
    "tpu.region"() ({
      %run_scoped3A_67 = tpu.sem_alloc : memref<!tpu.dma_semaphore, #tpu.memory_space<semaphore_mem>>
      %dma_start3A_68 = arith.constant 0 : i32
      %dma_start3A_69 = tpu.memref_slice %arg3[%add3A, %run_scoped3A, %dma_start3A_68] : memref<32x79x256xi32, #tpu.memory_space<hbm>> -> memref<1x1x256xi32, #tpu.memory_space<hbm>>
      %dma_start3A_70 = tpu.memref_squeeze %dma_start3A_69 : memref<1x1x256xi32, #tpu.memory_space<hbm>> -> memref<256xi32, #tpu.memory_space<hbm>>
      %dma_start3A_71 = arith.constant 0 : i32
      %dma_start3A_72 = tpu.memref_slice %arg3[%add3A, %run_scoped3A, %dma_start3A_71] : memref<32x79x256xi32, #tpu.memory_space<hbm>> -> memref<1x1x256xi32, #tpu.memory_space<hbm>>
      %dma_start3A_73 = tpu.memref_squeeze %dma_start3A_72 : memref<1x1x256xi32, #tpu.memory_space<hbm>> -> memref<256xi32, #tpu.memory_space<hbm>>
      tpu.enqueue_dma source(%dma_start3A_73 : memref<256xi32, #tpu.memory_space<hbm>>) target(%arg5 : memref<256xi32, #tpu.memory_space<vmem>>) target_semaphore(%run_scoped3A_67 : memref<!tpu.dma_semaphore, #tpu.memory_space<semaphore_mem>>)
      %dma_wait3A = arith.constant 0 : i32
      %dma_wait3A_74 = tpu.memref_slice %arg3[%add3A, %run_scoped3A, %dma_wait3A] : memref<32x79x256xi32, #tpu.memory_space<hbm>> -> memref<1x1x256xi32, #tpu.memory_space<hbm>>
      %dma_wait3A_75 = tpu.memref_squeeze %dma_wait3A_74 : memref<1x1x256xi32, #tpu.memory_space<hbm>> -> memref<256xi32, #tpu.memory_space<hbm>>
      %dma_wait3A_76 = arith.constant 0 : i32
      %dma_wait3A_77 = tpu.memref_slice %arg3[%add3A, %run_scoped3A, %dma_wait3A_76] : memref<32x79x256xi32, #tpu.memory_space<hbm>> -> memref<1x1x256xi32, #tpu.memory_space<hbm>>
      %dma_wait3A_78 = tpu.memref_squeeze %dma_wait3A_77 : memref<1x1x256xi32, #tpu.memory_space<hbm>> -> memref<256xi32, #tpu.memory_space<hbm>>
      tpu.wait_dma2 semaphore(%run_scoped3A_67 : memref<!tpu.dma_semaphore, #tpu.memory_space<semaphore_mem>>) src(%dma_wait3A_78 : memref<256xi32, #tpu.memory_space<hbm>>) dst(%arg5 : memref<256xi32, #tpu.memory_space<vmem>>)
      tpu.yield
    }) : () -> ()
    %dma_start3A = arith.constant 0 : i32
    %dma_start3A_17 = tpu.memref_slice %arg5[%dma_start3A] : memref<256xi32, #tpu.memory_space<vmem>> -> memref<128xi32, #tpu.memory_space<vmem>>
    %dma_start3A_18 = arith.constant 0 : i32
    %dma_start3A_19 = arith.constant 0 : i32
    %dma_start3A_20 = tpu.memref_slice %arg2[%dma_start3A_18, %dma_start3A_19] : memref<10000x128xf32, #tpu.memory_space<hbm>> -> memref<10000x128xf32, #tpu.memory_space<hbm>>
    tpu.enqueue_indirect_dma source(%dma_start3A_20 : memref<10000x128xf32, #tpu.memory_space<hbm>>) target(%arg9 : memref<128x128xf32, #tpu.memory_space<vmem>>) offsets(%dma_start3A_17 : memref<128xi32, #tpu.memory_space<vmem>>) semaphore(%arg17 : memref<!tpu.dma_semaphore, #tpu.memory_space<semaphore_mem>>)
    %run_scoped3A_21 = arith.constant 1 : i32
    "tpu.region"() ({
      %run_scoped3A_67 = tpu.sem_alloc : memref<!tpu.dma_semaphore, #tpu.memory_space<semaphore_mem>>
      %dma_start3A_68 = arith.constant 0 : i32
      %dma_start3A_69 = tpu.memref_slice %arg3[%add3A, %run_scoped3A_21, %dma_start3A_68] : memref<32x79x256xi32, #tpu.memory_space<hbm>> -> memref<1x1x256xi32, #tpu.memory_space<hbm>>
      %dma_start3A_70 = tpu.memref_squeeze %dma_start3A_69 : memref<1x1x256xi32, #tpu.memory_space<hbm>> -> memref<256xi32, #tpu.memory_space<hbm>>
      %dma_start3A_71 = arith.constant 0 : i32
      %dma_start3A_72 = tpu.memref_slice %arg3[%add3A, %run_scoped3A_21, %dma_start3A_71] : memref<32x79x256xi32, #tpu.memory_space<hbm>> -> memref<1x1x256xi32, #tpu.memory_space<hbm>>
      %dma_start3A_73 = tpu.memref_squeeze %dma_start3A_72 : memref<1x1x256xi32, #tpu.memory_space<hbm>> -> memref<256xi32, #tpu.memory_space<hbm>>
      tpu.enqueue_dma source(%dma_start3A_73 : memref<256xi32, #tpu.memory_space<hbm>>) target(%arg6 : memref<256xi32, #tpu.memory_space<vmem>>) target_semaphore(%run_scoped3A_67 : memref<!tpu.dma_semaphore, #tpu.memory_space<semaphore_mem>>)
      %dma_wait3A = arith.constant 0 : i32
      %dma_wait3A_74 = tpu.memref_slice %arg3[%add3A, %run_scoped3A_21, %dma_wait3A] : memref<32x79x256xi32, #tpu.memory_space<hbm>> -> memref<1x1x256xi32, #tpu.memory_space<hbm>>
      %dma_wait3A_75 = tpu.memref_squeeze %dma_wait3A_74 : memref<1x1x256xi32, #tpu.memory_space<hbm>> -> memref<256xi32, #tpu.memory_space<hbm>>
      %dma_wait3A_76 = arith.constant 0 : i32
      %dma_wait3A_77 = tpu.memref_slice %arg3[%add3A, %run_scoped3A_21, %dma_wait3A_76] : memref<32x79x256xi32, #tpu.memory_space<hbm>> -> memref<1x1x256xi32, #tpu.memory_space<hbm>>
      %dma_wait3A_78 = tpu.memref_squeeze %dma_wait3A_77 : memref<1x1x256xi32, #tpu.memory_space<hbm>> -> memref<256xi32, #tpu.memory_space<hbm>>
      tpu.wait_dma2 semaphore(%run_scoped3A_67 : memref<!tpu.dma_semaphore, #tpu.memory_space<semaphore_mem>>) src(%dma_wait3A_78 : memref<256xi32, #tpu.memory_space<hbm>>) dst(%arg6 : memref<256xi32, #tpu.memory_space<vmem>>)
      tpu.yield
    }) : () -> ()
    %dma_start3A_22 = arith.constant 0 : i32
    %dma_start3A_23 = tpu.memref_slice %arg6[%dma_start3A_22] : memref<256xi32, #tpu.memory_space<vmem>> -> memref<128xi32, #tpu.memory_space<vmem>>
    %dma_start3A_24 = arith.constant 0 : i32
    %dma_start3A_25 = arith.constant 0 : i32
    %dma_start3A_26 = tpu.memref_slice %arg2[%dma_start3A_24, %dma_start3A_25] : memref<10000x128xf32, #tpu.memory_space<hbm>> -> memref<10000x128xf32, #tpu.memory_space<hbm>>
    tpu.enqueue_indirect_dma source(%dma_start3A_26 : memref<10000x128xf32, #tpu.memory_space<hbm>>) target(%arg10 : memref<128x128xf32, #tpu.memory_space<vmem>>) offsets(%dma_start3A_23 : memref<128xi32, #tpu.memory_space<vmem>>) semaphore(%arg18 : memref<!tpu.dma_semaphore, #tpu.memory_space<semaphore_mem>>)
    %dma_start3A_27 = arith.constant 2 : i32
    %dma_start3A_28 = arith.constant 0 : i32
    %dma_start3A_29 = tpu.memref_slice %arg3[%add3A, %dma_start3A_27, %dma_start3A_28] : memref<32x79x256xi32, #tpu.memory_space<hbm>> -> memref<1x1x256xi32, #tpu.memory_space<hbm>>
    %dma_start3A_30 = tpu.memref_squeeze %dma_start3A_29 : memref<1x1x256xi32, #tpu.memory_space<hbm>> -> memref<256xi32, #tpu.memory_space<hbm>>
    %dma_start3A_31 = arith.constant 0 : i32
    %dma_start3A_32 = tpu.memref_slice %arg3[%add3A, %dma_start3A_27, %dma_start3A_31] : memref<32x79x256xi32, #tpu.memory_space<hbm>> -> memref<1x1x256xi32, #tpu.memory_space<hbm>>
    %dma_start3A_33 = tpu.memref_squeeze %dma_start3A_32 : memref<1x1x256xi32, #tpu.memory_space<hbm>> -> memref<256xi32, #tpu.memory_space<hbm>>
    tpu.enqueue_dma source(%dma_start3A_33 : memref<256xi32, #tpu.memory_space<hbm>>) target(%arg7 : memref<256xi32, #tpu.memory_space<vmem>>) target_semaphore(%arg15 : memref<!tpu.dma_semaphore, #tpu.memory_space<semaphore_mem>>)
    %dma_start3A_34 = arith.constant 3 : i32
    %dma_start3A_35 = arith.constant 0 : i32
    %dma_start3A_36 = tpu.memref_slice %arg3[%add3A, %dma_start3A_34, %dma_start3A_35] : memref<32x79x256xi32, #tpu.memory_space<hbm>> -> memref<1x1x256xi32, #tpu.memory_space<hbm>>
    %dma_start3A_37 = tpu.memref_squeeze %dma_start3A_36 : memref<1x1x256xi32, #tpu.memory_space<hbm>> -> memref<256xi32, #tpu.memory_space<hbm>>
    %dma_start3A_38 = arith.constant 0 : i32
    %dma_start3A_39 = tpu.memref_slice %arg3[%add3A, %dma_start3A_34, %dma_start3A_38] : memref<32x79x256xi32, #tpu.memory_space<hbm>> -> memref<1x1x256xi32, #tpu.memory_space<hbm>>
    %dma_start3A_40 = tpu.memref_squeeze %dma_start3A_39 : memref<1x1x256xi32, #tpu.memory_space<hbm>> -> memref<256xi32, #tpu.memory_space<hbm>>
    tpu.enqueue_dma source(%dma_start3A_40 : memref<256xi32, #tpu.memory_space<hbm>>) target(%arg8 : memref<256xi32, #tpu.memory_space<vmem>>) target_semaphore(%arg16 : memref<!tpu.dma_semaphore, #tpu.memory_space<semaphore_mem>>)
    %scan3A_41 = arith.constant 0 : i32
    %scan3A_42 = arith.constant 0 : i32
    %scan3A_43 = arith.constant 79 : i32
    %scan3A_44 = arith.addi %scan3A_42, %scan3A_43 : i32
    %scan3A_45 = arith.constant 1 : i32
    scf.for %scan3A_67 = %scan3A_42 to %scan3A_44 step %scan3A_45  : i32 {
      %rem3A = arith.constant 4 : i32
      %rem3A_68 = arith.remsi %scan3A_67, %rem3A : i32
      %eq3A_69 = arith.constant 0 : i32
      %eq3A_70 = arith.cmpi eq, %rem3A_68, %eq3A_69 : i32
      %convert_element_type3A_71 = arith.extui %eq3A_70 : i1 to i32
      %cond3A_72 = arith.constant 0 : i32
      %cond3A_73 = arith.cmpi ne, %convert_element_type3A_71, %cond3A_72 : i32
      scf.if %cond3A_73 {
        %dma_wait3A = arith.constant 0 : i32
        %dma_wait3A_95 = tpu.memref_slice %arg5[%dma_wait3A] : memref<256xi32, #tpu.memory_space<vmem>> -> memref<128xi32, #tpu.memory_space<vmem>>
        %dma_wait3A_96 = arith.constant 0 : i32
        %dma_wait3A_97 = arith.constant 0 : i32
        %dma_wait3A_98 = tpu.memref_slice %arg2[%dma_wait3A_96, %dma_wait3A_97] : memref<10000x128xf32, #tpu.memory_space<hbm>> -> memref<10000x128xf32, #tpu.memory_space<hbm>>
        tpu.wait_indirect_dma semaphore(%arg17 : memref<!tpu.dma_semaphore, #tpu.memory_space<semaphore_mem>>) src(%dma_wait3A_98 : memref<10000x128xf32, #tpu.memory_space<hbm>>) dst(%arg9 : memref<128x128xf32, #tpu.memory_space<vmem>>)
        "tpu.region"() ({
          %run_scoped3A_112 = tpu.sem_alloc : memref<!tpu.dma_semaphore, #tpu.memory_space<semaphore_mem>>
          %dma_start3A_113 = arith.constant 128 : i32
          %dma_start3A_114 = tpu.memref_slice %arg5[%dma_start3A_113] : memref<256xi32, #tpu.memory_space<vmem>> -> memref<128xi32, #tpu.memory_space<vmem>>
          %dma_start3A_115 = arith.constant 0 : i32
          %dma_start3A_116 = arith.constant 0 : i32
          %dma_start3A_117 = tpu.memref_slice %arg12[%dma_start3A_115, %dma_start3A_116] : memref<10016x128xf32, #tpu.memory_space<vmem_shared>> -> memref<10016x128xf32, #tpu.memory_space<vmem_shared>>
          tpu.enqueue_indirect_dma source(%arg9 : memref<128x128xf32, #tpu.memory_space<vmem>>) target(%dma_start3A_117 : memref<10016x128xf32, #tpu.memory_space<vmem_shared>>) offsets(%dma_start3A_114 : memref<128xi32, #tpu.memory_space<vmem>>) semaphore(%run_scoped3A_112 : memref<!tpu.dma_semaphore, #tpu.memory_space<semaphore_mem>>) {add = true}
          %dma_wait3A_118 = arith.constant 128 : i32
          %dma_wait3A_119 = tpu.memref_slice %arg5[%dma_wait3A_118] : memref<256xi32, #tpu.memory_space<vmem>> -> memref<128xi32, #tpu.memory_space<vmem>>
          %dma_wait3A_120 = arith.constant 0 : i32
          %dma_wait3A_121 = arith.constant 0 : i32
          %dma_wait3A_122 = tpu.memref_slice %arg12[%dma_wait3A_120, %dma_wait3A_121] : memref<10016x128xf32, #tpu.memory_space<vmem_shared>> -> memref<10016x128xf32, #tpu.memory_space<vmem_shared>>
          tpu.wait_indirect_dma semaphore(%run_scoped3A_112 : memref<!tpu.dma_semaphore, #tpu.memory_space<semaphore_mem>>) src(%arg9 : memref<128x128xf32, #tpu.memory_space<vmem>>) dst(%dma_wait3A_122 : memref<10016x128xf32, #tpu.memory_space<vmem_shared>>)
          tpu.yield
        }) : () -> ()
        %add3A_99 = arith.constant 2 : i32
        %add3A_100 = arith.addi %scan3A_67, %add3A_99 : i32
        %lt3A = arith.constant 79 : i32
        %lt3A_101 = arith.cmpi slt, %add3A_100, %lt3A : i32
        %convert_element_type3A_102 = arith.extui %lt3A_101 : i1 to i32
        %cond3A_103 = arith.constant 0 : i32
        %cond3A_104 = arith.cmpi ne, %convert_element_type3A_102, %cond3A_103 : i32
        scf.if %cond3A_104 {
          %add3A_112 = arith.constant 2 : i32
          %add3A_113 = arith.addi %scan3A_67, %add3A_112 : i32
          %dma_wait3A_114 = arith.constant 0 : i32
          %dma_wait3A_115 = tpu.memref_slice %arg3[%add3A, %add3A_113, %dma_wait3A_114] : memref<32x79x256xi32, #tpu.memory_space<hbm>> -> memref<1x1x256xi32, #tpu.memory_space<hbm>>
          %dma_wait3A_116 = tpu.memref_squeeze %dma_wait3A_115 : memref<1x1x256xi32, #tpu.memory_space<hbm>> -> memref<256xi32, #tpu.memory_space<hbm>>
          %dma_wait3A_117 = arith.constant 0 : i32
          %dma_wait3A_118 = tpu.memref_slice %arg3[%add3A, %add3A_113, %dma_wait3A_117] : memref<32x79x256xi32, #tpu.memory_space<hbm>> -> memref<1x1x256xi32, #tpu.memory_space<hbm>>
          %dma_wait3A_119 = tpu.memref_squeeze %dma_wait3A_118 : memref<1x1x256xi32, #tpu.memory_space<hbm>> -> memref<256xi32, #tpu.memory_space<hbm>>
          tpu.wait_dma2 semaphore(%arg15 : memref<!tpu.dma_semaphore, #tpu.memory_space<semaphore_mem>>) src(%dma_wait3A_119 : memref<256xi32, #tpu.memory_space<hbm>>) dst(%arg7 : memref<256xi32, #tpu.memory_space<vmem>>)
          %dma_start3A_120 = arith.constant 0 : i32
          %dma_start3A_121 = tpu.memref_slice %arg7[%dma_start3A_120] : memref<256xi32, #tpu.memory_space<vmem>> -> memref<128xi32, #tpu.memory_space<vmem>>
          %dma_start3A_122 = arith.constant 0 : i32
          %dma_start3A_123 = arith.constant 0 : i32
          %dma_start3A_124 = tpu.memref_slice %arg2[%dma_start3A_122, %dma_start3A_123] : memref<10000x128xf32, #tpu.memory_space<hbm>> -> memref<10000x128xf32, #tpu.memory_space<hbm>>
          tpu.enqueue_indirect_dma source(%dma_start3A_124 : memref<10000x128xf32, #tpu.memory_space<hbm>>) target(%arg9 : memref<128x128xf32, #tpu.memory_space<vmem>>) offsets(%dma_start3A_121 : memref<128xi32, #tpu.memory_space<vmem>>) semaphore(%arg17 : memref<!tpu.dma_semaphore, #tpu.memory_space<semaphore_mem>>)
        } else {
        }
        %add3A_105 = arith.constant 4 : i32
        %add3A_106 = arith.addi %scan3A_67, %add3A_105 : i32
        %lt3A_107 = arith.constant 79 : i32
        %lt3A_108 = arith.cmpi slt, %add3A_106, %lt3A_107 : i32
        %convert_element_type3A_109 = arith.extui %lt3A_108 : i1 to i32
        %cond3A_110 = arith.constant 0 : i32
        %cond3A_111 = arith.cmpi ne, %convert_element_type3A_109, %cond3A_110 : i32
        scf.if %cond3A_111 {
          %add3A_112 = arith.constant 4 : i32
          %add3A_113 = arith.addi %scan3A_67, %add3A_112 : i32
          %dma_start3A_114 = arith.constant 0 : i32
          %dma_start3A_115 = tpu.memref_slice %arg3[%add3A, %add3A_113, %dma_start3A_114] : memref<32x79x256xi32, #tpu.memory_space<hbm>> -> memref<1x1x256xi32, #tpu.memory_space<hbm>>
          %dma_start3A_116 = tpu.memref_squeeze %dma_start3A_115 : memref<1x1x256xi32, #tpu.memory_space<hbm>> -> memref<256xi32, #tpu.memory_space<hbm>>
          %dma_start3A_117 = arith.constant 0 : i32
          %dma_start3A_118 = tpu.memref_slice %arg3[%add3A, %add3A_113, %dma_start3A_117] : memref<32x79x256xi32, #tpu.memory_space<hbm>> -> memref<1x1x256xi32, #tpu.memory_space<hbm>>
          %dma_start3A_119 = tpu.memref_squeeze %dma_start3A_118 : memref<1x1x256xi32, #tpu.memory_space<hbm>> -> memref<256xi32, #tpu.memory_space<hbm>>
          tpu.enqueue_dma source(%dma_start3A_119 : memref<256xi32, #tpu.memory_space<hbm>>) target(%arg5 : memref<256xi32, #tpu.memory_space<vmem>>) target_semaphore(%arg13 : memref<!tpu.dma_semaphore, #tpu.memory_space<semaphore_mem>>)
        } else {
        }
      } else {
      }
      %rem3A_74 = arith.constant 4 : i32
      %rem3A_75 = arith.remsi %scan3A_67, %rem3A_74 : i32
      %eq3A_76 = arith.constant 1 : i32
      %eq3A_77 = arith.cmpi eq, %rem3A_75, %eq3A_76 : i32
      %convert_element_type3A_78 = arith.extui %eq3A_77 : i1 to i32
      %cond3A_79 = arith.constant 0 : i32
      %cond3A_80 = arith.cmpi ne, %convert_element_type3A_78, %cond3A_79 : i32
      scf.if %cond3A_80 {
        %dma_wait3A = arith.constant 0 : i32
        %dma_wait3A_95 = tpu.memref_slice %arg6[%dma_wait3A] : memref<256xi32, #tpu.memory_space<vmem>> -> memref<128xi32, #tpu.memory_space<vmem>>
        %dma_wait3A_96 = arith.constant 0 : i32
        %dma_wait3A_97 = arith.constant 0 : i32
        %dma_wait3A_98 = tpu.memref_slice %arg2[%dma_wait3A_96, %dma_wait3A_97] : memref<10000x128xf32, #tpu.memory_space<hbm>> -> memref<10000x128xf32, #tpu.memory_space<hbm>>
        tpu.wait_indirect_dma semaphore(%arg18 : memref<!tpu.dma_semaphore, #tpu.memory_space<semaphore_mem>>) src(%dma_wait3A_98 : memref<10000x128xf32, #tpu.memory_space<hbm>>) dst(%arg10 : memref<128x128xf32, #tpu.memory_space<vmem>>)
        "tpu.region"() ({
          %run_scoped3A_112 = tpu.sem_alloc : memref<!tpu.dma_semaphore, #tpu.memory_space<semaphore_mem>>
          %dma_start3A_113 = arith.constant 128 : i32
          %dma_start3A_114 = tpu.memref_slice %arg6[%dma_start3A_113] : memref<256xi32, #tpu.memory_space<vmem>> -> memref<128xi32, #tpu.memory_space<vmem>>
          %dma_start3A_115 = arith.constant 0 : i32
          %dma_start3A_116 = arith.constant 0 : i32
          %dma_start3A_117 = tpu.memref_slice %arg12[%dma_start3A_115, %dma_start3A_116] : memref<10016x128xf32, #tpu.memory_space<vmem_shared>> -> memref<10016x128xf32, #tpu.memory_space<vmem_shared>>
          tpu.enqueue_indirect_dma source(%arg10 : memref<128x128xf32, #tpu.memory_space<vmem>>) target(%dma_start3A_117 : memref<10016x128xf32, #tpu.memory_space<vmem_shared>>) offsets(%dma_start3A_114 : memref<128xi32, #tpu.memory_space<vmem>>) semaphore(%run_scoped3A_112 : memref<!tpu.dma_semaphore, #tpu.memory_space<semaphore_mem>>) {add = true}
          %dma_wait3A_118 = arith.constant 128 : i32
          %dma_wait3A_119 = tpu.memref_slice %arg6[%dma_wait3A_118] : memref<256xi32, #tpu.memory_space<vmem>> -> memref<128xi32, #tpu.memory_space<vmem>>
          %dma_wait3A_120 = arith.constant 0 : i32
          %dma_wait3A_121 = arith.constant 0 : i32
          %dma_wait3A_122 = tpu.memref_slice %arg12[%dma_wait3A_120, %dma_wait3A_121] : memref<10016x128xf32, #tpu.memory_space<vmem_shared>> -> memref<10016x128xf32, #tpu.memory_space<vmem_shared>>
          tpu.wait_indirect_dma semaphore(%run_scoped3A_112 : memref<!tpu.dma_semaphore, #tpu.memory_space<semaphore_mem>>) src(%arg10 : memref<128x128xf32, #tpu.memory_space<vmem>>) dst(%dma_wait3A_122 : memref<10016x128xf32, #tpu.memory_space<vmem_shared>>)
          tpu.yield
        }) : () -> ()
        %add3A_99 = arith.constant 2 : i32
        %add3A_100 = arith.addi %scan3A_67, %add3A_99 : i32
        %lt3A = arith.constant 79 : i32
        %lt3A_101 = arith.cmpi slt, %add3A_100, %lt3A : i32
        %convert_element_type3A_102 = arith.extui %lt3A_101 : i1 to i32
        %cond3A_103 = arith.constant 0 : i32
        %cond3A_104 = arith.cmpi ne, %convert_element_type3A_102, %cond3A_103 : i32
        scf.if %cond3A_104 {
          %add3A_112 = arith.constant 2 : i32
          %add3A_113 = arith.addi %scan3A_67, %add3A_112 : i32
          %dma_wait3A_114 = arith.constant 0 : i32
          %dma_wait3A_115 = tpu.memref_slice %arg3[%add3A, %add3A_113, %dma_wait3A_114] : memref<32x79x256xi32, #tpu.memory_space<hbm>> -> memref<1x1x256xi32, #tpu.memory_space<hbm>>
          %dma_wait3A_116 = tpu.memref_squeeze %dma_wait3A_115 : memref<1x1x256xi32, #tpu.memory_space<hbm>> -> memref<256xi32, #tpu.memory_space<hbm>>
          %dma_wait3A_117 = arith.constant 0 : i32
          %dma_wait3A_118 = tpu.memref_slice %arg3[%add3A, %add3A_113, %dma_wait3A_117] : memref<32x79x256xi32, #tpu.memory_space<hbm>> -> memref<1x1x256xi32, #tpu.memory_space<hbm>>
          %dma_wait3A_119 = tpu.memref_squeeze %dma_wait3A_118 : memref<1x1x256xi32, #tpu.memory_space<hbm>> -> memref<256xi32, #tpu.memory_space<hbm>>
          tpu.wait_dma2 semaphore(%arg16 : memref<!tpu.dma_semaphore, #tpu.memory_space<semaphore_mem>>) src(%dma_wait3A_119 : memref<256xi32, #tpu.memory_space<hbm>>) dst(%arg8 : memref<256xi32, #tpu.memory_space<vmem>>)
          %dma_start3A_120 = arith.constant 0 : i32
          %dma_start3A_121 = tpu.memref_slice %arg8[%dma_start3A_120] : memref<256xi32, #tpu.memory_space<vmem>> -> memref<128xi32, #tpu.memory_space<vmem>>
          %dma_start3A_122 = arith.constant 0 : i32
          %dma_start3A_123 = arith.constant 0 : i32
          %dma_start3A_124 = tpu.memref_slice %arg2[%dma_start3A_122, %dma_start3A_123] : memref<10000x128xf32, #tpu.memory_space<hbm>> -> memref<10000x128xf32, #tpu.memory_space<hbm>>
          tpu.enqueue_indirect_dma source(%dma_start3A_124 : memref<10000x128xf32, #tpu.memory_space<hbm>>) target(%arg10 : memref<128x128xf32, #tpu.memory_space<vmem>>) offsets(%dma_start3A_121 : memref<128xi32, #tpu.memory_space<vmem>>) semaphore(%arg18 : memref<!tpu.dma_semaphore, #tpu.memory_space<semaphore_mem>>)
        } else {
        }
        %add3A_105 = arith.constant 4 : i32
        %add3A_106 = arith.addi %scan3A_67, %add3A_105 : i32
        %lt3A_107 = arith.constant 79 : i32
        %lt3A_108 = arith.cmpi slt, %add3A_106, %lt3A_107 : i32
        %convert_element_type3A_109 = arith.extui %lt3A_108 : i1 to i32
        %cond3A_110 = arith.constant 0 : i32
        %cond3A_111 = arith.cmpi ne, %convert_element_type3A_109, %cond3A_110 : i32
        scf.if %cond3A_111 {
          %add3A_112 = arith.constant 4 : i32
          %add3A_113 = arith.addi %scan3A_67, %add3A_112 : i32
          %dma_start3A_114 = arith.constant 0 : i32
          %dma_start3A_115 = tpu.memref_slice %arg3[%add3A, %add3A_113, %dma_start3A_114] : memref<32x79x256xi32, #tpu.memory_space<hbm>> -> memref<1x1x256xi32, #tpu.memory_space<hbm>>
          %dma_start3A_116 = tpu.memref_squeeze %dma_start3A_115 : memref<1x1x256xi32, #tpu.memory_space<hbm>> -> memref<256xi32, #tpu.memory_space<hbm>>
          %dma_start3A_117 = arith.constant 0 : i32
          %dma_start3A_118 = tpu.memref_slice %arg3[%add3A, %add3A_113, %dma_start3A_117] : memref<32x79x256xi32, #tpu.memory_space<hbm>> -> memref<1x1x256xi32, #tpu.memory_space<hbm>>
          %dma_start3A_119 = tpu.memref_squeeze %dma_start3A_118 : memref<1x1x256xi32, #tpu.memory_space<hbm>> -> memref<256xi32, #tpu.memory_space<hbm>>
          tpu.enqueue_dma source(%dma_start3A_119 : memref<256xi32, #tpu.memory_space<hbm>>) target(%arg6 : memref<256xi32, #tpu.memory_space<vmem>>) target_semaphore(%arg14 : memref<!tpu.dma_semaphore, #tpu.memory_space<semaphore_mem>>)
        } else {
        }
      } else {
      }
      %rem3A_81 = arith.constant 4 : i32
      %rem3A_82 = arith.remsi %scan3A_67, %rem3A_81 : i32
      %eq3A_83 = arith.constant 2 : i32
      %eq3A_84 = arith.cmpi eq, %rem3A_82, %eq3A_83 : i32
      %convert_element_type3A_85 = arith.extui %eq3A_84 : i1 to i32
      %cond3A_86 = arith.constant 0 : i32
      %cond3A_87 = arith.cmpi ne, %convert_element_type3A_85, %cond3A_86 : i32
      scf.if %cond3A_87 {
        %dma_wait3A = arith.constant 0 : i32
        %dma_wait3A_95 = tpu.memref_slice %arg7[%dma_wait3A] : memref<256xi32, #tpu.memory_space<vmem>> -> memref<128xi32, #tpu.memory_space<vmem>>
        %dma_wait3A_96 = arith.constant 0 : i32
        %dma_wait3A_97 = arith.constant 0 : i32
        %dma_wait3A_98 = tpu.memref_slice %arg2[%dma_wait3A_96, %dma_wait3A_97] : memref<10000x128xf32, #tpu.memory_space<hbm>> -> memref<10000x128xf32, #tpu.memory_space<hbm>>
        tpu.wait_indirect_dma semaphore(%arg17 : memref<!tpu.dma_semaphore, #tpu.memory_space<semaphore_mem>>) src(%dma_wait3A_98 : memref<10000x128xf32, #tpu.memory_space<hbm>>) dst(%arg9 : memref<128x128xf32, #tpu.memory_space<vmem>>)
        "tpu.region"() ({
          %run_scoped3A_112 = tpu.sem_alloc : memref<!tpu.dma_semaphore, #tpu.memory_space<semaphore_mem>>
          %dma_start3A_113 = arith.constant 128 : i32
          %dma_start3A_114 = tpu.memref_slice %arg7[%dma_start3A_113] : memref<256xi32, #tpu.memory_space<vmem>> -> memref<128xi32, #tpu.memory_space<vmem>>
          %dma_start3A_115 = arith.constant 0 : i32
          %dma_start3A_116 = arith.constant 0 : i32
          %dma_start3A_117 = tpu.memref_slice %arg12[%dma_start3A_115, %dma_start3A_116] : memref<10016x128xf32, #tpu.memory_space<vmem_shared>> -> memref<10016x128xf32, #tpu.memory_space<vmem_shared>>
          tpu.enqueue_indirect_dma source(%arg9 : memref<128x128xf32, #tpu.memory_space<vmem>>) target(%dma_start3A_117 : memref<10016x128xf32, #tpu.memory_space<vmem_shared>>) offsets(%dma_start3A_114 : memref<128xi32, #tpu.memory_space<vmem>>) semaphore(%run_scoped3A_112 : memref<!tpu.dma_semaphore, #tpu.memory_space<semaphore_mem>>) {add = true}
          %dma_wait3A_118 = arith.constant 128 : i32
          %dma_wait3A_119 = tpu.memref_slice %arg7[%dma_wait3A_118] : memref<256xi32, #tpu.memory_space<vmem>> -> memref<128xi32, #tpu.memory_space<vmem>>
          %dma_wait3A_120 = arith.constant 0 : i32
          %dma_wait3A_121 = arith.constant 0 : i32
          %dma_wait3A_122 = tpu.memref_slice %arg12[%dma_wait3A_120, %dma_wait3A_121] : memref<10016x128xf32, #tpu.memory_space<vmem_shared>> -> memref<10016x128xf32, #tpu.memory_space<vmem_shared>>
          tpu.wait_indirect_dma semaphore(%run_scoped3A_112 : memref<!tpu.dma_semaphore, #tpu.memory_space<semaphore_mem>>) src(%arg9 : memref<128x128xf32, #tpu.memory_space<vmem>>) dst(%dma_wait3A_122 : memref<10016x128xf32, #tpu.memory_space<vmem_shared>>)
          tpu.yield
        }) : () -> ()
        %add3A_99 = arith.constant 2 : i32
        %add3A_100 = arith.addi %scan3A_67, %add3A_99 : i32
        %lt3A = arith.constant 79 : i32
        %lt3A_101 = arith.cmpi slt, %add3A_100, %lt3A : i32
        %convert_element_type3A_102 = arith.extui %lt3A_101 : i1 to i32
        %cond3A_103 = arith.constant 0 : i32
        %cond3A_104 = arith.cmpi ne, %convert_element_type3A_102, %cond3A_103 : i32
        scf.if %cond3A_104 {
          %add3A_112 = arith.constant 2 : i32
          %add3A_113 = arith.addi %scan3A_67, %add3A_112 : i32
          %dma_wait3A_114 = arith.constant 0 : i32
          %dma_wait3A_115 = tpu.memref_slice %arg3[%add3A, %add3A_113, %dma_wait3A_114] : memref<32x79x256xi32, #tpu.memory_space<hbm>> -> memref<1x1x256xi32, #tpu.memory_space<hbm>>
          %dma_wait3A_116 = tpu.memref_squeeze %dma_wait3A_115 : memref<1x1x256xi32, #tpu.memory_space<hbm>> -> memref<256xi32, #tpu.memory_space<hbm>>
          %dma_wait3A_117 = arith.constant 0 : i32
          %dma_wait3A_118 = tpu.memref_slice %arg3[%add3A, %add3A_113, %dma_wait3A_117] : memref<32x79x256xi32, #tpu.memory_space<hbm>> -> memref<1x1x256xi32, #tpu.memory_space<hbm>>
          %dma_wait3A_119 = tpu.memref_squeeze %dma_wait3A_118 : memref<1x1x256xi32, #tpu.memory_space<hbm>> -> memref<256xi32, #tpu.memory_space<hbm>>
          tpu.wait_dma2 semaphore(%arg13 : memref<!tpu.dma_semaphore, #tpu.memory_space<semaphore_mem>>) src(%dma_wait3A_119 : memref<256xi32, #tpu.memory_space<hbm>>) dst(%arg5 : memref<256xi32, #tpu.memory_space<vmem>>)
          %dma_start3A_120 = arith.constant 0 : i32
          %dma_start3A_121 = tpu.memref_slice %arg5[%dma_start3A_120] : memref<256xi32, #tpu.memory_space<vmem>> -> memref<128xi32, #tpu.memory_space<vmem>>
          %dma_start3A_122 = arith.constant 0 : i32
          %dma_start3A_123 = arith.constant 0 : i32
          %dma_start3A_124 = tpu.memref_slice %arg2[%dma_start3A_122, %dma_start3A_123] : memref<10000x128xf32, #tpu.memory_space<hbm>> -> memref<10000x128xf32, #tpu.memory_space<hbm>>
          tpu.enqueue_indirect_dma source(%dma_start3A_124 : memref<10000x128xf32, #tpu.memory_space<hbm>>) target(%arg9 : memref<128x128xf32, #tpu.memory_space<vmem>>) offsets(%dma_start3A_121 : memref<128xi32, #tpu.memory_space<vmem>>) semaphore(%arg17 : memref<!tpu.dma_semaphore, #tpu.memory_space<semaphore_mem>>)
        } else {
        }
        %add3A_105 = arith.constant 4 : i32
        %add3A_106 = arith.addi %scan3A_67, %add3A_105 : i32
        %lt3A_107 = arith.constant 79 : i32
        %lt3A_108 = arith.cmpi slt, %add3A_106, %lt3A_107 : i32
        %convert_element_type3A_109 = arith.extui %lt3A_108 : i1 to i32
        %cond3A_110 = arith.constant 0 : i32
        %cond3A_111 = arith.cmpi ne, %convert_element_type3A_109, %cond3A_110 : i32
        scf.if %cond3A_111 {
          %add3A_112 = arith.constant 4 : i32
          %add3A_113 = arith.addi %scan3A_67, %add3A_112 : i32
          %dma_start3A_114 = arith.constant 0 : i32
          %dma_start3A_115 = tpu.memref_slice %arg3[%add3A, %add3A_113, %dma_start3A_114] : memref<32x79x256xi32, #tpu.memory_space<hbm>> -> memref<1x1x256xi32, #tpu.memory_space<hbm>>
          %dma_start3A_116 = tpu.memref_squeeze %dma_start3A_115 : memref<1x1x256xi32, #tpu.memory_space<hbm>> -> memref<256xi32, #tpu.memory_space<hbm>>
          %dma_start3A_117 = arith.constant 0 : i32
          %dma_start3A_118 = tpu.memref_slice %arg3[%add3A, %add3A_113, %dma_start3A_117] : memref<32x79x256xi32, #tpu.memory_space<hbm>> -> memref<1x1x256xi32, #tpu.memory_space<hbm>>
          %dma_start3A_119 = tpu.memref_squeeze %dma_start3A_118 : memref<1x1x256xi32, #tpu.memory_space<hbm>> -> memref<256xi32, #tpu.memory_space<hbm>>
          tpu.enqueue_dma source(%dma_start3A_119 : memref<256xi32, #tpu.memory_space<hbm>>) target(%arg7 : memref<256xi32, #tpu.memory_space<vmem>>) target_semaphore(%arg15 : memref<!tpu.dma_semaphore, #tpu.memory_space<semaphore_mem>>)
        } else {
        }
      } else {
      }
      %rem3A_88 = arith.constant 4 : i32
      %rem3A_89 = arith.remsi %scan3A_67, %rem3A_88 : i32
      %eq3A_90 = arith.constant 3 : i32
      %eq3A_91 = arith.cmpi eq, %rem3A_89, %eq3A_90 : i32
      %convert_element_type3A_92 = arith.extui %eq3A_91 : i1 to i32
      %cond3A_93 = arith.constant 0 : i32
      %cond3A_94 = arith.cmpi ne, %convert_element_type3A_92, %cond3A_93 : i32
      scf.if %cond3A_94 {
        %dma_wait3A = arith.constant 0 : i32
        %dma_wait3A_95 = tpu.memref_slice %arg8[%dma_wait3A] : memref<256xi32, #tpu.memory_space<vmem>> -> memref<128xi32, #tpu.memory_space<vmem>>
        %dma_wait3A_96 = arith.constant 0 : i32
        %dma_wait3A_97 = arith.constant 0 : i32
        %dma_wait3A_98 = tpu.memref_slice %arg2[%dma_wait3A_96, %dma_wait3A_97] : memref<10000x128xf32, #tpu.memory_space<hbm>> -> memref<10000x128xf32, #tpu.memory_space<hbm>>
        tpu.wait_indirect_dma semaphore(%arg18 : memref<!tpu.dma_semaphore, #tpu.memory_space<semaphore_mem>>) src(%dma_wait3A_98 : memref<10000x128xf32, #tpu.memory_space<hbm>>) dst(%arg10 : memref<128x128xf32, #tpu.memory_space<vmem>>)
        "tpu.region"() ({
          %run_scoped3A_112 = tpu.sem_alloc : memref<!tpu.dma_semaphore, #tpu.memory_space<semaphore_mem>>
          %dma_start3A_113 = arith.constant 128 : i32
          %dma_start3A_114 = tpu.memref_slice %arg8[%dma_start3A_113] : memref<256xi32, #tpu.memory_space<vmem>> -> memref<128xi32, #tpu.memory_space<vmem>>
          %dma_start3A_115 = arith.constant 0 : i32
          %dma_start3A_116 = arith.constant 0 : i32
          %dma_start3A_117 = tpu.memref_slice %arg12[%dma_start3A_115, %dma_start3A_116] : memref<10016x128xf32, #tpu.memory_space<vmem_shared>> -> memref<10016x128xf32, #tpu.memory_space<vmem_shared>>
          tpu.enqueue_indirect_dma source(%arg10 : memref<128x128xf32, #tpu.memory_space<vmem>>) target(%dma_start3A_117 : memref<10016x128xf32, #tpu.memory_space<vmem_shared>>) offsets(%dma_start3A_114 : memref<128xi32, #tpu.memory_space<vmem>>) semaphore(%run_scoped3A_112 : memref<!tpu.dma_semaphore, #tpu.memory_space<semaphore_mem>>) {add = true}
          %dma_wait3A_118 = arith.constant 128 : i32
          %dma_wait3A_119 = tpu.memref_slice %arg8[%dma_wait3A_118] : memref<256xi32, #tpu.memory_space<vmem>> -> memref<128xi32, #tpu.memory_space<vmem>>
          %dma_wait3A_120 = arith.constant 0 : i32
          %dma_wait3A_121 = arith.constant 0 : i32
          %dma_wait3A_122 = tpu.memref_slice %arg12[%dma_wait3A_120, %dma_wait3A_121] : memref<10016x128xf32, #tpu.memory_space<vmem_shared>> -> memref<10016x128xf32, #tpu.memory_space<vmem_shared>>
          tpu.wait_indirect_dma semaphore(%run_scoped3A_112 : memref<!tpu.dma_semaphore, #tpu.memory_space<semaphore_mem>>) src(%arg10 : memref<128x128xf32, #tpu.memory_space<vmem>>) dst(%dma_wait3A_122 : memref<10016x128xf32, #tpu.memory_space<vmem_shared>>)
          tpu.yield
        }) : () -> ()
        %add3A_99 = arith.constant 2 : i32
        %add3A_100 = arith.addi %scan3A_67, %add3A_99 : i32
        %lt3A = arith.constant 79 : i32
        %lt3A_101 = arith.cmpi slt, %add3A_100, %lt3A : i32
        %convert_element_type3A_102 = arith.extui %lt3A_101 : i1 to i32
        %cond3A_103 = arith.constant 0 : i32
        %cond3A_104 = arith.cmpi ne, %convert_element_type3A_102, %cond3A_103 : i32
        scf.if %cond3A_104 {
          %add3A_112 = arith.constant 2 : i32
          %add3A_113 = arith.addi %scan3A_67, %add3A_112 : i32
          %dma_wait3A_114 = arith.constant 0 : i32
          %dma_wait3A_115 = tpu.memref_slice %arg3[%add3A, %add3A_113, %dma_wait3A_114] : memref<32x79x256xi32, #tpu.memory_space<hbm>> -> memref<1x1x256xi32, #tpu.memory_space<hbm>>
          %dma_wait3A_116 = tpu.memref_squeeze %dma_wait3A_115 : memref<1x1x256xi32, #tpu.memory_space<hbm>> -> memref<256xi32, #tpu.memory_space<hbm>>
          %dma_wait3A_117 = arith.constant 0 : i32
          %dma_wait3A_118 = tpu.memref_slice %arg3[%add3A, %add3A_113, %dma_wait3A_117] : memref<32x79x256xi32, #tpu.memory_space<hbm>> -> memref<1x1x256xi32, #tpu.memory_space<hbm>>
          %dma_wait3A_119 = tpu.memref_squeeze %dma_wait3A_118 : memref<1x1x256xi32, #tpu.memory_space<hbm>> -> memref<256xi32, #tpu.memory_space<hbm>>
          tpu.wait_dma2 semaphore(%arg14 : memref<!tpu.dma_semaphore, #tpu.memory_space<semaphore_mem>>) src(%dma_wait3A_119 : memref<256xi32, #tpu.memory_space<hbm>>) dst(%arg6 : memref<256xi32, #tpu.memory_space<vmem>>)
          %dma_start3A_120 = arith.constant 0 : i32
          %dma_start3A_121 = tpu.memref_slice %arg6[%dma_start3A_120] : memref<256xi32, #tpu.memory_space<vmem>> -> memref<128xi32, #tpu.memory_space<vmem>>
          %dma_start3A_122 = arith.constant 0 : i32
          %dma_start3A_123 = arith.constant 0 : i32
          %dma_start3A_124 = tpu.memref_slice %arg2[%dma_start3A_122, %dma_start3A_123] : memref<10000x128xf32, #tpu.memory_space<hbm>> -> memref<10000x128xf32, #tpu.memory_space<hbm>>
          tpu.enqueue_indirect_dma source(%dma_start3A_124 : memref<10000x128xf32, #tpu.memory_space<hbm>>) target(%arg10 : memref<128x128xf32, #tpu.memory_space<vmem>>) offsets(%dma_start3A_121 : memref<128xi32, #tpu.memory_space<vmem>>) semaphore(%arg18 : memref<!tpu.dma_semaphore, #tpu.memory_space<semaphore_mem>>)
        } else {
        }
        %add3A_105 = arith.constant 4 : i32
        %add3A_106 = arith.addi %scan3A_67, %add3A_105 : i32
        %lt3A_107 = arith.constant 79 : i32
        %lt3A_108 = arith.cmpi slt, %add3A_106, %lt3A_107 : i32
        %convert_element_type3A_109 = arith.extui %lt3A_108 : i1 to i32
        %cond3A_110 = arith.constant 0 : i32
        %cond3A_111 = arith.cmpi ne, %convert_element_type3A_109, %cond3A_110 : i32
        scf.if %cond3A_111 {
          %add3A_112 = arith.constant 4 : i32
          %add3A_113 = arith.addi %scan3A_67, %add3A_112 : i32
          %dma_start3A_114 = arith.constant 0 : i32
          %dma_start3A_115 = tpu.memref_slice %arg3[%add3A, %add3A_113, %dma_start3A_114] : memref<32x79x256xi32, #tpu.memory_space<hbm>> -> memref<1x1x256xi32, #tpu.memory_space<hbm>>
          %dma_start3A_116 = tpu.memref_squeeze %dma_start3A_115 : memref<1x1x256xi32, #tpu.memory_space<hbm>> -> memref<256xi32, #tpu.memory_space<hbm>>
          %dma_start3A_117 = arith.constant 0 : i32
          %dma_start3A_118 = tpu.memref_slice %arg3[%add3A, %add3A_113, %dma_start3A_117] : memref<32x79x256xi32, #tpu.memory_space<hbm>> -> memref<1x1x256xi32, #tpu.memory_space<hbm>>
          %dma_start3A_119 = tpu.memref_squeeze %dma_start3A_118 : memref<1x1x256xi32, #tpu.memory_space<hbm>> -> memref<256xi32, #tpu.memory_space<hbm>>
          tpu.enqueue_dma source(%dma_start3A_119 : memref<256xi32, #tpu.memory_space<hbm>>) target(%arg8 : memref<256xi32, #tpu.memory_space<vmem>>) target_semaphore(%arg16 : memref<!tpu.dma_semaphore, #tpu.memory_space<semaphore_mem>>)
        } else {
        }
      } else {
      }
    }
    %scan3A_46 = arith.constant 79 : i32
    %barrier3A_47 = arith.constant 0 : index
    tpu.barrier barrier_id(%barrier3A_47)
    %mul3A_48 = arith.constant 624 : i32
    %mul3A_49 = arith.muli %arg1, %mul3A_48 : i32
    %scan3A_50 = arith.constant 0 : i32
    %scan3A_51 = arith.constant 0 : i32
    %scan3A_52 = arith.constant 6 : i32
    %scan3A_53 = arith.addi %scan3A_51, %scan3A_52 : i32
    %scan3A_54 = arith.constant 1 : i32
    scf.for %scan3A_67 = %scan3A_51 to %scan3A_53 step %scan3A_54  : i32 {
      %mul3A_68 = arith.constant 104 : i32
      %mul3A_69 = arith.muli %scan3A_67, %mul3A_68 : i32
      %add3A_70 = arith.addi %mul3A_49, %mul3A_69 : i32
      %dma_start3A_71 = arith.constant 0 : i32
      %dma_start3A_72 = tpu.memref_slice %arg4[%arg0, %add3A_70, %dma_start3A_71] : memref<2x10000x128xf32, #tpu.memory_space<hbm>> -> memref<1x104x128xf32, #tpu.memory_space<hbm>>
      %dma_start3A_73 = tpu.memref_squeeze %dma_start3A_72 : memref<1x104x128xf32, #tpu.memory_space<hbm>> -> memref<104x128xf32, #tpu.memory_space<hbm>>
      %dma_start3A_74 = arith.constant 0 : i32
      %dma_start3A_75 = tpu.memref_slice %arg12[%add3A_70, %dma_start3A_74] : memref<10016x128xf32, #tpu.memory_space<vmem_shared>> -> memref<104x128xf32, #tpu.memory_space<vmem_shared>>
      tpu.enqueue_dma source(%dma_start3A_75 : memref<104x128xf32, #tpu.memory_space<vmem_shared>>) target(%dma_start3A_73 : memref<104x128xf32, #tpu.memory_space<hbm>>) target_semaphore(%arg17 : memref<!tpu.dma_semaphore, #tpu.memory_space<semaphore_mem>>)
    }
    %scan3A_55 = arith.constant 6 : i32
    %eq3A_56 = arith.constant 15 : i32
    %eq3A_57 = arith.cmpi eq, %arg1, %eq3A_56 : i32
    %convert_element_type3A_58 = arith.extui %eq3A_57 : i1 to i32
    %cond3A_59 = arith.constant 0 : i32
    %cond3A_60 = arith.cmpi ne, %convert_element_type3A_58, %cond3A_59 : i32
    scf.if %cond3A_60 {
      %add3A_67 = arith.constant 624 : i32
      %add3A_68 = arith.addi %mul3A_49, %add3A_67 : i32
      %dma_start3A_69 = arith.constant 0 : i32
      %dma_start3A_70 = tpu.memref_slice %arg4[%arg0, %add3A_68, %dma_start3A_69] : memref<2x10000x128xf32, #tpu.memory_space<hbm>> -> memref<1x16x128xf32, #tpu.memory_space<hbm>>
      %dma_start3A_71 = tpu.memref_squeeze %dma_start3A_70 : memref<1x16x128xf32, #tpu.memory_space<hbm>> -> memref<16x128xf32, #tpu.memory_space<hbm>>
      %dma_start3A_72 = arith.constant 0 : i32
      %dma_start3A_73 = tpu.memref_slice %arg12[%add3A_68, %dma_start3A_72] : memref<10016x128xf32, #tpu.memory_space<vmem_shared>> -> memref<16x128xf32, #tpu.memory_space<vmem_shared>>
      tpu.enqueue_dma source(%dma_start3A_73 : memref<16x128xf32, #tpu.memory_space<vmem_shared>>) target(%dma_start3A_71 : memref<16x128xf32, #tpu.memory_space<hbm>>) target_semaphore(%arg18 : memref<!tpu.dma_semaphore, #tpu.memory_space<semaphore_mem>>)
      %dma_wait3A = arith.constant 0 : i32
      %dma_wait3A_74 = tpu.memref_slice %arg4[%arg0, %add3A_68, %dma_wait3A] : memref<2x10000x128xf32, #tpu.memory_space<hbm>> -> memref<1x16x128xf32, #tpu.memory_space<hbm>>
      %dma_wait3A_75 = tpu.memref_squeeze %dma_wait3A_74 : memref<1x16x128xf32, #tpu.memory_space<hbm>> -> memref<16x128xf32, #tpu.memory_space<hbm>>
      %dma_wait3A_76 = arith.constant 0 : i32
      %dma_wait3A_77 = tpu.memref_slice %arg12[%add3A_68, %dma_wait3A_76] : memref<10016x128xf32, #tpu.memory_space<vmem_shared>> -> memref<16x128xf32, #tpu.memory_space<vmem_shared>>
      tpu.wait_dma2 semaphore(%arg18 : memref<!tpu.dma_semaphore, #tpu.memory_space<semaphore_mem>>) src(%dma_wait3A_77 : memref<16x128xf32, #tpu.memory_space<vmem_shared>>) dst(%dma_wait3A_75 : memref<16x128xf32, #tpu.memory_space<hbm>>)
    } else {
    }
    %scan3A_61 = arith.constant 0 : i32
    %scan3A_62 = arith.constant 0 : i32
    %scan3A_63 = arith.constant 6 : i32
    %scan3A_64 = arith.addi %scan3A_62, %scan3A_63 : i32
    %scan3A_65 = arith.constant 1 : i32
    scf.for %scan3A_67 = %scan3A_62 to %scan3A_64 step %scan3A_65  : i32 {
      %mul3A_68 = arith.constant 104 : i32
      %mul3A_69 = arith.muli %scan3A_67, %mul3A_68 : i32
      %add3A_70 = arith.addi %mul3A_49, %mul3A_69 : i32
      %dma_wait3A = arith.constant 0 : i32
      %dma_wait3A_71 = tpu.memref_slice %arg4[%arg0, %add3A_70, %dma_wait3A] : memref<2x10000x128xf32, #tpu.memory_space<hbm>> -> memref<1x104x128xf32, #tpu.memory_space<hbm>>
      %dma_wait3A_72 = tpu.memref_squeeze %dma_wait3A_71 : memref<1x104x128xf32, #tpu.memory_space<hbm>> -> memref<104x128xf32, #tpu.memory_space<hbm>>
      %dma_wait3A_73 = arith.constant 0 : i32
      %dma_wait3A_74 = tpu.memref_slice %arg12[%add3A_70, %dma_wait3A_73] : memref<10016x128xf32, #tpu.memory_space<vmem_shared>> -> memref<104x128xf32, #tpu.memory_space<vmem_shared>>
      tpu.wait_dma2 semaphore(%arg17 : memref<!tpu.dma_semaphore, #tpu.memory_space<semaphore_mem>>) src(%dma_wait3A_74 : memref<104x128xf32, #tpu.memory_space<vmem_shared>>) dst(%dma_wait3A_72 : memref<104x128xf32, #tpu.memory_space<hbm>>)
    }
    %scan3A_66 = arith.constant 6 : i32
    return
  }
}

#map = affine_map<(d0, d1) -> (0, 0, 0)>
#map1 = affine_map<(d0, d1) -> (0)>
module attributes {stable_mosaic.version = 14 : i64} {
  func.func @k(%arg0: i32, %arg1: i32, %arg2: memref<32x79x128xi32, #tpu.memory_space<hbm>>, %arg3: memref<20000xf32, #tpu.memory_space<hbm>>, %arg4: memref<79x128xi32, #tpu.memory_space<vmem>>, %arg5: memref<128xf32, #tpu.memory_space<vmem>>, %arg6: memref<656xf32, #tpu.memory_space<vmem>>, %arg7: memref<10016xf32, #tpu.memory_space<vmem_shared>>) attributes {dimension_semantics = [#tpu.dimension_semantics<core_parallel>, #tpu.dimension_semantics<subcore_parallel>], iteration_bounds = array<i64: 2, 16>, scalar_prefetch = 0 : i64, scratch_operands = 4 : i64, tpu.core_type = #tpu.core_type<sc_vector_subcore>, window_params = [{transform_indices = #map}, {transform_indices = #map1}]} {
    %mul3A = arith.constant 2 : i32
    %mul3A_0 = arith.muli %arg1, %mul3A : i32
    %add3A = arith.addi %mul3A_0, %arg0 : i32
    %broadcast_in_dim3A = arith.constant 1.000000e+00 : f32
    %broadcast_in_dim3A_1 = vector.broadcast %broadcast_in_dim3A : f32 to vector<16xf32>
    %broadcast_in_dim3A_2 = arith.constant 0.000000e+00 : f32
    %broadcast_in_dim3A_3 = vector.broadcast %broadcast_in_dim3A_2 : f32 to vector<16xf32>
    %swap3A = arith.constant 0 : index
    %swap3A_4 = tpu.vector_load %arg5[%swap3A] {strides = array<i32>} : memref<128xf32, #tpu.memory_space<vmem>>, vector<16xf32>,
    %swap3A_5 = vector.shape_cast %swap3A_4 : vector<16xf32> to vector<16xf32>
    %swap3A_6 = vector.shape_cast %broadcast_in_dim3A_1 : vector<16xf32> to vector<16xf32>
    tpu.vector_store %arg5[%swap3A], %swap3A_6 {strides = array<i32>} : memref<128xf32, #tpu.memory_space<vmem>>, vector<16xf32>,
    %swap3A_7 = arith.constant 16 : index
    %swap3A_8 = tpu.vector_load %arg5[%swap3A_7] {strides = array<i32>} : memref<128xf32, #tpu.memory_space<vmem>>, vector<16xf32>,
    %swap3A_9 = vector.shape_cast %swap3A_8 : vector<16xf32> to vector<16xf32>
    %swap3A_10 = vector.shape_cast %broadcast_in_dim3A_1 : vector<16xf32> to vector<16xf32>
    tpu.vector_store %arg5[%swap3A_7], %swap3A_10 {strides = array<i32>} : memref<128xf32, #tpu.memory_space<vmem>>, vector<16xf32>,
    %swap3A_11 = arith.constant 32 : index
    %swap3A_12 = tpu.vector_load %arg5[%swap3A_11] {strides = array<i32>} : memref<128xf32, #tpu.memory_space<vmem>>, vector<16xf32>,
    %swap3A_13 = vector.shape_cast %swap3A_12 : vector<16xf32> to vector<16xf32>
    %swap3A_14 = vector.shape_cast %broadcast_in_dim3A_1 : vector<16xf32> to vector<16xf32>
    tpu.vector_store %arg5[%swap3A_11], %swap3A_14 {strides = array<i32>} : memref<128xf32, #tpu.memory_space<vmem>>, vector<16xf32>,
    %swap3A_15 = arith.constant 48 : index
    %swap3A_16 = tpu.vector_load %arg5[%swap3A_15] {strides = array<i32>} : memref<128xf32, #tpu.memory_space<vmem>>, vector<16xf32>,
    %swap3A_17 = vector.shape_cast %swap3A_16 : vector<16xf32> to vector<16xf32>
    %swap3A_18 = vector.shape_cast %broadcast_in_dim3A_1 : vector<16xf32> to vector<16xf32>
    tpu.vector_store %arg5[%swap3A_15], %swap3A_18 {strides = array<i32>} : memref<128xf32, #tpu.memory_space<vmem>>, vector<16xf32>,
    %swap3A_19 = arith.constant 64 : index
    %swap3A_20 = tpu.vector_load %arg5[%swap3A_19] {strides = array<i32>} : memref<128xf32, #tpu.memory_space<vmem>>, vector<16xf32>,
    %swap3A_21 = vector.shape_cast %swap3A_20 : vector<16xf32> to vector<16xf32>
    %swap3A_22 = vector.shape_cast %broadcast_in_dim3A_1 : vector<16xf32> to vector<16xf32>
    tpu.vector_store %arg5[%swap3A_19], %swap3A_22 {strides = array<i32>} : memref<128xf32, #tpu.memory_space<vmem>>, vector<16xf32>,
    %swap3A_23 = arith.constant 80 : index
    %swap3A_24 = tpu.vector_load %arg5[%swap3A_23] {strides = array<i32>} : memref<128xf32, #tpu.memory_space<vmem>>, vector<16xf32>,
    %swap3A_25 = vector.shape_cast %swap3A_24 : vector<16xf32> to vector<16xf32>
    %swap3A_26 = vector.shape_cast %broadcast_in_dim3A_1 : vector<16xf32> to vector<16xf32>
    tpu.vector_store %arg5[%swap3A_23], %swap3A_26 {strides = array<i32>} : memref<128xf32, #tpu.memory_space<vmem>>, vector<16xf32>,
    %swap3A_27 = arith.constant 96 : index
    %swap3A_28 = tpu.vector_load %arg5[%swap3A_27] {strides = array<i32>} : memref<128xf32, #tpu.memory_space<vmem>>, vector<16xf32>,
    %swap3A_29 = vector.shape_cast %swap3A_28 : vector<16xf32> to vector<16xf32>
    %swap3A_30 = vector.shape_cast %broadcast_in_dim3A_1 : vector<16xf32> to vector<16xf32>
    tpu.vector_store %arg5[%swap3A_27], %swap3A_30 {strides = array<i32>} : memref<128xf32, #tpu.memory_space<vmem>>, vector<16xf32>,
    %swap3A_31 = arith.constant 112 : index
    %swap3A_32 = tpu.vector_load %arg5[%swap3A_31] {strides = array<i32>} : memref<128xf32, #tpu.memory_space<vmem>>, vector<16xf32>,
    %swap3A_33 = vector.shape_cast %swap3A_32 : vector<16xf32> to vector<16xf32>
    %swap3A_34 = vector.shape_cast %broadcast_in_dim3A_1 : vector<16xf32> to vector<16xf32>
    tpu.vector_store %arg5[%swap3A_31], %swap3A_34 {strides = array<i32>} : memref<128xf32, #tpu.memory_space<vmem>>, vector<16xf32>,
    %swap3A_35 = arith.constant 0 : index
    %swap3A_36 = tpu.vector_load %arg6[%swap3A_35] {strides = array<i32>} : memref<656xf32, #tpu.memory_space<vmem>>, vector<16xf32>,
    %swap3A_37 = vector.shape_cast %swap3A_36 : vector<16xf32> to vector<16xf32>
    %swap3A_38 = vector.shape_cast %broadcast_in_dim3A_3 : vector<16xf32> to vector<16xf32>
    tpu.vector_store %arg6[%swap3A_35], %swap3A_38 {strides = array<i32>} : memref<656xf32, #tpu.memory_space<vmem>>, vector<16xf32>,
    %swap3A_39 = arith.constant 16 : index
    %swap3A_40 = tpu.vector_load %arg6[%swap3A_39] {strides = array<i32>} : memref<656xf32, #tpu.memory_space<vmem>>, vector<16xf32>,
    %swap3A_41 = vector.shape_cast %swap3A_40 : vector<16xf32> to vector<16xf32>
    %swap3A_42 = vector.shape_cast %broadcast_in_dim3A_3 : vector<16xf32> to vector<16xf32>
    tpu.vector_store %arg6[%swap3A_39], %swap3A_42 {strides = array<i32>} : memref<656xf32, #tpu.memory_space<vmem>>, vector<16xf32>,
    %swap3A_43 = arith.constant 32 : index
    %swap3A_44 = tpu.vector_load %arg6[%swap3A_43] {strides = array<i32>} : memref<656xf32, #tpu.memory_space<vmem>>, vector<16xf32>,
    %swap3A_45 = vector.shape_cast %swap3A_44 : vector<16xf32> to vector<16xf32>
    %swap3A_46 = vector.shape_cast %broadcast_in_dim3A_3 : vector<16xf32> to vector<16xf32>
    tpu.vector_store %arg6[%swap3A_43], %swap3A_46 {strides = array<i32>} : memref<656xf32, #tpu.memory_space<vmem>>, vector<16xf32>,
    %swap3A_47 = arith.constant 48 : index
    %swap3A_48 = tpu.vector_load %arg6[%swap3A_47] {strides = array<i32>} : memref<656xf32, #tpu.memory_space<vmem>>, vector<16xf32>,
    %swap3A_49 = vector.shape_cast %swap3A_48 : vector<16xf32> to vector<16xf32>
    %swap3A_50 = vector.shape_cast %broadcast_in_dim3A_3 : vector<16xf32> to vector<16xf32>
    tpu.vector_store %arg6[%swap3A_47], %swap3A_50 {strides = array<i32>} : memref<656xf32, #tpu.memory_space<vmem>>, vector<16xf32>,
    %swap3A_51 = arith.constant 64 : index
    %swap3A_52 = tpu.vector_load %arg6[%swap3A_51] {strides = array<i32>} : memref<656xf32, #tpu.memory_space<vmem>>, vector<16xf32>,
    %swap3A_53 = vector.shape_cast %swap3A_52 : vector<16xf32> to vector<16xf32>
    %swap3A_54 = vector.shape_cast %broadcast_in_dim3A_3 : vector<16xf32> to vector<16xf32>
    tpu.vector_store %arg6[%swap3A_51], %swap3A_54 {strides = array<i32>} : memref<656xf32, #tpu.memory_space<vmem>>, vector<16xf32>,
    %swap3A_55 = arith.constant 80 : index
    %swap3A_56 = tpu.vector_load %arg6[%swap3A_55] {strides = array<i32>} : memref<656xf32, #tpu.memory_space<vmem>>, vector<16xf32>,
    %swap3A_57 = vector.shape_cast %swap3A_56 : vector<16xf32> to vector<16xf32>
    %swap3A_58 = vector.shape_cast %broadcast_in_dim3A_3 : vector<16xf32> to vector<16xf32>
    tpu.vector_store %arg6[%swap3A_55], %swap3A_58 {strides = array<i32>} : memref<656xf32, #tpu.memory_space<vmem>>, vector<16xf32>,
    %swap3A_59 = arith.constant 96 : index
    %swap3A_60 = tpu.vector_load %arg6[%swap3A_59] {strides = array<i32>} : memref<656xf32, #tpu.memory_space<vmem>>, vector<16xf32>,
    %swap3A_61 = vector.shape_cast %swap3A_60 : vector<16xf32> to vector<16xf32>
    %swap3A_62 = vector.shape_cast %broadcast_in_dim3A_3 : vector<16xf32> to vector<16xf32>
    tpu.vector_store %arg6[%swap3A_59], %swap3A_62 {strides = array<i32>} : memref<656xf32, #tpu.memory_space<vmem>>, vector<16xf32>,
    %swap3A_63 = arith.constant 112 : index
    %swap3A_64 = tpu.vector_load %arg6[%swap3A_63] {strides = array<i32>} : memref<656xf32, #tpu.memory_space<vmem>>, vector<16xf32>,
    %swap3A_65 = vector.shape_cast %swap3A_64 : vector<16xf32> to vector<16xf32>
    %swap3A_66 = vector.shape_cast %broadcast_in_dim3A_3 : vector<16xf32> to vector<16xf32>
    tpu.vector_store %arg6[%swap3A_63], %swap3A_66 {strides = array<i32>} : memref<656xf32, #tpu.memory_space<vmem>>, vector<16xf32>,
    %swap3A_67 = arith.constant 128 : index
    %swap3A_68 = tpu.vector_load %arg6[%swap3A_67] {strides = array<i32>} : memref<656xf32, #tpu.memory_space<vmem>>, vector<16xf32>,
    %swap3A_69 = vector.shape_cast %swap3A_68 : vector<16xf32> to vector<16xf32>
    %swap3A_70 = vector.shape_cast %broadcast_in_dim3A_3 : vector<16xf32> to vector<16xf32>
    tpu.vector_store %arg6[%swap3A_67], %swap3A_70 {strides = array<i32>} : memref<656xf32, #tpu.memory_space<vmem>>, vector<16xf32>,
    %swap3A_71 = arith.constant 144 : index
    %swap3A_72 = tpu.vector_load %arg6[%swap3A_71] {strides = array<i32>} : memref<656xf32, #tpu.memory_space<vmem>>, vector<16xf32>,
    %swap3A_73 = vector.shape_cast %swap3A_72 : vector<16xf32> to vector<16xf32>
    %swap3A_74 = vector.shape_cast %broadcast_in_dim3A_3 : vector<16xf32> to vector<16xf32>
    tpu.vector_store %arg6[%swap3A_71], %swap3A_74 {strides = array<i32>} : memref<656xf32, #tpu.memory_space<vmem>>, vector<16xf32>,
    %swap3A_75 = arith.constant 160 : index
    %swap3A_76 = tpu.vector_load %arg6[%swap3A_75] {strides = array<i32>} : memref<656xf32, #tpu.memory_space<vmem>>, vector<16xf32>,
    %swap3A_77 = vector.shape_cast %swap3A_76 : vector<16xf32> to vector<16xf32>
    %swap3A_78 = vector.shape_cast %broadcast_in_dim3A_3 : vector<16xf32> to vector<16xf32>
    tpu.vector_store %arg6[%swap3A_75], %swap3A_78 {strides = array<i32>} : memref<656xf32, #tpu.memory_space<vmem>>, vector<16xf32>,
    %swap3A_79 = arith.constant 176 : index
    %swap3A_80 = tpu.vector_load %arg6[%swap3A_79] {strides = array<i32>} : memref<656xf32, #tpu.memory_space<vmem>>, vector<16xf32>,
    %swap3A_81 = vector.shape_cast %swap3A_80 : vector<16xf32> to vector<16xf32>
    %swap3A_82 = vector.shape_cast %broadcast_in_dim3A_3 : vector<16xf32> to vector<16xf32>
    tpu.vector_store %arg6[%swap3A_79], %swap3A_82 {strides = array<i32>} : memref<656xf32, #tpu.memory_space<vmem>>, vector<16xf32>,
    %swap3A_83 = arith.constant 192 : index
    %swap3A_84 = tpu.vector_load %arg6[%swap3A_83] {strides = array<i32>} : memref<656xf32, #tpu.memory_space<vmem>>, vector<16xf32>,
    %swap3A_85 = vector.shape_cast %swap3A_84 : vector<16xf32> to vector<16xf32>
    %swap3A_86 = vector.shape_cast %broadcast_in_dim3A_3 : vector<16xf32> to vector<16xf32>
    tpu.vector_store %arg6[%swap3A_83], %swap3A_86 {strides = array<i32>} : memref<656xf32, #tpu.memory_space<vmem>>, vector<16xf32>,
    %swap3A_87 = arith.constant 208 : index
    %swap3A_88 = tpu.vector_load %arg6[%swap3A_87] {strides = array<i32>} : memref<656xf32, #tpu.memory_space<vmem>>, vector<16xf32>,
    %swap3A_89 = vector.shape_cast %swap3A_88 : vector<16xf32> to vector<16xf32>
    %swap3A_90 = vector.shape_cast %broadcast_in_dim3A_3 : vector<16xf32> to vector<16xf32>
    tpu.vector_store %arg6[%swap3A_87], %swap3A_90 {strides = array<i32>} : memref<656xf32, #tpu.memory_space<vmem>>, vector<16xf32>,
    %swap3A_91 = arith.constant 224 : index
    %swap3A_92 = tpu.vector_load %arg6[%swap3A_91] {strides = array<i32>} : memref<656xf32, #tpu.memory_space<vmem>>, vector<16xf32>,
    %swap3A_93 = vector.shape_cast %swap3A_92 : vector<16xf32> to vector<16xf32>
    %swap3A_94 = vector.shape_cast %broadcast_in_dim3A_3 : vector<16xf32> to vector<16xf32>
    tpu.vector_store %arg6[%swap3A_91], %swap3A_94 {strides = array<i32>} : memref<656xf32, #tpu.memory_space<vmem>>, vector<16xf32>,
    %swap3A_95 = arith.constant 240 : index
    %swap3A_96 = tpu.vector_load %arg6[%swap3A_95] {strides = array<i32>} : memref<656xf32, #tpu.memory_space<vmem>>, vector<16xf32>,
    %swap3A_97 = vector.shape_cast %swap3A_96 : vector<16xf32> to vector<16xf32>
    %swap3A_98 = vector.shape_cast %broadcast_in_dim3A_3 : vector<16xf32> to vector<16xf32>
    tpu.vector_store %arg6[%swap3A_95], %swap3A_98 {strides = array<i32>} : memref<656xf32, #tpu.memory_space<vmem>>, vector<16xf32>,
    %swap3A_99 = arith.constant 256 : index
    %swap3A_100 = tpu.vector_load %arg6[%swap3A_99] {strides = array<i32>} : memref<656xf32, #tpu.memory_space<vmem>>, vector<16xf32>,
    %swap3A_101 = vector.shape_cast %swap3A_100 : vector<16xf32> to vector<16xf32>
    %swap3A_102 = vector.shape_cast %broadcast_in_dim3A_3 : vector<16xf32> to vector<16xf32>
    tpu.vector_store %arg6[%swap3A_99], %swap3A_102 {strides = array<i32>} : memref<656xf32, #tpu.memory_space<vmem>>, vector<16xf32>,
    %swap3A_103 = arith.constant 272 : index
    %swap3A_104 = tpu.vector_load %arg6[%swap3A_103] {strides = array<i32>} : memref<656xf32, #tpu.memory_space<vmem>>, vector<16xf32>,
    %swap3A_105 = vector.shape_cast %swap3A_104 : vector<16xf32> to vector<16xf32>
    %swap3A_106 = vector.shape_cast %broadcast_in_dim3A_3 : vector<16xf32> to vector<16xf32>
    tpu.vector_store %arg6[%swap3A_103], %swap3A_106 {strides = array<i32>} : memref<656xf32, #tpu.memory_space<vmem>>, vector<16xf32>,
    %swap3A_107 = arith.constant 288 : index
    %swap3A_108 = tpu.vector_load %arg6[%swap3A_107] {strides = array<i32>} : memref<656xf32, #tpu.memory_space<vmem>>, vector<16xf32>,
    %swap3A_109 = vector.shape_cast %swap3A_108 : vector<16xf32> to vector<16xf32>
    %swap3A_110 = vector.shape_cast %broadcast_in_dim3A_3 : vector<16xf32> to vector<16xf32>
    tpu.vector_store %arg6[%swap3A_107], %swap3A_110 {strides = array<i32>} : memref<656xf32, #tpu.memory_space<vmem>>, vector<16xf32>,
    %swap3A_111 = arith.constant 304 : index
    %swap3A_112 = tpu.vector_load %arg6[%swap3A_111] {strides = array<i32>} : memref<656xf32, #tpu.memory_space<vmem>>, vector<16xf32>,
    %swap3A_113 = vector.shape_cast %swap3A_112 : vector<16xf32> to vector<16xf32>
    %swap3A_114 = vector.shape_cast %broadcast_in_dim3A_3 : vector<16xf32> to vector<16xf32>
    tpu.vector_store %arg6[%swap3A_111], %swap3A_114 {strides = array<i32>} : memref<656xf32, #tpu.memory_space<vmem>>, vector<16xf32>,
    %swap3A_115 = arith.constant 320 : index
    %swap3A_116 = tpu.vector_load %arg6[%swap3A_115] {strides = array<i32>} : memref<656xf32, #tpu.memory_space<vmem>>, vector<16xf32>,
    %swap3A_117 = vector.shape_cast %swap3A_116 : vector<16xf32> to vector<16xf32>
    %swap3A_118 = vector.shape_cast %broadcast_in_dim3A_3 : vector<16xf32> to vector<16xf32>
    tpu.vector_store %arg6[%swap3A_115], %swap3A_118 {strides = array<i32>} : memref<656xf32, #tpu.memory_space<vmem>>, vector<16xf32>,
    %swap3A_119 = arith.constant 336 : index
    %swap3A_120 = tpu.vector_load %arg6[%swap3A_119] {strides = array<i32>} : memref<656xf32, #tpu.memory_space<vmem>>, vector<16xf32>,
    %swap3A_121 = vector.shape_cast %swap3A_120 : vector<16xf32> to vector<16xf32>
    %swap3A_122 = vector.shape_cast %broadcast_in_dim3A_3 : vector<16xf32> to vector<16xf32>
    tpu.vector_store %arg6[%swap3A_119], %swap3A_122 {strides = array<i32>} : memref<656xf32, #tpu.memory_space<vmem>>, vector<16xf32>,
    %swap3A_123 = arith.constant 352 : index
    %swap3A_124 = tpu.vector_load %arg6[%swap3A_123] {strides = array<i32>} : memref<656xf32, #tpu.memory_space<vmem>>, vector<16xf32>,
    %swap3A_125 = vector.shape_cast %swap3A_124 : vector<16xf32> to vector<16xf32>
    %swap3A_126 = vector.shape_cast %broadcast_in_dim3A_3 : vector<16xf32> to vector<16xf32>
    tpu.vector_store %arg6[%swap3A_123], %swap3A_126 {strides = array<i32>} : memref<656xf32, #tpu.memory_space<vmem>>, vector<16xf32>,
    %swap3A_127 = arith.constant 368 : index
    %swap3A_128 = tpu.vector_load %arg6[%swap3A_127] {strides = array<i32>} : memref<656xf32, #tpu.memory_space<vmem>>, vector<16xf32>,
    %swap3A_129 = vector.shape_cast %swap3A_128 : vector<16xf32> to vector<16xf32>
    %swap3A_130 = vector.shape_cast %broadcast_in_dim3A_3 : vector<16xf32> to vector<16xf32>
    tpu.vector_store %arg6[%swap3A_127], %swap3A_130 {strides = array<i32>} : memref<656xf32, #tpu.memory_space<vmem>>, vector<16xf32>,
    %swap3A_131 = arith.constant 384 : index
    %swap3A_132 = tpu.vector_load %arg6[%swap3A_131] {strides = array<i32>} : memref<656xf32, #tpu.memory_space<vmem>>, vector<16xf32>,
    %swap3A_133 = vector.shape_cast %swap3A_132 : vector<16xf32> to vector<16xf32>
    %swap3A_134 = vector.shape_cast %broadcast_in_dim3A_3 : vector<16xf32> to vector<16xf32>
    tpu.vector_store %arg6[%swap3A_131], %swap3A_134 {strides = array<i32>} : memref<656xf32, #tpu.memory_space<vmem>>, vector<16xf32>,
    %swap3A_135 = arith.constant 400 : index
    %swap3A_136 = tpu.vector_load %arg6[%swap3A_135] {strides = array<i32>} : memref<656xf32, #tpu.memory_space<vmem>>, vector<16xf32>,
    %swap3A_137 = vector.shape_cast %swap3A_136 : vector<16xf32> to vector<16xf32>
    %swap3A_138 = vector.shape_cast %broadcast_in_dim3A_3 : vector<16xf32> to vector<16xf32>
    tpu.vector_store %arg6[%swap3A_135], %swap3A_138 {strides = array<i32>} : memref<656xf32, #tpu.memory_space<vmem>>, vector<16xf32>,
    %swap3A_139 = arith.constant 416 : index
    %swap3A_140 = tpu.vector_load %arg6[%swap3A_139] {strides = array<i32>} : memref<656xf32, #tpu.memory_space<vmem>>, vector<16xf32>,
    %swap3A_141 = vector.shape_cast %swap3A_140 : vector<16xf32> to vector<16xf32>
    %swap3A_142 = vector.shape_cast %broadcast_in_dim3A_3 : vector<16xf32> to vector<16xf32>
    tpu.vector_store %arg6[%swap3A_139], %swap3A_142 {strides = array<i32>} : memref<656xf32, #tpu.memory_space<vmem>>, vector<16xf32>,
    %swap3A_143 = arith.constant 432 : index
    %swap3A_144 = tpu.vector_load %arg6[%swap3A_143] {strides = array<i32>} : memref<656xf32, #tpu.memory_space<vmem>>, vector<16xf32>,
    %swap3A_145 = vector.shape_cast %swap3A_144 : vector<16xf32> to vector<16xf32>
    %swap3A_146 = vector.shape_cast %broadcast_in_dim3A_3 : vector<16xf32> to vector<16xf32>
    tpu.vector_store %arg6[%swap3A_143], %swap3A_146 {strides = array<i32>} : memref<656xf32, #tpu.memory_space<vmem>>, vector<16xf32>,
    %swap3A_147 = arith.constant 448 : index
    %swap3A_148 = tpu.vector_load %arg6[%swap3A_147] {strides = array<i32>} : memref<656xf32, #tpu.memory_space<vmem>>, vector<16xf32>,
    %swap3A_149 = vector.shape_cast %swap3A_148 : vector<16xf32> to vector<16xf32>
    %swap3A_150 = vector.shape_cast %broadcast_in_dim3A_3 : vector<16xf32> to vector<16xf32>
    tpu.vector_store %arg6[%swap3A_147], %swap3A_150 {strides = array<i32>} : memref<656xf32, #tpu.memory_space<vmem>>, vector<16xf32>,
    %swap3A_151 = arith.constant 464 : index
    %swap3A_152 = tpu.vector_load %arg6[%swap3A_151] {strides = array<i32>} : memref<656xf32, #tpu.memory_space<vmem>>, vector<16xf32>,
    %swap3A_153 = vector.shape_cast %swap3A_152 : vector<16xf32> to vector<16xf32>
    %swap3A_154 = vector.shape_cast %broadcast_in_dim3A_3 : vector<16xf32> to vector<16xf32>
    tpu.vector_store %arg6[%swap3A_151], %swap3A_154 {strides = array<i32>} : memref<656xf32, #tpu.memory_space<vmem>>, vector<16xf32>,
    %swap3A_155 = arith.constant 480 : index
    %swap3A_156 = tpu.vector_load %arg6[%swap3A_155] {strides = array<i32>} : memref<656xf32, #tpu.memory_space<vmem>>, vector<16xf32>,
    %swap3A_157 = vector.shape_cast %swap3A_156 : vector<16xf32> to vector<16xf32>
    %swap3A_158 = vector.shape_cast %broadcast_in_dim3A_3 : vector<16xf32> to vector<16xf32>
    tpu.vector_store %arg6[%swap3A_155], %swap3A_158 {strides = array<i32>} : memref<656xf32, #tpu.memory_space<vmem>>, vector<16xf32>,
    %swap3A_159 = arith.constant 496 : index
    %swap3A_160 = tpu.vector_load %arg6[%swap3A_159] {strides = array<i32>} : memref<656xf32, #tpu.memory_space<vmem>>, vector<16xf32>,
    %swap3A_161 = vector.shape_cast %swap3A_160 : vector<16xf32> to vector<16xf32>
    %swap3A_162 = vector.shape_cast %broadcast_in_dim3A_3 : vector<16xf32> to vector<16xf32>
    tpu.vector_store %arg6[%swap3A_159], %swap3A_162 {strides = array<i32>} : memref<656xf32, #tpu.memory_space<vmem>>, vector<16xf32>,
    %swap3A_163 = arith.constant 512 : index
    %swap3A_164 = tpu.vector_load %arg6[%swap3A_163] {strides = array<i32>} : memref<656xf32, #tpu.memory_space<vmem>>, vector<16xf32>,
    %swap3A_165 = vector.shape_cast %swap3A_164 : vector<16xf32> to vector<16xf32>
    %swap3A_166 = vector.shape_cast %broadcast_in_dim3A_3 : vector<16xf32> to vector<16xf32>
    tpu.vector_store %arg6[%swap3A_163], %swap3A_166 {strides = array<i32>} : memref<656xf32, #tpu.memory_space<vmem>>, vector<16xf32>,
    %swap3A_167 = arith.constant 528 : index
    %swap3A_168 = tpu.vector_load %arg6[%swap3A_167] {strides = array<i32>} : memref<656xf32, #tpu.memory_space<vmem>>, vector<16xf32>,
    %swap3A_169 = vector.shape_cast %swap3A_168 : vector<16xf32> to vector<16xf32>
    %swap3A_170 = vector.shape_cast %broadcast_in_dim3A_3 : vector<16xf32> to vector<16xf32>
    tpu.vector_store %arg6[%swap3A_167], %swap3A_170 {strides = array<i32>} : memref<656xf32, #tpu.memory_space<vmem>>, vector<16xf32>,
    %swap3A_171 = arith.constant 544 : index
    %swap3A_172 = tpu.vector_load %arg6[%swap3A_171] {strides = array<i32>} : memref<656xf32, #tpu.memory_space<vmem>>, vector<16xf32>,
    %swap3A_173 = vector.shape_cast %swap3A_172 : vector<16xf32> to vector<16xf32>
    %swap3A_174 = vector.shape_cast %broadcast_in_dim3A_3 : vector<16xf32> to vector<16xf32>
    tpu.vector_store %arg6[%swap3A_171], %swap3A_174 {strides = array<i32>} : memref<656xf32, #tpu.memory_space<vmem>>, vector<16xf32>,
    %swap3A_175 = arith.constant 560 : index
    %swap3A_176 = tpu.vector_load %arg6[%swap3A_175] {strides = array<i32>} : memref<656xf32, #tpu.memory_space<vmem>>, vector<16xf32>,
    %swap3A_177 = vector.shape_cast %swap3A_176 : vector<16xf32> to vector<16xf32>
    %swap3A_178 = vector.shape_cast %broadcast_in_dim3A_3 : vector<16xf32> to vector<16xf32>
    tpu.vector_store %arg6[%swap3A_175], %swap3A_178 {strides = array<i32>} : memref<656xf32, #tpu.memory_space<vmem>>, vector<16xf32>,
    %swap3A_179 = arith.constant 576 : index
    %swap3A_180 = tpu.vector_load %arg6[%swap3A_179] {strides = array<i32>} : memref<656xf32, #tpu.memory_space<vmem>>, vector<16xf32>,
    %swap3A_181 = vector.shape_cast %swap3A_180 : vector<16xf32> to vector<16xf32>
    %swap3A_182 = vector.shape_cast %broadcast_in_dim3A_3 : vector<16xf32> to vector<16xf32>
    tpu.vector_store %arg6[%swap3A_179], %swap3A_182 {strides = array<i32>} : memref<656xf32, #tpu.memory_space<vmem>>, vector<16xf32>,
    %swap3A_183 = arith.constant 592 : index
    %swap3A_184 = tpu.vector_load %arg6[%swap3A_183] {strides = array<i32>} : memref<656xf32, #tpu.memory_space<vmem>>, vector<16xf32>,
    %swap3A_185 = vector.shape_cast %swap3A_184 : vector<16xf32> to vector<16xf32>
    %swap3A_186 = vector.shape_cast %broadcast_in_dim3A_3 : vector<16xf32> to vector<16xf32>
    tpu.vector_store %arg6[%swap3A_183], %swap3A_186 {strides = array<i32>} : memref<656xf32, #tpu.memory_space<vmem>>, vector<16xf32>,
    %swap3A_187 = arith.constant 608 : index
    %swap3A_188 = tpu.vector_load %arg6[%swap3A_187] {strides = array<i32>} : memref<656xf32, #tpu.memory_space<vmem>>, vector<16xf32>,
    %swap3A_189 = vector.shape_cast %swap3A_188 : vector<16xf32> to vector<16xf32>
    %swap3A_190 = vector.shape_cast %broadcast_in_dim3A_3 : vector<16xf32> to vector<16xf32>
    tpu.vector_store %arg6[%swap3A_187], %swap3A_190 {strides = array<i32>} : memref<656xf32, #tpu.memory_space<vmem>>, vector<16xf32>,
    %swap3A_191 = arith.constant 624 : index
    %swap3A_192 = tpu.vector_load %arg6[%swap3A_191] {strides = array<i32>} : memref<656xf32, #tpu.memory_space<vmem>>, vector<16xf32>,
    %swap3A_193 = vector.shape_cast %swap3A_192 : vector<16xf32> to vector<16xf32>
    %swap3A_194 = vector.shape_cast %broadcast_in_dim3A_3 : vector<16xf32> to vector<16xf32>
    tpu.vector_store %arg6[%swap3A_191], %swap3A_194 {strides = array<i32>} : memref<656xf32, #tpu.memory_space<vmem>>, vector<16xf32>,
    %swap3A_195 = arith.constant 640 : index
    %swap3A_196 = tpu.vector_load %arg6[%swap3A_195] {strides = array<i32>} : memref<656xf32, #tpu.memory_space<vmem>>, vector<16xf32>,
    %swap3A_197 = vector.shape_cast %swap3A_196 : vector<16xf32> to vector<16xf32>
    %swap3A_198 = vector.shape_cast %broadcast_in_dim3A_3 : vector<16xf32> to vector<16xf32>
    tpu.vector_store %arg6[%swap3A_195], %swap3A_198 {strides = array<i32>} : memref<656xf32, #tpu.memory_space<vmem>>, vector<16xf32>,
    %lt3A = arith.constant 15 : i32
    %lt3A_199 = arith.cmpi slt, %arg1, %lt3A : i32
    %convert_element_type3A = arith.extui %lt3A_199 : i1 to i32
    %cond3A = arith.constant 0 : i32
    %cond3A_200 = arith.cmpi ne, %convert_element_type3A, %cond3A : i32
    scf.if %cond3A_200 {
      %mul3A_221 = arith.constant 624 : i32
      %mul3A_222 = arith.muli %arg1, %mul3A_221 : i32
      "tpu.region"() ({
        %run_scoped3A = tpu.sem_alloc : memref<!tpu.dma_semaphore, #tpu.memory_space<semaphore_mem>>
        %dma_start3A = arith.constant 0 : i32
        %dma_start3A_223 = tpu.memref_slice %arg6[%dma_start3A] : memref<656xf32, #tpu.memory_space<vmem>> -> memref<624xf32, #tpu.memory_space<vmem>>
        %dma_start3A_224 = tpu.memref_slice %arg7[%mul3A_222] : memref<10016xf32, #tpu.memory_space<vmem_shared>> -> memref<624xf32, #tpu.memory_space<vmem_shared>>
        %dma_start3A_225 = tpu.memref_slice %arg7[%mul3A_222] : memref<10016xf32, #tpu.memory_space<vmem_shared>> -> memref<624xf32, #tpu.memory_space<vmem_shared>>
        %dma_start3A_226 = arith.constant 0 : i32
        %dma_start3A_227 = tpu.memref_slice %arg6[%dma_start3A_226] : memref<656xf32, #tpu.memory_space<vmem>> -> memref<624xf32, #tpu.memory_space<vmem>>
        tpu.enqueue_dma source(%dma_start3A_227 : memref<624xf32, #tpu.memory_space<vmem>>) target(%dma_start3A_225 : memref<624xf32, #tpu.memory_space<vmem_shared>>) target_semaphore(%run_scoped3A : memref<!tpu.dma_semaphore, #tpu.memory_space<semaphore_mem>>)
        %dma_wait3A = arith.constant 0 : i32
        %dma_wait3A_228 = tpu.memref_slice %arg6[%dma_wait3A] : memref<656xf32, #tpu.memory_space<vmem>> -> memref<624xf32, #tpu.memory_space<vmem>>
        %dma_wait3A_229 = tpu.memref_slice %arg7[%mul3A_222] : memref<10016xf32, #tpu.memory_space<vmem_shared>> -> memref<624xf32, #tpu.memory_space<vmem_shared>>
        %dma_wait3A_230 = tpu.memref_slice %arg7[%mul3A_222] : memref<10016xf32, #tpu.memory_space<vmem_shared>> -> memref<624xf32, #tpu.memory_space<vmem_shared>>
        %dma_wait3A_231 = arith.constant 0 : i32
        %dma_wait3A_232 = tpu.memref_slice %arg6[%dma_wait3A_231] : memref<656xf32, #tpu.memory_space<vmem>> -> memref<624xf32, #tpu.memory_space<vmem>>
        tpu.wait_dma2 semaphore(%run_scoped3A : memref<!tpu.dma_semaphore, #tpu.memory_space<semaphore_mem>>) src(%dma_wait3A_232 : memref<624xf32, #tpu.memory_space<vmem>>) dst(%dma_wait3A_230 : memref<624xf32, #tpu.memory_space<vmem_shared>>)
        tpu.yield
      }) : () -> ()
    } else {
    }
    %eq3A = arith.constant 15 : i32
    %eq3A_201 = arith.cmpi eq, %arg1, %eq3A : i32
    %convert_element_type3A_202 = arith.extui %eq3A_201 : i1 to i32
    %cond3A_203 = arith.constant 0 : i32
    %cond3A_204 = arith.cmpi ne, %convert_element_type3A_202, %cond3A_203 : i32
    scf.if %cond3A_204 {
      "tpu.region"() ({
        %run_scoped3A = tpu.sem_alloc : memref<!tpu.dma_semaphore, #tpu.memory_space<semaphore_mem>>
        %dma_start3A = arith.constant 9360 : i32
        %dma_start3A_221 = tpu.memref_slice %arg7[%dma_start3A] : memref<10016xf32, #tpu.memory_space<vmem_shared>> -> memref<656xf32, #tpu.memory_space<vmem_shared>>
        %dma_start3A_222 = arith.constant 9360 : i32
        %dma_start3A_223 = tpu.memref_slice %arg7[%dma_start3A_222] : memref<10016xf32, #tpu.memory_space<vmem_shared>> -> memref<656xf32, #tpu.memory_space<vmem_shared>>
        tpu.enqueue_dma source(%arg6 : memref<656xf32, #tpu.memory_space<vmem>>) target(%dma_start3A_223 : memref<656xf32, #tpu.memory_space<vmem_shared>>) target_semaphore(%run_scoped3A : memref<!tpu.dma_semaphore, #tpu.memory_space<semaphore_mem>>)
        %dma_wait3A = arith.constant 9360 : i32
        %dma_wait3A_224 = tpu.memref_slice %arg7[%dma_wait3A] : memref<10016xf32, #tpu.memory_space<vmem_shared>> -> memref<656xf32, #tpu.memory_space<vmem_shared>>
        %dma_wait3A_225 = arith.constant 9360 : i32
        %dma_wait3A_226 = tpu.memref_slice %arg7[%dma_wait3A_225] : memref<10016xf32, #tpu.memory_space<vmem_shared>> -> memref<656xf32, #tpu.memory_space<vmem_shared>>
        tpu.wait_dma2 semaphore(%run_scoped3A : memref<!tpu.dma_semaphore, #tpu.memory_space<semaphore_mem>>) src(%arg6 : memref<656xf32, #tpu.memory_space<vmem>>) dst(%dma_wait3A_226 : memref<656xf32, #tpu.memory_space<vmem_shared>>)
        tpu.yield
      }) : () -> ()
    } else {
    }
    %barrier3A = arith.constant 0 : index
    tpu.barrier barrier_id(%barrier3A)
    "tpu.region"() ({
      %run_scoped3A = tpu.sem_alloc : memref<!tpu.dma_semaphore, #tpu.memory_space<semaphore_mem>>
      %dma_start3A = arith.constant 0 : i32
      %dma_start3A_221 = arith.constant 0 : i32
      %dma_start3A_222 = tpu.memref_slice %arg2[%add3A, %dma_start3A, %dma_start3A_221] : memref<32x79x128xi32, #tpu.memory_space<hbm>> -> memref<1x79x128xi32, #tpu.memory_space<hbm>>
      %dma_start3A_223 = tpu.memref_squeeze %dma_start3A_222 : memref<1x79x128xi32, #tpu.memory_space<hbm>> -> memref<79x128xi32, #tpu.memory_space<hbm>>
      %dma_start3A_224 = arith.constant 0 : i32
      %dma_start3A_225 = arith.constant 0 : i32
      %dma_start3A_226 = tpu.memref_slice %arg2[%add3A, %dma_start3A_224, %dma_start3A_225] : memref<32x79x128xi32, #tpu.memory_space<hbm>> -> memref<1x79x128xi32, #tpu.memory_space<hbm>>
      %dma_start3A_227 = tpu.memref_squeeze %dma_start3A_226 : memref<1x79x128xi32, #tpu.memory_space<hbm>> -> memref<79x128xi32, #tpu.memory_space<hbm>>
      tpu.enqueue_dma source(%dma_start3A_227 : memref<79x128xi32, #tpu.memory_space<hbm>>) target(%arg4 : memref<79x128xi32, #tpu.memory_space<vmem>>) target_semaphore(%run_scoped3A : memref<!tpu.dma_semaphore, #tpu.memory_space<semaphore_mem>>)
      %dma_wait3A = arith.constant 0 : i32
      %dma_wait3A_228 = arith.constant 0 : i32
      %dma_wait3A_229 = tpu.memref_slice %arg2[%add3A, %dma_wait3A, %dma_wait3A_228] : memref<32x79x128xi32, #tpu.memory_space<hbm>> -> memref<1x79x128xi32, #tpu.memory_space<hbm>>
      %dma_wait3A_230 = tpu.memref_squeeze %dma_wait3A_229 : memref<1x79x128xi32, #tpu.memory_space<hbm>> -> memref<79x128xi32, #tpu.memory_space<hbm>>
      %dma_wait3A_231 = arith.constant 0 : i32
      %dma_wait3A_232 = arith.constant 0 : i32
      %dma_wait3A_233 = tpu.memref_slice %arg2[%add3A, %dma_wait3A_231, %dma_wait3A_232] : memref<32x79x128xi32, #tpu.memory_space<hbm>> -> memref<1x79x128xi32, #tpu.memory_space<hbm>>
      %dma_wait3A_234 = tpu.memref_squeeze %dma_wait3A_233 : memref<1x79x128xi32, #tpu.memory_space<hbm>> -> memref<79x128xi32, #tpu.memory_space<hbm>>
      tpu.wait_dma2 semaphore(%run_scoped3A : memref<!tpu.dma_semaphore, #tpu.memory_space<semaphore_mem>>) src(%dma_wait3A_234 : memref<79x128xi32, #tpu.memory_space<hbm>>) dst(%arg4 : memref<79x128xi32, #tpu.memory_space<vmem>>)
      tpu.yield
    }) : () -> ()
    %scan3A = arith.constant 0 : i32
    %scan3A_205 = arith.constant 0 : i32
    %scan3A_206 = arith.constant 79 : i32
    %scan3A_207 = arith.addi %scan3A_205, %scan3A_206 : i32
    %scan3A_208 = arith.constant 1 : i32
    scf.for %scan3A_221 = %scan3A_205 to %scan3A_207 step %scan3A_208  : i32 {
      "tpu.region"() ({
        %run_scoped3A = tpu.sem_alloc : memref<!tpu.dma_semaphore, #tpu.memory_space<semaphore_mem>>
        %dma_start3A = arith.constant 0 : i32
        %dma_start3A_222 = tpu.memref_slice %arg4[%scan3A_221, %dma_start3A] : memref<79x128xi32, #tpu.memory_space<vmem>> -> memref<1x128xi32, #tpu.memory_space<vmem>>
        %dma_start3A_223 = tpu.memref_squeeze %dma_start3A_222 : memref<1x128xi32, #tpu.memory_space<vmem>> -> memref<128xi32, #tpu.memory_space<vmem>>
        %dma_start3A_224 = arith.constant 0 : i32
        %dma_start3A_225 = tpu.memref_slice %arg7[%dma_start3A_224] : memref<10016xf32, #tpu.memory_space<vmem_shared>> -> memref<10016xf32, #tpu.memory_space<vmem_shared>>
        tpu.enqueue_indirect_dma source(%arg5 : memref<128xf32, #tpu.memory_space<vmem>>) target(%dma_start3A_225 : memref<10016xf32, #tpu.memory_space<vmem_shared>>) offsets(%dma_start3A_223 : memref<128xi32, #tpu.memory_space<vmem>>) semaphore(%run_scoped3A : memref<!tpu.dma_semaphore, #tpu.memory_space<semaphore_mem>>) {add = true}
        %dma_wait3A = arith.constant 0 : i32
        %dma_wait3A_226 = tpu.memref_slice %arg4[%scan3A_221, %dma_wait3A] : memref<79x128xi32, #tpu.memory_space<vmem>> -> memref<1x128xi32, #tpu.memory_space<vmem>>
        %dma_wait3A_227 = tpu.memref_squeeze %dma_wait3A_226 : memref<1x128xi32, #tpu.memory_space<vmem>> -> memref<128xi32, #tpu.memory_space<vmem>>
        %dma_wait3A_228 = arith.constant 0 : i32
        %dma_wait3A_229 = tpu.memref_slice %arg7[%dma_wait3A_228] : memref<10016xf32, #tpu.memory_space<vmem_shared>> -> memref<10016xf32, #tpu.memory_space<vmem_shared>>
        tpu.wait_indirect_dma semaphore(%run_scoped3A : memref<!tpu.dma_semaphore, #tpu.memory_space<semaphore_mem>>) src(%arg5 : memref<128xf32, #tpu.memory_space<vmem>>) dst(%dma_wait3A_229 : memref<10016xf32, #tpu.memory_space<vmem_shared>>)
        tpu.yield
      }) : () -> ()
    }
    %scan3A_209 = arith.constant 79 : i32
    %barrier3A_210 = arith.constant 0 : index
    tpu.barrier barrier_id(%barrier3A_210)
    %lt3A_211 = arith.constant 15 : i32
    %lt3A_212 = arith.cmpi slt, %arg1, %lt3A_211 : i32
    %convert_element_type3A_213 = arith.extui %lt3A_212 : i1 to i32
    %cond3A_214 = arith.constant 0 : i32
    %cond3A_215 = arith.cmpi ne, %convert_element_type3A_213, %cond3A_214 : i32
    scf.if %cond3A_215 {
      %mul3A_221 = arith.constant 624 : i32
      %mul3A_222 = arith.muli %arg1, %mul3A_221 : i32
      "tpu.region"() ({
        %run_scoped3A = tpu.sem_alloc : memref<!tpu.dma_semaphore, #tpu.memory_space<semaphore_mem>>
        %dma_start3A = arith.constant 0 : i32
        %dma_start3A_228 = tpu.memref_slice %arg6[%dma_start3A] : memref<656xf32, #tpu.memory_space<vmem>> -> memref<624xf32, #tpu.memory_space<vmem>>
        %dma_start3A_229 = tpu.memref_slice %arg7[%mul3A_222] : memref<10016xf32, #tpu.memory_space<vmem_shared>> -> memref<624xf32, #tpu.memory_space<vmem_shared>>
        %dma_start3A_230 = arith.constant 0 : i32
        %dma_start3A_231 = tpu.memref_slice %arg6[%dma_start3A_230] : memref<656xf32, #tpu.memory_space<vmem>> -> memref<624xf32, #tpu.memory_space<vmem>>
        %dma_start3A_232 = tpu.memref_slice %arg7[%mul3A_222] : memref<10016xf32, #tpu.memory_space<vmem_shared>> -> memref<624xf32, #tpu.memory_space<vmem_shared>>
        tpu.enqueue_dma source(%dma_start3A_232 : memref<624xf32, #tpu.memory_space<vmem_shared>>) target(%dma_start3A_231 : memref<624xf32, #tpu.memory_space<vmem>>) target_semaphore(%run_scoped3A : memref<!tpu.dma_semaphore, #tpu.memory_space<semaphore_mem>>)
        %dma_wait3A = arith.constant 0 : i32
        %dma_wait3A_233 = tpu.memref_slice %arg6[%dma_wait3A] : memref<656xf32, #tpu.memory_space<vmem>> -> memref<624xf32, #tpu.memory_space<vmem>>
        %dma_wait3A_234 = tpu.memref_slice %arg7[%mul3A_222] : memref<10016xf32, #tpu.memory_space<vmem_shared>> -> memref<624xf32, #tpu.memory_space<vmem_shared>>
        %dma_wait3A_235 = arith.constant 0 : i32
        %dma_wait3A_236 = tpu.memref_slice %arg6[%dma_wait3A_235] : memref<656xf32, #tpu.memory_space<vmem>> -> memref<624xf32, #tpu.memory_space<vmem>>
        %dma_wait3A_237 = tpu.memref_slice %arg7[%mul3A_222] : memref<10016xf32, #tpu.memory_space<vmem_shared>> -> memref<624xf32, #tpu.memory_space<vmem_shared>>
        tpu.wait_dma2 semaphore(%run_scoped3A : memref<!tpu.dma_semaphore, #tpu.memory_space<semaphore_mem>>) src(%dma_wait3A_237 : memref<624xf32, #tpu.memory_space<vmem_shared>>) dst(%dma_wait3A_236 : memref<624xf32, #tpu.memory_space<vmem>>)
        tpu.yield
      }) : () -> ()
      %mul3A_223 = arith.constant 10000 : i32
      %mul3A_224 = arith.muli %arg0, %mul3A_223 : i32
      %mul3A_225 = arith.constant 624 : i32
      %mul3A_226 = arith.muli %arg1, %mul3A_225 : i32
      %add3A_227 = arith.addi %mul3A_224, %mul3A_226 : i32
      "tpu.region"() ({
        %run_scoped3A = tpu.sem_alloc : memref<!tpu.dma_semaphore, #tpu.memory_space<semaphore_mem>>
        %dma_start3A = arith.constant 0 : i32
        %dma_start3A_228 = tpu.memref_slice %arg6[%dma_start3A] : memref<656xf32, #tpu.memory_space<vmem>> -> memref<624xf32, #tpu.memory_space<vmem>>
        %dma_start3A_229 = tpu.memref_slice %arg3[%add3A_227] : memref<20000xf32, #tpu.memory_space<hbm>> -> memref<624xf32, #tpu.memory_space<hbm>>
        %dma_start3A_230 = tpu.memref_slice %arg3[%add3A_227] : memref<20000xf32, #tpu.memory_space<hbm>> -> memref<624xf32, #tpu.memory_space<hbm>>
        %dma_start3A_231 = arith.constant 0 : i32
        %dma_start3A_232 = tpu.memref_slice %arg6[%dma_start3A_231] : memref<656xf32, #tpu.memory_space<vmem>> -> memref<624xf32, #tpu.memory_space<vmem>>
        tpu.enqueue_dma source(%dma_start3A_232 : memref<624xf32, #tpu.memory_space<vmem>>) target(%dma_start3A_230 : memref<624xf32, #tpu.memory_space<hbm>>) target_semaphore(%run_scoped3A : memref<!tpu.dma_semaphore, #tpu.memory_space<semaphore_mem>>)
        %dma_wait3A = arith.constant 0 : i32
        %dma_wait3A_233 = tpu.memref_slice %arg6[%dma_wait3A] : memref<656xf32, #tpu.memory_space<vmem>> -> memref<624xf32, #tpu.memory_space<vmem>>
        %dma_wait3A_234 = tpu.memref_slice %arg3[%add3A_227] : memref<20000xf32, #tpu.memory_space<hbm>> -> memref<624xf32, #tpu.memory_space<hbm>>
        %dma_wait3A_235 = tpu.memref_slice %arg3[%add3A_227] : memref<20000xf32, #tpu.memory_space<hbm>> -> memref<624xf32, #tpu.memory_space<hbm>>
        %dma_wait3A_236 = arith.constant 0 : i32
        %dma_wait3A_237 = tpu.memref_slice %arg6[%dma_wait3A_236] : memref<656xf32, #tpu.memory_space<vmem>> -> memref<624xf32, #tpu.memory_space<vmem>>
        tpu.wait_dma2 semaphore(%run_scoped3A : memref<!tpu.dma_semaphore, #tpu.memory_space<semaphore_mem>>) src(%dma_wait3A_237 : memref<624xf32, #tpu.memory_space<vmem>>) dst(%dma_wait3A_235 : memref<624xf32, #tpu.memory_space<hbm>>)
        tpu.yield
      }) : () -> ()
    } else {
    }
    %eq3A_216 = arith.constant 15 : i32
    %eq3A_217 = arith.cmpi eq, %arg1, %eq3A_216 : i32
    %convert_element_type3A_218 = arith.extui %eq3A_217 : i1 to i32
    %cond3A_219 = arith.constant 0 : i32
    %cond3A_220 = arith.cmpi ne, %convert_element_type3A_218, %cond3A_219 : i32
    scf.if %cond3A_220 {
      "tpu.region"() ({
        %run_scoped3A = tpu.sem_alloc : memref<!tpu.dma_semaphore, #tpu.memory_space<semaphore_mem>>
        %dma_start3A = arith.constant 0 : i32
        %dma_start3A_225 = tpu.memref_slice %arg6[%dma_start3A] : memref<656xf32, #tpu.memory_space<vmem>> -> memref<640xf32, #tpu.memory_space<vmem>>
        %dma_start3A_226 = arith.constant 9360 : i32
        %dma_start3A_227 = tpu.memref_slice %arg7[%dma_start3A_226] : memref<10016xf32, #tpu.memory_space<vmem_shared>> -> memref<640xf32, #tpu.memory_space<vmem_shared>>
        %dma_start3A_228 = arith.constant 0 : i32
        %dma_start3A_229 = tpu.memref_slice %arg6[%dma_start3A_228] : memref<656xf32, #tpu.memory_space<vmem>> -> memref<640xf32, #tpu.memory_space<vmem>>
        %dma_start3A_230 = arith.constant 9360 : i32
        %dma_start3A_231 = tpu.memref_slice %arg7[%dma_start3A_230] : memref<10016xf32, #tpu.memory_space<vmem_shared>> -> memref<640xf32, #tpu.memory_space<vmem_shared>>
        tpu.enqueue_dma source(%dma_start3A_231 : memref<640xf32, #tpu.memory_space<vmem_shared>>) target(%dma_start3A_229 : memref<640xf32, #tpu.memory_space<vmem>>) target_semaphore(%run_scoped3A : memref<!tpu.dma_semaphore, #tpu.memory_space<semaphore_mem>>)
        %dma_wait3A = arith.constant 0 : i32
        %dma_wait3A_232 = tpu.memref_slice %arg6[%dma_wait3A] : memref<656xf32, #tpu.memory_space<vmem>> -> memref<640xf32, #tpu.memory_space<vmem>>
        %dma_wait3A_233 = arith.constant 9360 : i32
        %dma_wait3A_234 = tpu.memref_slice %arg7[%dma_wait3A_233] : memref<10016xf32, #tpu.memory_space<vmem_shared>> -> memref<640xf32, #tpu.memory_space<vmem_shared>>
        %dma_wait3A_235 = arith.constant 0 : i32
        %dma_wait3A_236 = tpu.memref_slice %arg6[%dma_wait3A_235] : memref<656xf32, #tpu.memory_space<vmem>> -> memref<640xf32, #tpu.memory_space<vmem>>
        %dma_wait3A_237 = arith.constant 9360 : i32
        %dma_wait3A_238 = tpu.memref_slice %arg7[%dma_wait3A_237] : memref<10016xf32, #tpu.memory_space<vmem_shared>> -> memref<640xf32, #tpu.memory_space<vmem_shared>>
        tpu.wait_dma2 semaphore(%run_scoped3A : memref<!tpu.dma_semaphore, #tpu.memory_space<semaphore_mem>>) src(%dma_wait3A_238 : memref<640xf32, #tpu.memory_space<vmem_shared>>) dst(%dma_wait3A_236 : memref<640xf32, #tpu.memory_space<vmem>>)
        tpu.yield
      }) : () -> ()
      %mul3A_221 = arith.constant 10000 : i32
      %mul3A_222 = arith.muli %arg0, %mul3A_221 : i32
      %add3A_223 = arith.constant 9360 : i32
      %add3A_224 = arith.addi %mul3A_222, %add3A_223 : i32
      "tpu.region"() ({
        %run_scoped3A = tpu.sem_alloc : memref<!tpu.dma_semaphore, #tpu.memory_space<semaphore_mem>>
        %dma_start3A = arith.constant 0 : i32
        %dma_start3A_225 = tpu.memref_slice %arg6[%dma_start3A] : memref<656xf32, #tpu.memory_space<vmem>> -> memref<640xf32, #tpu.memory_space<vmem>>
        %dma_start3A_226 = tpu.memref_slice %arg3[%add3A_224] : memref<20000xf32, #tpu.memory_space<hbm>> -> memref<640xf32, #tpu.memory_space<hbm>>
        %dma_start3A_227 = tpu.memref_slice %arg3[%add3A_224] : memref<20000xf32, #tpu.memory_space<hbm>> -> memref<640xf32, #tpu.memory_space<hbm>>
        %dma_start3A_228 = arith.constant 0 : i32
        %dma_start3A_229 = tpu.memref_slice %arg6[%dma_start3A_228] : memref<656xf32, #tpu.memory_space<vmem>> -> memref<640xf32, #tpu.memory_space<vmem>>
        tpu.enqueue_dma source(%dma_start3A_229 : memref<640xf32, #tpu.memory_space<vmem>>) target(%dma_start3A_227 : memref<640xf32, #tpu.memory_space<hbm>>) target_semaphore(%run_scoped3A : memref<!tpu.dma_semaphore, #tpu.memory_space<semaphore_mem>>)
        %dma_wait3A = arith.constant 0 : i32
        %dma_wait3A_230 = tpu.memref_slice %arg6[%dma_wait3A] : memref<656xf32, #tpu.memory_space<vmem>> -> memref<640xf32, #tpu.memory_space<vmem>>
        %dma_wait3A_231 = tpu.memref_slice %arg3[%add3A_224] : memref<20000xf32, #tpu.memory_space<hbm>> -> memref<640xf32, #tpu.memory_space<hbm>>
        %dma_wait3A_232 = tpu.memref_slice %arg3[%add3A_224] : memref<20000xf32, #tpu.memory_space<hbm>> -> memref<640xf32, #tpu.memory_space<hbm>>
        %dma_wait3A_233 = arith.constant 0 : i32
        %dma_wait3A_234 = tpu.memref_slice %arg6[%dma_wait3A_233] : memref<656xf32, #tpu.memory_space<vmem>> -> memref<640xf32, #tpu.memory_space<vmem>>
        tpu.wait_dma2 semaphore(%run_scoped3A : memref<!tpu.dma_semaphore, #tpu.memory_space<semaphore_mem>>) src(%dma_wait3A_234 : memref<640xf32, #tpu.memory_space<vmem>>) dst(%dma_wait3A_232 : memref<640xf32, #tpu.memory_space<hbm>>)
        tpu.yield
      }) : () -> ()
    } else {
    }
    return
  }
}

#map = affine_map<(d0, d1) -> (0, 0)>
#map1 = affine_map<(d0, d1) -> (0, 0, 0)>
module attributes {stable_mosaic.version = 14 : i64} {
  func.func @k(%arg0: i32, %arg1: i32, %arg2: memref<10000x128xf32, #tpu.memory_space<hbm>>, %arg3: memref<32x79x256xi32, #tpu.memory_space<hbm>>, %arg4: memref<2x10000x128xf32, #tpu.memory_space<hbm>>, %arg5: memref<256xi32, #tpu.memory_space<vmem>>, %arg6: memref<256xi32, #tpu.memory_space<vmem>>, %arg7: memref<256xi32, #tpu.memory_space<vmem>>, %arg8: memref<256xi32, #tpu.memory_space<vmem>>, %arg9: memref<128x128xf32, #tpu.memory_space<vmem>>, %arg10: memref<128x128xf32, #tpu.memory_space<vmem>>, %arg11: memref<104x128xf32, #tpu.memory_space<vmem>>, %arg12: memref<10016x128xf32, #tpu.memory_space<vmem_shared>>, %arg13: memref<!tpu.dma_semaphore, #tpu.memory_space<semaphore_mem>>, %arg14: memref<!tpu.dma_semaphore, #tpu.memory_space<semaphore_mem>>, %arg15: memref<!tpu.dma_semaphore, #tpu.memory_space<semaphore_mem>>, %arg16: memref<!tpu.dma_semaphore, #tpu.memory_space<semaphore_mem>>, %arg17: memref<!tpu.dma_semaphore, #tpu.memory_space<semaphore_mem>>, %arg18: memref<!tpu.dma_semaphore, #tpu.memory_space<semaphore_mem>>) attributes {dimension_semantics = [#tpu.dimension_semantics<core_parallel>, #tpu.dimension_semantics<subcore_parallel>], iteration_bounds = array<i64: 2, 16>, scalar_prefetch = 0 : i64, scratch_operands = 14 : i64, tpu.core_type = #tpu.core_type<sc_vector_subcore>, window_params = [{transform_indices = #map}, {transform_indices = #map1}, {transform_indices = #map1}]} {
    %mul3A = arith.constant 2 : i32
    %mul3A_0 = arith.muli %arg1, %mul3A : i32
    %add3A = arith.addi %mul3A_0, %arg0 : i32
    %broadcast_in_dim3A = arith.constant 0.000000e+00 : f32
    %broadcast_in_dim3A_1 = vector.broadcast %broadcast_in_dim3A : f32 to vector<16xf32>
    %scan3A = arith.constant 0 : i32
    %scan3A_2 = arith.constant 0 : i32
    %scan3A_3 = arith.constant 104 : i32
    %scan3A_4 = arith.addi %scan3A_2, %scan3A_3 : i32
    %scan3A_5 = arith.constant 1 : i32
    scf.for %scan3A_67 = %scan3A_2 to %scan3A_4 step %scan3A_5  : i32 {
      %swap3A = arith.index_cast %scan3A_67 : i32 to index
      %swap3A_68 = arith.constant 0 : index
      %swap3A_69 = tpu.vector_load %arg11[%swap3A, %swap3A_68] {strides = array<i32>} : memref<104x128xf32, #tpu.memory_space<vmem>>, vector<1x16xf32>,
      %swap3A_70 = vector.shape_cast %swap3A_69 : vector<1x16xf32> to vector<16xf32>
      %swap3A_71 = vector.shape_cast %broadcast_in_dim3A_1 : vector<16xf32> to vector<1x16xf32>
      tpu.vector_store %arg11[%swap3A, %swap3A_68], %swap3A_71 {strides = array<i32>} : memref<104x128xf32, #tpu.memory_space<vmem>>, vector<1x16xf32>,
      %swap3A_72 = arith.index_cast %scan3A_67 : i32 to index
      %swap3A_73 = arith.constant 16 : index
      %swap3A_74 = tpu.vector_load %arg11[%swap3A_72, %swap3A_73] {strides = array<i32>} : memref<104x128xf32, #tpu.memory_space<vmem>>, vector<1x16xf32>,
      %swap3A_75 = vector.shape_cast %swap3A_74 : vector<1x16xf32> to vector<16xf32>
      %swap3A_76 = vector.shape_cast %broadcast_in_dim3A_1 : vector<16xf32> to vector<1x16xf32>
      tpu.vector_store %arg11[%swap3A_72, %swap3A_73], %swap3A_76 {strides = array<i32>} : memref<104x128xf32, #tpu.memory_space<vmem>>, vector<1x16xf32>,
      %swap3A_77 = arith.index_cast %scan3A_67 : i32 to index
      %swap3A_78 = arith.constant 32 : index
      %swap3A_79 = tpu.vector_load %arg11[%swap3A_77, %swap3A_78] {strides = array<i32>} : memref<104x128xf32, #tpu.memory_space<vmem>>, vector<1x16xf32>,
      %swap3A_80 = vector.shape_cast %swap3A_79 : vector<1x16xf32> to vector<16xf32>
      %swap3A_81 = vector.shape_cast %broadcast_in_dim3A_1 : vector<16xf32> to vector<1x16xf32>
      tpu.vector_store %arg11[%swap3A_77, %swap3A_78], %swap3A_81 {strides = array<i32>} : memref<104x128xf32, #tpu.memory_space<vmem>>, vector<1x16xf32>,
      %swap3A_82 = arith.index_cast %scan3A_67 : i32 to index
      %swap3A_83 = arith.constant 48 : index
      %swap3A_84 = tpu.vector_load %arg11[%swap3A_82, %swap3A_83] {strides = array<i32>} : memref<104x128xf32, #tpu.memory_space<vmem>>, vector<1x16xf32>,
      %swap3A_85 = vector.shape_cast %swap3A_84 : vector<1x16xf32> to vector<16xf32>
      %swap3A_86 = vector.shape_cast %broadcast_in_dim3A_1 : vector<16xf32> to vector<1x16xf32>
      tpu.vector_store %arg11[%swap3A_82, %swap3A_83], %swap3A_86 {strides = array<i32>} : memref<104x128xf32, #tpu.memory_space<vmem>>, vector<1x16xf32>,
      %swap3A_87 = arith.index_cast %scan3A_67 : i32 to index
      %swap3A_88 = arith.constant 64 : index
      %swap3A_89 = tpu.vector_load %arg11[%swap3A_87, %swap3A_88] {strides = array<i32>} : memref<104x128xf32, #tpu.memory_space<vmem>>, vector<1x16xf32>,
      %swap3A_90 = vector.shape_cast %swap3A_89 : vector<1x16xf32> to vector<16xf32>
      %swap3A_91 = vector.shape_cast %broadcast_in_dim3A_1 : vector<16xf32> to vector<1x16xf32>
      tpu.vector_store %arg11[%swap3A_87, %swap3A_88], %swap3A_91 {strides = array<i32>} : memref<104x128xf32, #tpu.memory_space<vmem>>, vector<1x16xf32>,
      %swap3A_92 = arith.index_cast %scan3A_67 : i32 to index
      %swap3A_93 = arith.constant 80 : index
      %swap3A_94 = tpu.vector_load %arg11[%swap3A_92, %swap3A_93] {strides = array<i32>} : memref<104x128xf32, #tpu.memory_space<vmem>>, vector<1x16xf32>,
      %swap3A_95 = vector.shape_cast %swap3A_94 : vector<1x16xf32> to vector<16xf32>
      %swap3A_96 = vector.shape_cast %broadcast_in_dim3A_1 : vector<16xf32> to vector<1x16xf32>
      tpu.vector_store %arg11[%swap3A_92, %swap3A_93], %swap3A_96 {strides = array<i32>} : memref<104x128xf32, #tpu.memory_space<vmem>>, vector<1x16xf32>,
      %swap3A_97 = arith.index_cast %scan3A_67 : i32 to index
      %swap3A_98 = arith.constant 96 : index
      %swap3A_99 = tpu.vector_load %arg11[%swap3A_97, %swap3A_98] {strides = array<i32>} : memref<104x128xf32, #tpu.memory_space<vmem>>, vector<1x16xf32>,
      %swap3A_100 = vector.shape_cast %swap3A_99 : vector<1x16xf32> to vector<16xf32>
      %swap3A_101 = vector.shape_cast %broadcast_in_dim3A_1 : vector<16xf32> to vector<1x16xf32>
      tpu.vector_store %arg11[%swap3A_97, %swap3A_98], %swap3A_101 {strides = array<i32>} : memref<104x128xf32, #tpu.memory_space<vmem>>, vector<1x16xf32>,
      %swap3A_102 = arith.index_cast %scan3A_67 : i32 to index
      %swap3A_103 = arith.constant 112 : index
      %swap3A_104 = tpu.vector_load %arg11[%swap3A_102, %swap3A_103] {strides = array<i32>} : memref<104x128xf32, #tpu.memory_space<vmem>>, vector<1x16xf32>,
      %swap3A_105 = vector.shape_cast %swap3A_104 : vector<1x16xf32> to vector<16xf32>
      %swap3A_106 = vector.shape_cast %broadcast_in_dim3A_1 : vector<16xf32> to vector<1x16xf32>
      tpu.vector_store %arg11[%swap3A_102, %swap3A_103], %swap3A_106 {strides = array<i32>} : memref<104x128xf32, #tpu.memory_space<vmem>>, vector<1x16xf32>,
    }
    %scan3A_6 = arith.constant 104 : i32
    %mul3A_7 = arith.constant 624 : i32
    %mul3A_8 = arith.muli %arg1, %mul3A_7 : i32
    %scan3A_9 = arith.constant 0 : i32
    %scan3A_10 = arith.constant 0 : i32
    %scan3A_11 = arith.constant 6 : i32
    %scan3A_12 = arith.addi %scan3A_10, %scan3A_11 : i32
    %scan3A_13 = arith.constant 1 : i32
    scf.for %scan3A_67 = %scan3A_10 to %scan3A_12 step %scan3A_13  : i32 {
      %mul3A_68 = arith.constant 104 : i32
      %mul3A_69 = arith.muli %scan3A_67, %mul3A_68 : i32
      %add3A_70 = arith.addi %mul3A_8, %mul3A_69 : i32
      "tpu.region"() ({
        %run_scoped3A_71 = tpu.sem_alloc : memref<!tpu.dma_semaphore, #tpu.memory_space<semaphore_mem>>
        %dma_start3A_72 = arith.constant 0 : i32
        %dma_start3A_73 = tpu.memref_slice %arg12[%add3A_70, %dma_start3A_72] : memref<10016x128xf32, #tpu.memory_space<vmem_shared>> -> memref<104x128xf32, #tpu.memory_space<vmem_shared>>
        %dma_start3A_74 = arith.constant 0 : i32
        %dma_start3A_75 = tpu.memref_slice %arg12[%add3A_70, %dma_start3A_74] : memref<10016x128xf32, #tpu.memory_space<vmem_shared>> -> memref<104x128xf32, #tpu.memory_space<vmem_shared>>
        tpu.enqueue_dma source(%arg11 : memref<104x128xf32, #tpu.memory_space<vmem>>) target(%dma_start3A_75 : memref<104x128xf32, #tpu.memory_space<vmem_shared>>) target_semaphore(%run_scoped3A_71 : memref<!tpu.dma_semaphore, #tpu.memory_space<semaphore_mem>>)
        %dma_wait3A = arith.constant 0 : i32
        %dma_wait3A_76 = tpu.memref_slice %arg12[%add3A_70, %dma_wait3A] : memref<10016x128xf32, #tpu.memory_space<vmem_shared>> -> memref<104x128xf32, #tpu.memory_space<vmem_shared>>
        %dma_wait3A_77 = arith.constant 0 : i32
        %dma_wait3A_78 = tpu.memref_slice %arg12[%add3A_70, %dma_wait3A_77] : memref<10016x128xf32, #tpu.memory_space<vmem_shared>> -> memref<104x128xf32, #tpu.memory_space<vmem_shared>>
        tpu.wait_dma2 semaphore(%run_scoped3A_71 : memref<!tpu.dma_semaphore, #tpu.memory_space<semaphore_mem>>) src(%arg11 : memref<104x128xf32, #tpu.memory_space<vmem>>) dst(%dma_wait3A_78 : memref<104x128xf32, #tpu.memory_space<vmem_shared>>)
        tpu.yield
      }) : () -> ()
    }
    %scan3A_14 = arith.constant 6 : i32
    %eq3A = arith.constant 15 : i32
    %eq3A_15 = arith.cmpi eq, %arg1, %eq3A : i32
    %convert_element_type3A = arith.extui %eq3A_15 : i1 to i32
    %cond3A = arith.constant 0 : i32
    %cond3A_16 = arith.cmpi ne, %convert_element_type3A, %cond3A : i32
    scf.if %cond3A_16 {
      %add3A_67 = arith.constant 624 : i32
      %add3A_68 = arith.addi %mul3A_8, %add3A_67 : i32
      "tpu.region"() ({
        %run_scoped3A_69 = tpu.sem_alloc : memref<!tpu.dma_semaphore, #tpu.memory_space<semaphore_mem>>
        %dma_start3A_70 = arith.constant 0 : i32
        %dma_start3A_71 = arith.constant 0 : i32
        %dma_start3A_72 = tpu.memref_slice %arg11[%dma_start3A_70, %dma_start3A_71] : memref<104x128xf32, #tpu.memory_space<vmem>> -> memref<32x128xf32, #tpu.memory_space<vmem>>
        %dma_start3A_73 = arith.constant 0 : i32
        %dma_start3A_74 = tpu.memref_slice %arg12[%add3A_68, %dma_start3A_73] : memref<10016x128xf32, #tpu.memory_space<vmem_shared>> -> memref<32x128xf32, #tpu.memory_space<vmem_shared>>
        %dma_start3A_75 = arith.constant 0 : i32
        %dma_start3A_76 = tpu.memref_slice %arg12[%add3A_68, %dma_start3A_75] : memref<10016x128xf32, #tpu.memory_space<vmem_shared>> -> memref<32x128xf32, #tpu.memory_space<vmem_shared>>
        %dma_start3A_77 = arith.constant 0 : i32
        %dma_start3A_78 = arith.constant 0 : i32
        %dma_start3A_79 = tpu.memref_slice %arg11[%dma_start3A_77, %dma_start3A_78] : memref<104x128xf32, #tpu.memory_space<vmem>> -> memref<32x128xf32, #tpu.memory_space<vmem>>
        tpu.enqueue_dma source(%dma_start3A_79 : memref<32x128xf32, #tpu.memory_space<vmem>>) target(%dma_start3A_76 : memref<32x128xf32, #tpu.memory_space<vmem_shared>>) target_semaphore(%run_scoped3A_69 : memref<!tpu.dma_semaphore, #tpu.memory_space<semaphore_mem>>)
        %dma_wait3A = arith.constant 0 : i32
        %dma_wait3A_80 = arith.constant 0 : i32
        %dma_wait3A_81 = tpu.memref_slice %arg11[%dma_wait3A, %dma_wait3A_80] : memref<104x128xf32, #tpu.memory_space<vmem>> -> memref<32x128xf32, #tpu.memory_space<vmem>>
        %dma_wait3A_82 = arith.constant 0 : i32
        %dma_wait3A_83 = tpu.memref_slice %arg12[%add3A_68, %dma_wait3A_82] : memref<10016x128xf32, #tpu.memory_space<vmem_shared>> -> memref<32x128xf32, #tpu.memory_space<vmem_shared>>
        %dma_wait3A_84 = arith.constant 0 : i32
        %dma_wait3A_85 = tpu.memref_slice %arg12[%add3A_68, %dma_wait3A_84] : memref<10016x128xf32, #tpu.memory_space<vmem_shared>> -> memref<32x128xf32, #tpu.memory_space<vmem_shared>>
        %dma_wait3A_86 = arith.constant 0 : i32
        %dma_wait3A_87 = arith.constant 0 : i32
        %dma_wait3A_88 = tpu.memref_slice %arg11[%dma_wait3A_86, %dma_wait3A_87] : memref<104x128xf32, #tpu.memory_space<vmem>> -> memref<32x128xf32, #tpu.memory_space<vmem>>
        tpu.wait_dma2 semaphore(%run_scoped3A_69 : memref<!tpu.dma_semaphore, #tpu.memory_space<semaphore_mem>>) src(%dma_wait3A_88 : memref<32x128xf32, #tpu.memory_space<vmem>>) dst(%dma_wait3A_85 : memref<32x128xf32, #tpu.memory_space<vmem_shared>>)
        tpu.yield
      }) : () -> ()
    } else {
    }
    %barrier3A = arith.constant 0 : index
    tpu.barrier barrier_id(%barrier3A)
    %run_scoped3A = arith.constant 0 : i32
    "tpu.region"() ({
      %run_scoped3A_67 = tpu.sem_alloc : memref<!tpu.dma_semaphore, #tpu.memory_space<semaphore_mem>>
      %dma_start3A_68 = arith.constant 0 : i32
      %dma_start3A_69 = tpu.memref_slice %arg3[%add3A, %run_scoped3A, %dma_start3A_68] : memref<32x79x256xi32, #tpu.memory_space<hbm>> -> memref<1x1x256xi32, #tpu.memory_space<hbm>>
      %dma_start3A_70 = tpu.memref_squeeze %dma_start3A_69 : memref<1x1x256xi32, #tpu.memory_space<hbm>> -> memref<256xi32, #tpu.memory_space<hbm>>
      %dma_start3A_71 = arith.constant 0 : i32
      %dma_start3A_72 = tpu.memref_slice %arg3[%add3A, %run_scoped3A, %dma_start3A_71] : memref<32x79x256xi32, #tpu.memory_space<hbm>> -> memref<1x1x256xi32, #tpu.memory_space<hbm>>
      %dma_start3A_73 = tpu.memref_squeeze %dma_start3A_72 : memref<1x1x256xi32, #tpu.memory_space<hbm>> -> memref<256xi32, #tpu.memory_space<hbm>>
      tpu.enqueue_dma source(%dma_start3A_73 : memref<256xi32, #tpu.memory_space<hbm>>) target(%arg5 : memref<256xi32, #tpu.memory_space<vmem>>) target_semaphore(%run_scoped3A_67 : memref<!tpu.dma_semaphore, #tpu.memory_space<semaphore_mem>>)
      %dma_wait3A = arith.constant 0 : i32
      %dma_wait3A_74 = tpu.memref_slice %arg3[%add3A, %run_scoped3A, %dma_wait3A] : memref<32x79x256xi32, #tpu.memory_space<hbm>> -> memref<1x1x256xi32, #tpu.memory_space<hbm>>
      %dma_wait3A_75 = tpu.memref_squeeze %dma_wait3A_74 : memref<1x1x256xi32, #tpu.memory_space<hbm>> -> memref<256xi32, #tpu.memory_space<hbm>>
      %dma_wait3A_76 = arith.constant 0 : i32
      %dma_wait3A_77 = tpu.memref_slice %arg3[%add3A, %run_scoped3A, %dma_wait3A_76] : memref<32x79x256xi32, #tpu.memory_space<hbm>> -> memref<1x1x256xi32, #tpu.memory_space<hbm>>
      %dma_wait3A_78 = tpu.memref_squeeze %dma_wait3A_77 : memref<1x1x256xi32, #tpu.memory_space<hbm>> -> memref<256xi32, #tpu.memory_space<hbm>>
      tpu.wait_dma2 semaphore(%run_scoped3A_67 : memref<!tpu.dma_semaphore, #tpu.memory_space<semaphore_mem>>) src(%dma_wait3A_78 : memref<256xi32, #tpu.memory_space<hbm>>) dst(%arg5 : memref<256xi32, #tpu.memory_space<vmem>>)
      tpu.yield
    }) : () -> ()
    %dma_start3A = arith.constant 0 : i32
    %dma_start3A_17 = tpu.memref_slice %arg5[%dma_start3A] : memref<256xi32, #tpu.memory_space<vmem>> -> memref<128xi32, #tpu.memory_space<vmem>>
    %dma_start3A_18 = arith.constant 0 : i32
    %dma_start3A_19 = arith.constant 0 : i32
    %dma_start3A_20 = tpu.memref_slice %arg2[%dma_start3A_18, %dma_start3A_19] : memref<10000x128xf32, #tpu.memory_space<hbm>> -> memref<10000x128xf32, #tpu.memory_space<hbm>>
    tpu.enqueue_indirect_dma source(%dma_start3A_20 : memref<10000x128xf32, #tpu.memory_space<hbm>>) target(%arg9 : memref<128x128xf32, #tpu.memory_space<vmem>>) offsets(%dma_start3A_17 : memref<128xi32, #tpu.memory_space<vmem>>) semaphore(%arg17 : memref<!tpu.dma_semaphore, #tpu.memory_space<semaphore_mem>>)
    %run_scoped3A_21 = arith.constant 1 : i32
    "tpu.region"() ({
      %run_scoped3A_67 = tpu.sem_alloc : memref<!tpu.dma_semaphore, #tpu.memory_space<semaphore_mem>>
      %dma_start3A_68 = arith.constant 0 : i32
      %dma_start3A_69 = tpu.memref_slice %arg3[%add3A, %run_scoped3A_21, %dma_start3A_68] : memref<32x79x256xi32, #tpu.memory_space<hbm>> -> memref<1x1x256xi32, #tpu.memory_space<hbm>>
      %dma_start3A_70 = tpu.memref_squeeze %dma_start3A_69 : memref<1x1x256xi32, #tpu.memory_space<hbm>> -> memref<256xi32, #tpu.memory_space<hbm>>
      %dma_start3A_71 = arith.constant 0 : i32
      %dma_start3A_72 = tpu.memref_slice %arg3[%add3A, %run_scoped3A_21, %dma_start3A_71] : memref<32x79x256xi32, #tpu.memory_space<hbm>> -> memref<1x1x256xi32, #tpu.memory_space<hbm>>
      %dma_start3A_73 = tpu.memref_squeeze %dma_start3A_72 : memref<1x1x256xi32, #tpu.memory_space<hbm>> -> memref<256xi32, #tpu.memory_space<hbm>>
      tpu.enqueue_dma source(%dma_start3A_73 : memref<256xi32, #tpu.memory_space<hbm>>) target(%arg6 : memref<256xi32, #tpu.memory_space<vmem>>) target_semaphore(%run_scoped3A_67 : memref<!tpu.dma_semaphore, #tpu.memory_space<semaphore_mem>>)
      %dma_wait3A = arith.constant 0 : i32
      %dma_wait3A_74 = tpu.memref_slice %arg3[%add3A, %run_scoped3A_21, %dma_wait3A] : memref<32x79x256xi32, #tpu.memory_space<hbm>> -> memref<1x1x256xi32, #tpu.memory_space<hbm>>
      %dma_wait3A_75 = tpu.memref_squeeze %dma_wait3A_74 : memref<1x1x256xi32, #tpu.memory_space<hbm>> -> memref<256xi32, #tpu.memory_space<hbm>>
      %dma_wait3A_76 = arith.constant 0 : i32
      %dma_wait3A_77 = tpu.memref_slice %arg3[%add3A, %run_scoped3A_21, %dma_wait3A_76] : memref<32x79x256xi32, #tpu.memory_space<hbm>> -> memref<1x1x256xi32, #tpu.memory_space<hbm>>
      %dma_wait3A_78 = tpu.memref_squeeze %dma_wait3A_77 : memref<1x1x256xi32, #tpu.memory_space<hbm>> -> memref<256xi32, #tpu.memory_space<hbm>>
      tpu.wait_dma2 semaphore(%run_scoped3A_67 : memref<!tpu.dma_semaphore, #tpu.memory_space<semaphore_mem>>) src(%dma_wait3A_78 : memref<256xi32, #tpu.memory_space<hbm>>) dst(%arg6 : memref<256xi32, #tpu.memory_space<vmem>>)
      tpu.yield
    }) : () -> ()
    %dma_start3A_22 = arith.constant 0 : i32
    %dma_start3A_23 = tpu.memref_slice %arg6[%dma_start3A_22] : memref<256xi32, #tpu.memory_space<vmem>> -> memref<128xi32, #tpu.memory_space<vmem>>
    %dma_start3A_24 = arith.constant 0 : i32
    %dma_start3A_25 = arith.constant 0 : i32
    %dma_start3A_26 = tpu.memref_slice %arg2[%dma_start3A_24, %dma_start3A_25] : memref<10000x128xf32, #tpu.memory_space<hbm>> -> memref<10000x128xf32, #tpu.memory_space<hbm>>
    tpu.enqueue_indirect_dma source(%dma_start3A_26 : memref<10000x128xf32, #tpu.memory_space<hbm>>) target(%arg10 : memref<128x128xf32, #tpu.memory_space<vmem>>) offsets(%dma_start3A_23 : memref<128xi32, #tpu.memory_space<vmem>>) semaphore(%arg18 : memref<!tpu.dma_semaphore, #tpu.memory_space<semaphore_mem>>)
    %dma_start3A_27 = arith.constant 2 : i32
    %dma_start3A_28 = arith.constant 0 : i32
    %dma_start3A_29 = tpu.memref_slice %arg3[%add3A, %dma_start3A_27, %dma_start3A_28] : memref<32x79x256xi32, #tpu.memory_space<hbm>> -> memref<1x1x256xi32, #tpu.memory_space<hbm>>
    %dma_start3A_30 = tpu.memref_squeeze %dma_start3A_29 : memref<1x1x256xi32, #tpu.memory_space<hbm>> -> memref<256xi32, #tpu.memory_space<hbm>>
    %dma_start3A_31 = arith.constant 0 : i32
    %dma_start3A_32 = tpu.memref_slice %arg3[%add3A, %dma_start3A_27, %dma_start3A_31] : memref<32x79x256xi32, #tpu.memory_space<hbm>> -> memref<1x1x256xi32, #tpu.memory_space<hbm>>
    %dma_start3A_33 = tpu.memref_squeeze %dma_start3A_32 : memref<1x1x256xi32, #tpu.memory_space<hbm>> -> memref<256xi32, #tpu.memory_space<hbm>>
    tpu.enqueue_dma source(%dma_start3A_33 : memref<256xi32, #tpu.memory_space<hbm>>) target(%arg7 : memref<256xi32, #tpu.memory_space<vmem>>) target_semaphore(%arg15 : memref<!tpu.dma_semaphore, #tpu.memory_space<semaphore_mem>>)
    %dma_start3A_34 = arith.constant 3 : i32
    %dma_start3A_35 = arith.constant 0 : i32
    %dma_start3A_36 = tpu.memref_slice %arg3[%add3A, %dma_start3A_34, %dma_start3A_35] : memref<32x79x256xi32, #tpu.memory_space<hbm>> -> memref<1x1x256xi32, #tpu.memory_space<hbm>>
    %dma_start3A_37 = tpu.memref_squeeze %dma_start3A_36 : memref<1x1x256xi32, #tpu.memory_space<hbm>> -> memref<256xi32, #tpu.memory_space<hbm>>
    %dma_start3A_38 = arith.constant 0 : i32
    %dma_start3A_39 = tpu.memref_slice %arg3[%add3A, %dma_start3A_34, %dma_start3A_38] : memref<32x79x256xi32, #tpu.memory_space<hbm>> -> memref<1x1x256xi32, #tpu.memory_space<hbm>>
    %dma_start3A_40 = tpu.memref_squeeze %dma_start3A_39 : memref<1x1x256xi32, #tpu.memory_space<hbm>> -> memref<256xi32, #tpu.memory_space<hbm>>
    tpu.enqueue_dma source(%dma_start3A_40 : memref<256xi32, #tpu.memory_space<hbm>>) target(%arg8 : memref<256xi32, #tpu.memory_space<vmem>>) target_semaphore(%arg16 : memref<!tpu.dma_semaphore, #tpu.memory_space<semaphore_mem>>)
    %scan3A_41 = arith.constant 0 : i32
    %scan3A_42 = arith.constant 0 : i32
    %scan3A_43 = arith.constant 79 : i32
    %scan3A_44 = arith.addi %scan3A_42, %scan3A_43 : i32
    %scan3A_45 = arith.constant 1 : i32
    scf.for %scan3A_67 = %scan3A_42 to %scan3A_44 step %scan3A_45  : i32 {
      %rem3A = arith.constant 4 : i32
      %rem3A_68 = arith.remsi %scan3A_67, %rem3A : i32
      %eq3A_69 = arith.constant 0 : i32
      %eq3A_70 = arith.cmpi eq, %rem3A_68, %eq3A_69 : i32
      %convert_element_type3A_71 = arith.extui %eq3A_70 : i1 to i32
      %cond3A_72 = arith.constant 0 : i32
      %cond3A_73 = arith.cmpi ne, %convert_element_type3A_71, %cond3A_72 : i32
      scf.if %cond3A_73 {
        %dma_wait3A = arith.constant 0 : i32
        %dma_wait3A_95 = tpu.memref_slice %arg5[%dma_wait3A] : memref<256xi32, #tpu.memory_space<vmem>> -> memref<128xi32, #tpu.memory_space<vmem>>
        %dma_wait3A_96 = arith.constant 0 : i32
        %dma_wait3A_97 = arith.constant 0 : i32
        %dma_wait3A_98 = tpu.memref_slice %arg2[%dma_wait3A_96, %dma_wait3A_97] : memref<10000x128xf32, #tpu.memory_space<hbm>> -> memref<10000x128xf32, #tpu.memory_space<hbm>>
        tpu.wait_indirect_dma semaphore(%arg17 : memref<!tpu.dma_semaphore, #tpu.memory_space<semaphore_mem>>) src(%dma_wait3A_98 : memref<10000x128xf32, #tpu.memory_space<hbm>>) dst(%arg9 : memref<128x128xf32, #tpu.memory_space<vmem>>)
        "tpu.region"() ({
          %run_scoped3A_112 = tpu.sem_alloc : memref<!tpu.dma_semaphore, #tpu.memory_space<semaphore_mem>>
          %dma_start3A_113 = arith.constant 128 : i32
          %dma_start3A_114 = tpu.memref_slice %arg5[%dma_start3A_113] : memref<256xi32, #tpu.memory_space<vmem>> -> memref<128xi32, #tpu.memory_space<vmem>>
          %dma_start3A_115 = arith.constant 0 : i32
          %dma_start3A_116 = arith.constant 0 : i32
          %dma_start3A_117 = tpu.memref_slice %arg12[%dma_start3A_115, %dma_start3A_116] : memref<10016x128xf32, #tpu.memory_space<vmem_shared>> -> memref<10016x128xf32, #tpu.memory_space<vmem_shared>>
          tpu.enqueue_indirect_dma source(%arg9 : memref<128x128xf32, #tpu.memory_space<vmem>>) target(%dma_start3A_117 : memref<10016x128xf32, #tpu.memory_space<vmem_shared>>) offsets(%dma_start3A_114 : memref<128xi32, #tpu.memory_space<vmem>>) semaphore(%run_scoped3A_112 : memref<!tpu.dma_semaphore, #tpu.memory_space<semaphore_mem>>) {add = true}
          %dma_wait3A_118 = arith.constant 128 : i32
          %dma_wait3A_119 = tpu.memref_slice %arg5[%dma_wait3A_118] : memref<256xi32, #tpu.memory_space<vmem>> -> memref<128xi32, #tpu.memory_space<vmem>>
          %dma_wait3A_120 = arith.constant 0 : i32
          %dma_wait3A_121 = arith.constant 0 : i32
          %dma_wait3A_122 = tpu.memref_slice %arg12[%dma_wait3A_120, %dma_wait3A_121] : memref<10016x128xf32, #tpu.memory_space<vmem_shared>> -> memref<10016x128xf32, #tpu.memory_space<vmem_shared>>
          tpu.wait_indirect_dma semaphore(%run_scoped3A_112 : memref<!tpu.dma_semaphore, #tpu.memory_space<semaphore_mem>>) src(%arg9 : memref<128x128xf32, #tpu.memory_space<vmem>>) dst(%dma_wait3A_122 : memref<10016x128xf32, #tpu.memory_space<vmem_shared>>)
          tpu.yield
        }) : () -> ()
        %add3A_99 = arith.constant 2 : i32
        %add3A_100 = arith.addi %scan3A_67, %add3A_99 : i32
        %lt3A = arith.constant 79 : i32
        %lt3A_101 = arith.cmpi slt, %add3A_100, %lt3A : i32
        %convert_element_type3A_102 = arith.extui %lt3A_101 : i1 to i32
        %cond3A_103 = arith.constant 0 : i32
        %cond3A_104 = arith.cmpi ne, %convert_element_type3A_102, %cond3A_103 : i32
        scf.if %cond3A_104 {
          %add3A_112 = arith.constant 2 : i32
          %add3A_113 = arith.addi %scan3A_67, %add3A_112 : i32
          %dma_wait3A_114 = arith.constant 0 : i32
          %dma_wait3A_115 = tpu.memref_slice %arg3[%add3A, %add3A_113, %dma_wait3A_114] : memref<32x79x256xi32, #tpu.memory_space<hbm>> -> memref<1x1x256xi32, #tpu.memory_space<hbm>>
          %dma_wait3A_116 = tpu.memref_squeeze %dma_wait3A_115 : memref<1x1x256xi32, #tpu.memory_space<hbm>> -> memref<256xi32, #tpu.memory_space<hbm>>
          %dma_wait3A_117 = arith.constant 0 : i32
          %dma_wait3A_118 = tpu.memref_slice %arg3[%add3A, %add3A_113, %dma_wait3A_117] : memref<32x79x256xi32, #tpu.memory_space<hbm>> -> memref<1x1x256xi32, #tpu.memory_space<hbm>>
          %dma_wait3A_119 = tpu.memref_squeeze %dma_wait3A_118 : memref<1x1x256xi32, #tpu.memory_space<hbm>> -> memref<256xi32, #tpu.memory_space<hbm>>
          tpu.wait_dma2 semaphore(%arg15 : memref<!tpu.dma_semaphore, #tpu.memory_space<semaphore_mem>>) src(%dma_wait3A_119 : memref<256xi32, #tpu.memory_space<hbm>>) dst(%arg7 : memref<256xi32, #tpu.memory_space<vmem>>)
          %dma_start3A_120 = arith.constant 0 : i32
          %dma_start3A_121 = tpu.memref_slice %arg7[%dma_start3A_120] : memref<256xi32, #tpu.memory_space<vmem>> -> memref<128xi32, #tpu.memory_space<vmem>>
          %dma_start3A_122 = arith.constant 0 : i32
          %dma_start3A_123 = arith.constant 0 : i32
          %dma_start3A_124 = tpu.memref_slice %arg2[%dma_start3A_122, %dma_start3A_123] : memref<10000x128xf32, #tpu.memory_space<hbm>> -> memref<10000x128xf32, #tpu.memory_space<hbm>>
          tpu.enqueue_indirect_dma source(%dma_start3A_124 : memref<10000x128xf32, #tpu.memory_space<hbm>>) target(%arg9 : memref<128x128xf32, #tpu.memory_space<vmem>>) offsets(%dma_start3A_121 : memref<128xi32, #tpu.memory_space<vmem>>) semaphore(%arg17 : memref<!tpu.dma_semaphore, #tpu.memory_space<semaphore_mem>>)
        } else {
        }
        %add3A_105 = arith.constant 4 : i32
        %add3A_106 = arith.addi %scan3A_67, %add3A_105 : i32
        %lt3A_107 = arith.constant 79 : i32
        %lt3A_108 = arith.cmpi slt, %add3A_106, %lt3A_107 : i32
        %convert_element_type3A_109 = arith.extui %lt3A_108 : i1 to i32
        %cond3A_110 = arith.constant 0 : i32
        %cond3A_111 = arith.cmpi ne, %convert_element_type3A_109, %cond3A_110 : i32
        scf.if %cond3A_111 {
          %add3A_112 = arith.constant 4 : i32
          %add3A_113 = arith.addi %scan3A_67, %add3A_112 : i32
          %dma_start3A_114 = arith.constant 0 : i32
          %dma_start3A_115 = tpu.memref_slice %arg3[%add3A, %add3A_113, %dma_start3A_114] : memref<32x79x256xi32, #tpu.memory_space<hbm>> -> memref<1x1x256xi32, #tpu.memory_space<hbm>>
          %dma_start3A_116 = tpu.memref_squeeze %dma_start3A_115 : memref<1x1x256xi32, #tpu.memory_space<hbm>> -> memref<256xi32, #tpu.memory_space<hbm>>
          %dma_start3A_117 = arith.constant 0 : i32
          %dma_start3A_118 = tpu.memref_slice %arg3[%add3A, %add3A_113, %dma_start3A_117] : memref<32x79x256xi32, #tpu.memory_space<hbm>> -> memref<1x1x256xi32, #tpu.memory_space<hbm>>
          %dma_start3A_119 = tpu.memref_squeeze %dma_start3A_118 : memref<1x1x256xi32, #tpu.memory_space<hbm>> -> memref<256xi32, #tpu.memory_space<hbm>>
          tpu.enqueue_dma source(%dma_start3A_119 : memref<256xi32, #tpu.memory_space<hbm>>) target(%arg5 : memref<256xi32, #tpu.memory_space<vmem>>) target_semaphore(%arg13 : memref<!tpu.dma_semaphore, #tpu.memory_space<semaphore_mem>>)
        } else {
        }
      } else {
      }
      %rem3A_74 = arith.constant 4 : i32
      %rem3A_75 = arith.remsi %scan3A_67, %rem3A_74 : i32
      %eq3A_76 = arith.constant 1 : i32
      %eq3A_77 = arith.cmpi eq, %rem3A_75, %eq3A_76 : i32
      %convert_element_type3A_78 = arith.extui %eq3A_77 : i1 to i32
      %cond3A_79 = arith.constant 0 : i32
      %cond3A_80 = arith.cmpi ne, %convert_element_type3A_78, %cond3A_79 : i32
      scf.if %cond3A_80 {
        %dma_wait3A = arith.constant 0 : i32
        %dma_wait3A_95 = tpu.memref_slice %arg6[%dma_wait3A] : memref<256xi32, #tpu.memory_space<vmem>> -> memref<128xi32, #tpu.memory_space<vmem>>
        %dma_wait3A_96 = arith.constant 0 : i32
        %dma_wait3A_97 = arith.constant 0 : i32
        %dma_wait3A_98 = tpu.memref_slice %arg2[%dma_wait3A_96, %dma_wait3A_97] : memref<10000x128xf32, #tpu.memory_space<hbm>> -> memref<10000x128xf32, #tpu.memory_space<hbm>>
        tpu.wait_indirect_dma semaphore(%arg18 : memref<!tpu.dma_semaphore, #tpu.memory_space<semaphore_mem>>) src(%dma_wait3A_98 : memref<10000x128xf32, #tpu.memory_space<hbm>>) dst(%arg10 : memref<128x128xf32, #tpu.memory_space<vmem>>)
        "tpu.region"() ({
          %run_scoped3A_112 = tpu.sem_alloc : memref<!tpu.dma_semaphore, #tpu.memory_space<semaphore_mem>>
          %dma_start3A_113 = arith.constant 128 : i32
          %dma_start3A_114 = tpu.memref_slice %arg6[%dma_start3A_113] : memref<256xi32, #tpu.memory_space<vmem>> -> memref<128xi32, #tpu.memory_space<vmem>>
          %dma_start3A_115 = arith.constant 0 : i32
          %dma_start3A_116 = arith.constant 0 : i32
          %dma_start3A_117 = tpu.memref_slice %arg12[%dma_start3A_115, %dma_start3A_116] : memref<10016x128xf32, #tpu.memory_space<vmem_shared>> -> memref<10016x128xf32, #tpu.memory_space<vmem_shared>>
          tpu.enqueue_indirect_dma source(%arg10 : memref<128x128xf32, #tpu.memory_space<vmem>>) target(%dma_start3A_117 : memref<10016x128xf32, #tpu.memory_space<vmem_shared>>) offsets(%dma_start3A_114 : memref<128xi32, #tpu.memory_space<vmem>>) semaphore(%run_scoped3A_112 : memref<!tpu.dma_semaphore, #tpu.memory_space<semaphore_mem>>) {add = true}
          %dma_wait3A_118 = arith.constant 128 : i32
          %dma_wait3A_119 = tpu.memref_slice %arg6[%dma_wait3A_118] : memref<256xi32, #tpu.memory_space<vmem>> -> memref<128xi32, #tpu.memory_space<vmem>>
          %dma_wait3A_120 = arith.constant 0 : i32
          %dma_wait3A_121 = arith.constant 0 : i32
          %dma_wait3A_122 = tpu.memref_slice %arg12[%dma_wait3A_120, %dma_wait3A_121] : memref<10016x128xf32, #tpu.memory_space<vmem_shared>> -> memref<10016x128xf32, #tpu.memory_space<vmem_shared>>
          tpu.wait_indirect_dma semaphore(%run_scoped3A_112 : memref<!tpu.dma_semaphore, #tpu.memory_space<semaphore_mem>>) src(%arg10 : memref<128x128xf32, #tpu.memory_space<vmem>>) dst(%dma_wait3A_122 : memref<10016x128xf32, #tpu.memory_space<vmem_shared>>)
          tpu.yield
        }) : () -> ()
        %add3A_99 = arith.constant 2 : i32
        %add3A_100 = arith.addi %scan3A_67, %add3A_99 : i32
        %lt3A = arith.constant 79 : i32
        %lt3A_101 = arith.cmpi slt, %add3A_100, %lt3A : i32
        %convert_element_type3A_102 = arith.extui %lt3A_101 : i1 to i32
        %cond3A_103 = arith.constant 0 : i32
        %cond3A_104 = arith.cmpi ne, %convert_element_type3A_102, %cond3A_103 : i32
        scf.if %cond3A_104 {
          %add3A_112 = arith.constant 2 : i32
          %add3A_113 = arith.addi %scan3A_67, %add3A_112 : i32
          %dma_wait3A_114 = arith.constant 0 : i32
          %dma_wait3A_115 = tpu.memref_slice %arg3[%add3A, %add3A_113, %dma_wait3A_114] : memref<32x79x256xi32, #tpu.memory_space<hbm>> -> memref<1x1x256xi32, #tpu.memory_space<hbm>>
          %dma_wait3A_116 = tpu.memref_squeeze %dma_wait3A_115 : memref<1x1x256xi32, #tpu.memory_space<hbm>> -> memref<256xi32, #tpu.memory_space<hbm>>
          %dma_wait3A_117 = arith.constant 0 : i32
          %dma_wait3A_118 = tpu.memref_slice %arg3[%add3A, %add3A_113, %dma_wait3A_117] : memref<32x79x256xi32, #tpu.memory_space<hbm>> -> memref<1x1x256xi32, #tpu.memory_space<hbm>>
          %dma_wait3A_119 = tpu.memref_squeeze %dma_wait3A_118 : memref<1x1x256xi32, #tpu.memory_space<hbm>> -> memref<256xi32, #tpu.memory_space<hbm>>
          tpu.wait_dma2 semaphore(%arg16 : memref<!tpu.dma_semaphore, #tpu.memory_space<semaphore_mem>>) src(%dma_wait3A_119 : memref<256xi32, #tpu.memory_space<hbm>>) dst(%arg8 : memref<256xi32, #tpu.memory_space<vmem>>)
          %dma_start3A_120 = arith.constant 0 : i32
          %dma_start3A_121 = tpu.memref_slice %arg8[%dma_start3A_120] : memref<256xi32, #tpu.memory_space<vmem>> -> memref<128xi32, #tpu.memory_space<vmem>>
          %dma_start3A_122 = arith.constant 0 : i32
          %dma_start3A_123 = arith.constant 0 : i32
          %dma_start3A_124 = tpu.memref_slice %arg2[%dma_start3A_122, %dma_start3A_123] : memref<10000x128xf32, #tpu.memory_space<hbm>> -> memref<10000x128xf32, #tpu.memory_space<hbm>>
          tpu.enqueue_indirect_dma source(%dma_start3A_124 : memref<10000x128xf32, #tpu.memory_space<hbm>>) target(%arg10 : memref<128x128xf32, #tpu.memory_space<vmem>>) offsets(%dma_start3A_121 : memref<128xi32, #tpu.memory_space<vmem>>) semaphore(%arg18 : memref<!tpu.dma_semaphore, #tpu.memory_space<semaphore_mem>>)
        } else {
        }
        %add3A_105 = arith.constant 4 : i32
        %add3A_106 = arith.addi %scan3A_67, %add3A_105 : i32
        %lt3A_107 = arith.constant 79 : i32
        %lt3A_108 = arith.cmpi slt, %add3A_106, %lt3A_107 : i32
        %convert_element_type3A_109 = arith.extui %lt3A_108 : i1 to i32
        %cond3A_110 = arith.constant 0 : i32
        %cond3A_111 = arith.cmpi ne, %convert_element_type3A_109, %cond3A_110 : i32
        scf.if %cond3A_111 {
          %add3A_112 = arith.constant 4 : i32
          %add3A_113 = arith.addi %scan3A_67, %add3A_112 : i32
          %dma_start3A_114 = arith.constant 0 : i32
          %dma_start3A_115 = tpu.memref_slice %arg3[%add3A, %add3A_113, %dma_start3A_114] : memref<32x79x256xi32, #tpu.memory_space<hbm>> -> memref<1x1x256xi32, #tpu.memory_space<hbm>>
          %dma_start3A_116 = tpu.memref_squeeze %dma_start3A_115 : memref<1x1x256xi32, #tpu.memory_space<hbm>> -> memref<256xi32, #tpu.memory_space<hbm>>
          %dma_start3A_117 = arith.constant 0 : i32
          %dma_start3A_118 = tpu.memref_slice %arg3[%add3A, %add3A_113, %dma_start3A_117] : memref<32x79x256xi32, #tpu.memory_space<hbm>> -> memref<1x1x256xi32, #tpu.memory_space<hbm>>
          %dma_start3A_119 = tpu.memref_squeeze %dma_start3A_118 : memref<1x1x256xi32, #tpu.memory_space<hbm>> -> memref<256xi32, #tpu.memory_space<hbm>>
          tpu.enqueue_dma source(%dma_start3A_119 : memref<256xi32, #tpu.memory_space<hbm>>) target(%arg6 : memref<256xi32, #tpu.memory_space<vmem>>) target_semaphore(%arg14 : memref<!tpu.dma_semaphore, #tpu.memory_space<semaphore_mem>>)
        } else {
        }
      } else {
      }
      %rem3A_81 = arith.constant 4 : i32
      %rem3A_82 = arith.remsi %scan3A_67, %rem3A_81 : i32
      %eq3A_83 = arith.constant 2 : i32
      %eq3A_84 = arith.cmpi eq, %rem3A_82, %eq3A_83 : i32
      %convert_element_type3A_85 = arith.extui %eq3A_84 : i1 to i32
      %cond3A_86 = arith.constant 0 : i32
      %cond3A_87 = arith.cmpi ne, %convert_element_type3A_85, %cond3A_86 : i32
      scf.if %cond3A_87 {
        %dma_wait3A = arith.constant 0 : i32
        %dma_wait3A_95 = tpu.memref_slice %arg7[%dma_wait3A] : memref<256xi32, #tpu.memory_space<vmem>> -> memref<128xi32, #tpu.memory_space<vmem>>
        %dma_wait3A_96 = arith.constant 0 : i32
        %dma_wait3A_97 = arith.constant 0 : i32
        %dma_wait3A_98 = tpu.memref_slice %arg2[%dma_wait3A_96, %dma_wait3A_97] : memref<10000x128xf32, #tpu.memory_space<hbm>> -> memref<10000x128xf32, #tpu.memory_space<hbm>>
        tpu.wait_indirect_dma semaphore(%arg17 : memref<!tpu.dma_semaphore, #tpu.memory_space<semaphore_mem>>) src(%dma_wait3A_98 : memref<10000x128xf32, #tpu.memory_space<hbm>>) dst(%arg9 : memref<128x128xf32, #tpu.memory_space<vmem>>)
        "tpu.region"() ({
          %run_scoped3A_112 = tpu.sem_alloc : memref<!tpu.dma_semaphore, #tpu.memory_space<semaphore_mem>>
          %dma_start3A_113 = arith.constant 128 : i32
          %dma_start3A_114 = tpu.memref_slice %arg7[%dma_start3A_113] : memref<256xi32, #tpu.memory_space<vmem>> -> memref<128xi32, #tpu.memory_space<vmem>>
          %dma_start3A_115 = arith.constant 0 : i32
          %dma_start3A_116 = arith.constant 0 : i32
          %dma_start3A_117 = tpu.memref_slice %arg12[%dma_start3A_115, %dma_start3A_116] : memref<10016x128xf32, #tpu.memory_space<vmem_shared>> -> memref<10016x128xf32, #tpu.memory_space<vmem_shared>>
          tpu.enqueue_indirect_dma source(%arg9 : memref<128x128xf32, #tpu.memory_space<vmem>>) target(%dma_start3A_117 : memref<10016x128xf32, #tpu.memory_space<vmem_shared>>) offsets(%dma_start3A_114 : memref<128xi32, #tpu.memory_space<vmem>>) semaphore(%run_scoped3A_112 : memref<!tpu.dma_semaphore, #tpu.memory_space<semaphore_mem>>) {add = true}
          %dma_wait3A_118 = arith.constant 128 : i32
          %dma_wait3A_119 = tpu.memref_slice %arg7[%dma_wait3A_118] : memref<256xi32, #tpu.memory_space<vmem>> -> memref<128xi32, #tpu.memory_space<vmem>>
          %dma_wait3A_120 = arith.constant 0 : i32
          %dma_wait3A_121 = arith.constant 0 : i32
          %dma_wait3A_122 = tpu.memref_slice %arg12[%dma_wait3A_120, %dma_wait3A_121] : memref<10016x128xf32, #tpu.memory_space<vmem_shared>> -> memref<10016x128xf32, #tpu.memory_space<vmem_shared>>
          tpu.wait_indirect_dma semaphore(%run_scoped3A_112 : memref<!tpu.dma_semaphore, #tpu.memory_space<semaphore_mem>>) src(%arg9 : memref<128x128xf32, #tpu.memory_space<vmem>>) dst(%dma_wait3A_122 : memref<10016x128xf32, #tpu.memory_space<vmem_shared>>)
          tpu.yield
        }) : () -> ()
        %add3A_99 = arith.constant 2 : i32
        %add3A_100 = arith.addi %scan3A_67, %add3A_99 : i32
        %lt3A = arith.constant 79 : i32
        %lt3A_101 = arith.cmpi slt, %add3A_100, %lt3A : i32
        %convert_element_type3A_102 = arith.extui %lt3A_101 : i1 to i32
        %cond3A_103 = arith.constant 0 : i32
        %cond3A_104 = arith.cmpi ne, %convert_element_type3A_102, %cond3A_103 : i32
        scf.if %cond3A_104 {
          %add3A_112 = arith.constant 2 : i32
          %add3A_113 = arith.addi %scan3A_67, %add3A_112 : i32
          %dma_wait3A_114 = arith.constant 0 : i32
          %dma_wait3A_115 = tpu.memref_slice %arg3[%add3A, %add3A_113, %dma_wait3A_114] : memref<32x79x256xi32, #tpu.memory_space<hbm>> -> memref<1x1x256xi32, #tpu.memory_space<hbm>>
          %dma_wait3A_116 = tpu.memref_squeeze %dma_wait3A_115 : memref<1x1x256xi32, #tpu.memory_space<hbm>> -> memref<256xi32, #tpu.memory_space<hbm>>
          %dma_wait3A_117 = arith.constant 0 : i32
          %dma_wait3A_118 = tpu.memref_slice %arg3[%add3A, %add3A_113, %dma_wait3A_117] : memref<32x79x256xi32, #tpu.memory_space<hbm>> -> memref<1x1x256xi32, #tpu.memory_space<hbm>>
          %dma_wait3A_119 = tpu.memref_squeeze %dma_wait3A_118 : memref<1x1x256xi32, #tpu.memory_space<hbm>> -> memref<256xi32, #tpu.memory_space<hbm>>
          tpu.wait_dma2 semaphore(%arg13 : memref<!tpu.dma_semaphore, #tpu.memory_space<semaphore_mem>>) src(%dma_wait3A_119 : memref<256xi32, #tpu.memory_space<hbm>>) dst(%arg5 : memref<256xi32, #tpu.memory_space<vmem>>)
          %dma_start3A_120 = arith.constant 0 : i32
          %dma_start3A_121 = tpu.memref_slice %arg5[%dma_start3A_120] : memref<256xi32, #tpu.memory_space<vmem>> -> memref<128xi32, #tpu.memory_space<vmem>>
          %dma_start3A_122 = arith.constant 0 : i32
          %dma_start3A_123 = arith.constant 0 : i32
          %dma_start3A_124 = tpu.memref_slice %arg2[%dma_start3A_122, %dma_start3A_123] : memref<10000x128xf32, #tpu.memory_space<hbm>> -> memref<10000x128xf32, #tpu.memory_space<hbm>>
          tpu.enqueue_indirect_dma source(%dma_start3A_124 : memref<10000x128xf32, #tpu.memory_space<hbm>>) target(%arg9 : memref<128x128xf32, #tpu.memory_space<vmem>>) offsets(%dma_start3A_121 : memref<128xi32, #tpu.memory_space<vmem>>) semaphore(%arg17 : memref<!tpu.dma_semaphore, #tpu.memory_space<semaphore_mem>>)
        } else {
        }
        %add3A_105 = arith.constant 4 : i32
        %add3A_106 = arith.addi %scan3A_67, %add3A_105 : i32
        %lt3A_107 = arith.constant 79 : i32
        %lt3A_108 = arith.cmpi slt, %add3A_106, %lt3A_107 : i32
        %convert_element_type3A_109 = arith.extui %lt3A_108 : i1 to i32
        %cond3A_110 = arith.constant 0 : i32
        %cond3A_111 = arith.cmpi ne, %convert_element_type3A_109, %cond3A_110 : i32
        scf.if %cond3A_111 {
          %add3A_112 = arith.constant 4 : i32
          %add3A_113 = arith.addi %scan3A_67, %add3A_112 : i32
          %dma_start3A_114 = arith.constant 0 : i32
          %dma_start3A_115 = tpu.memref_slice %arg3[%add3A, %add3A_113, %dma_start3A_114] : memref<32x79x256xi32, #tpu.memory_space<hbm>> -> memref<1x1x256xi32, #tpu.memory_space<hbm>>
          %dma_start3A_116 = tpu.memref_squeeze %dma_start3A_115 : memref<1x1x256xi32, #tpu.memory_space<hbm>> -> memref<256xi32, #tpu.memory_space<hbm>>
          %dma_start3A_117 = arith.constant 0 : i32
          %dma_start3A_118 = tpu.memref_slice %arg3[%add3A, %add3A_113, %dma_start3A_117] : memref<32x79x256xi32, #tpu.memory_space<hbm>> -> memref<1x1x256xi32, #tpu.memory_space<hbm>>
          %dma_start3A_119 = tpu.memref_squeeze %dma_start3A_118 : memref<1x1x256xi32, #tpu.memory_space<hbm>> -> memref<256xi32, #tpu.memory_space<hbm>>
          tpu.enqueue_dma source(%dma_start3A_119 : memref<256xi32, #tpu.memory_space<hbm>>) target(%arg7 : memref<256xi32, #tpu.memory_space<vmem>>) target_semaphore(%arg15 : memref<!tpu.dma_semaphore, #tpu.memory_space<semaphore_mem>>)
        } else {
        }
      } else {
      }
      %rem3A_88 = arith.constant 4 : i32
      %rem3A_89 = arith.remsi %scan3A_67, %rem3A_88 : i32
      %eq3A_90 = arith.constant 3 : i32
      %eq3A_91 = arith.cmpi eq, %rem3A_89, %eq3A_90 : i32
      %convert_element_type3A_92 = arith.extui %eq3A_91 : i1 to i32
      %cond3A_93 = arith.constant 0 : i32
      %cond3A_94 = arith.cmpi ne, %convert_element_type3A_92, %cond3A_93 : i32
      scf.if %cond3A_94 {
        %dma_wait3A = arith.constant 0 : i32
        %dma_wait3A_95 = tpu.memref_slice %arg8[%dma_wait3A] : memref<256xi32, #tpu.memory_space<vmem>> -> memref<128xi32, #tpu.memory_space<vmem>>
        %dma_wait3A_96 = arith.constant 0 : i32
        %dma_wait3A_97 = arith.constant 0 : i32
        %dma_wait3A_98 = tpu.memref_slice %arg2[%dma_wait3A_96, %dma_wait3A_97] : memref<10000x128xf32, #tpu.memory_space<hbm>> -> memref<10000x128xf32, #tpu.memory_space<hbm>>
        tpu.wait_indirect_dma semaphore(%arg18 : memref<!tpu.dma_semaphore, #tpu.memory_space<semaphore_mem>>) src(%dma_wait3A_98 : memref<10000x128xf32, #tpu.memory_space<hbm>>) dst(%arg10 : memref<128x128xf32, #tpu.memory_space<vmem>>)
        "tpu.region"() ({
          %run_scoped3A_112 = tpu.sem_alloc : memref<!tpu.dma_semaphore, #tpu.memory_space<semaphore_mem>>
          %dma_start3A_113 = arith.constant 128 : i32
          %dma_start3A_114 = tpu.memref_slice %arg8[%dma_start3A_113] : memref<256xi32, #tpu.memory_space<vmem>> -> memref<128xi32, #tpu.memory_space<vmem>>
          %dma_start3A_115 = arith.constant 0 : i32
          %dma_start3A_116 = arith.constant 0 : i32
          %dma_start3A_117 = tpu.memref_slice %arg12[%dma_start3A_115, %dma_start3A_116] : memref<10016x128xf32, #tpu.memory_space<vmem_shared>> -> memref<10016x128xf32, #tpu.memory_space<vmem_shared>>
          tpu.enqueue_indirect_dma source(%arg10 : memref<128x128xf32, #tpu.memory_space<vmem>>) target(%dma_start3A_117 : memref<10016x128xf32, #tpu.memory_space<vmem_shared>>) offsets(%dma_start3A_114 : memref<128xi32, #tpu.memory_space<vmem>>) semaphore(%run_scoped3A_112 : memref<!tpu.dma_semaphore, #tpu.memory_space<semaphore_mem>>) {add = true}
          %dma_wait3A_118 = arith.constant 128 : i32
          %dma_wait3A_119 = tpu.memref_slice %arg8[%dma_wait3A_118] : memref<256xi32, #tpu.memory_space<vmem>> -> memref<128xi32, #tpu.memory_space<vmem>>
          %dma_wait3A_120 = arith.constant 0 : i32
          %dma_wait3A_121 = arith.constant 0 : i32
          %dma_wait3A_122 = tpu.memref_slice %arg12[%dma_wait3A_120, %dma_wait3A_121] : memref<10016x128xf32, #tpu.memory_space<vmem_shared>> -> memref<10016x128xf32, #tpu.memory_space<vmem_shared>>
          tpu.wait_indirect_dma semaphore(%run_scoped3A_112 : memref<!tpu.dma_semaphore, #tpu.memory_space<semaphore_mem>>) src(%arg10 : memref<128x128xf32, #tpu.memory_space<vmem>>) dst(%dma_wait3A_122 : memref<10016x128xf32, #tpu.memory_space<vmem_shared>>)
          tpu.yield
        }) : () -> ()
        %add3A_99 = arith.constant 2 : i32
        %add3A_100 = arith.addi %scan3A_67, %add3A_99 : i32
        %lt3A = arith.constant 79 : i32
        %lt3A_101 = arith.cmpi slt, %add3A_100, %lt3A : i32
        %convert_element_type3A_102 = arith.extui %lt3A_101 : i1 to i32
        %cond3A_103 = arith.constant 0 : i32
        %cond3A_104 = arith.cmpi ne, %convert_element_type3A_102, %cond3A_103 : i32
        scf.if %cond3A_104 {
          %add3A_112 = arith.constant 2 : i32
          %add3A_113 = arith.addi %scan3A_67, %add3A_112 : i32
          %dma_wait3A_114 = arith.constant 0 : i32
          %dma_wait3A_115 = tpu.memref_slice %arg3[%add3A, %add3A_113, %dma_wait3A_114] : memref<32x79x256xi32, #tpu.memory_space<hbm>> -> memref<1x1x256xi32, #tpu.memory_space<hbm>>
          %dma_wait3A_116 = tpu.memref_squeeze %dma_wait3A_115 : memref<1x1x256xi32, #tpu.memory_space<hbm>> -> memref<256xi32, #tpu.memory_space<hbm>>
          %dma_wait3A_117 = arith.constant 0 : i32
          %dma_wait3A_118 = tpu.memref_slice %arg3[%add3A, %add3A_113, %dma_wait3A_117] : memref<32x79x256xi32, #tpu.memory_space<hbm>> -> memref<1x1x256xi32, #tpu.memory_space<hbm>>
          %dma_wait3A_119 = tpu.memref_squeeze %dma_wait3A_118 : memref<1x1x256xi32, #tpu.memory_space<hbm>> -> memref<256xi32, #tpu.memory_space<hbm>>
          tpu.wait_dma2 semaphore(%arg14 : memref<!tpu.dma_semaphore, #tpu.memory_space<semaphore_mem>>) src(%dma_wait3A_119 : memref<256xi32, #tpu.memory_space<hbm>>) dst(%arg6 : memref<256xi32, #tpu.memory_space<vmem>>)
          %dma_start3A_120 = arith.constant 0 : i32
          %dma_start3A_121 = tpu.memref_slice %arg6[%dma_start3A_120] : memref<256xi32, #tpu.memory_space<vmem>> -> memref<128xi32, #tpu.memory_space<vmem>>
          %dma_start3A_122 = arith.constant 0 : i32
          %dma_start3A_123 = arith.constant 0 : i32
          %dma_start3A_124 = tpu.memref_slice %arg2[%dma_start3A_122, %dma_start3A_123] : memref<10000x128xf32, #tpu.memory_space<hbm>> -> memref<10000x128xf32, #tpu.memory_space<hbm>>
          tpu.enqueue_indirect_dma source(%dma_start3A_124 : memref<10000x128xf32, #tpu.memory_space<hbm>>) target(%arg10 : memref<128x128xf32, #tpu.memory_space<vmem>>) offsets(%dma_start3A_121 : memref<128xi32, #tpu.memory_space<vmem>>) semaphore(%arg18 : memref<!tpu.dma_semaphore, #tpu.memory_space<semaphore_mem>>)
        } else {
        }
        %add3A_105 = arith.constant 4 : i32
        %add3A_106 = arith.addi %scan3A_67, %add3A_105 : i32
        %lt3A_107 = arith.constant 79 : i32
        %lt3A_108 = arith.cmpi slt, %add3A_106, %lt3A_107 : i32
        %convert_element_type3A_109 = arith.extui %lt3A_108 : i1 to i32
        %cond3A_110 = arith.constant 0 : i32
        %cond3A_111 = arith.cmpi ne, %convert_element_type3A_109, %cond3A_110 : i32
        scf.if %cond3A_111 {
          %add3A_112 = arith.constant 4 : i32
          %add3A_113 = arith.addi %scan3A_67, %add3A_112 : i32
          %dma_start3A_114 = arith.constant 0 : i32
          %dma_start3A_115 = tpu.memref_slice %arg3[%add3A, %add3A_113, %dma_start3A_114] : memref<32x79x256xi32, #tpu.memory_space<hbm>> -> memref<1x1x256xi32, #tpu.memory_space<hbm>>
          %dma_start3A_116 = tpu.memref_squeeze %dma_start3A_115 : memref<1x1x256xi32, #tpu.memory_space<hbm>> -> memref<256xi32, #tpu.memory_space<hbm>>
          %dma_start3A_117 = arith.constant 0 : i32
          %dma_start3A_118 = tpu.memref_slice %arg3[%add3A, %add3A_113, %dma_start3A_117] : memref<32x79x256xi32, #tpu.memory_space<hbm>> -> memref<1x1x256xi32, #tpu.memory_space<hbm>>
          %dma_start3A_119 = tpu.memref_squeeze %dma_start3A_118 : memref<1x1x256xi32, #tpu.memory_space<hbm>> -> memref<256xi32, #tpu.memory_space<hbm>>
          tpu.enqueue_dma source(%dma_start3A_119 : memref<256xi32, #tpu.memory_space<hbm>>) target(%arg8 : memref<256xi32, #tpu.memory_space<vmem>>) target_semaphore(%arg16 : memref<!tpu.dma_semaphore, #tpu.memory_space<semaphore_mem>>)
        } else {
        }
      } else {
      }
    }
    %scan3A_46 = arith.constant 79 : i32
    %barrier3A_47 = arith.constant 0 : index
    tpu.barrier barrier_id(%barrier3A_47)
    %mul3A_48 = arith.constant 624 : i32
    %mul3A_49 = arith.muli %arg1, %mul3A_48 : i32
    %scan3A_50 = arith.constant 0 : i32
    %scan3A_51 = arith.constant 0 : i32
    %scan3A_52 = arith.constant 6 : i32
    %scan3A_53 = arith.addi %scan3A_51, %scan3A_52 : i32
    %scan3A_54 = arith.constant 1 : i32
    scf.for %scan3A_67 = %scan3A_51 to %scan3A_53 step %scan3A_54  : i32 {
      %mul3A_68 = arith.constant 104 : i32
      %mul3A_69 = arith.muli %scan3A_67, %mul3A_68 : i32
      %add3A_70 = arith.addi %mul3A_49, %mul3A_69 : i32
      %dma_start3A_71 = arith.constant 0 : i32
      %dma_start3A_72 = tpu.memref_slice %arg4[%arg0, %add3A_70, %dma_start3A_71] : memref<2x10000x128xf32, #tpu.memory_space<hbm>> -> memref<1x104x128xf32, #tpu.memory_space<hbm>>
      %dma_start3A_73 = tpu.memref_squeeze %dma_start3A_72 : memref<1x104x128xf32, #tpu.memory_space<hbm>> -> memref<104x128xf32, #tpu.memory_space<hbm>>
      %dma_start3A_74 = arith.constant 0 : i32
      %dma_start3A_75 = tpu.memref_slice %arg12[%add3A_70, %dma_start3A_74] : memref<10016x128xf32, #tpu.memory_space<vmem_shared>> -> memref<104x128xf32, #tpu.memory_space<vmem_shared>>
      tpu.enqueue_dma source(%dma_start3A_75 : memref<104x128xf32, #tpu.memory_space<vmem_shared>>) target(%dma_start3A_73 : memref<104x128xf32, #tpu.memory_space<hbm>>) target_semaphore(%arg17 : memref<!tpu.dma_semaphore, #tpu.memory_space<semaphore_mem>>)
    }
    %scan3A_55 = arith.constant 6 : i32
    %eq3A_56 = arith.constant 15 : i32
    %eq3A_57 = arith.cmpi eq, %arg1, %eq3A_56 : i32
    %convert_element_type3A_58 = arith.extui %eq3A_57 : i1 to i32
    %cond3A_59 = arith.constant 0 : i32
    %cond3A_60 = arith.cmpi ne, %convert_element_type3A_58, %cond3A_59 : i32
    scf.if %cond3A_60 {
      %add3A_67 = arith.constant 624 : i32
      %add3A_68 = arith.addi %mul3A_49, %add3A_67 : i32
      %dma_start3A_69 = arith.constant 0 : i32
      %dma_start3A_70 = tpu.memref_slice %arg4[%arg0, %add3A_68, %dma_start3A_69] : memref<2x10000x128xf32, #tpu.memory_space<hbm>> -> memref<1x16x128xf32, #tpu.memory_space<hbm>>
      %dma_start3A_71 = tpu.memref_squeeze %dma_start3A_70 : memref<1x16x128xf32, #tpu.memory_space<hbm>> -> memref<16x128xf32, #tpu.memory_space<hbm>>
      %dma_start3A_72 = arith.constant 0 : i32
      %dma_start3A_73 = tpu.memref_slice %arg12[%add3A_68, %dma_start3A_72] : memref<10016x128xf32, #tpu.memory_space<vmem_shared>> -> memref<16x128xf32, #tpu.memory_space<vmem_shared>>
      tpu.enqueue_dma source(%dma_start3A_73 : memref<16x128xf32, #tpu.memory_space<vmem_shared>>) target(%dma_start3A_71 : memref<16x128xf32, #tpu.memory_space<hbm>>) target_semaphore(%arg18 : memref<!tpu.dma_semaphore, #tpu.memory_space<semaphore_mem>>)
      %dma_wait3A = arith.constant 0 : i32
      %dma_wait3A_74 = tpu.memref_slice %arg4[%arg0, %add3A_68, %dma_wait3A] : memref<2x10000x128xf32, #tpu.memory_space<hbm>> -> memref<1x16x128xf32, #tpu.memory_space<hbm>>
      %dma_wait3A_75 = tpu.memref_squeeze %dma_wait3A_74 : memref<1x16x128xf32, #tpu.memory_space<hbm>> -> memref<16x128xf32, #tpu.memory_space<hbm>>
      %dma_wait3A_76 = arith.constant 0 : i32
      %dma_wait3A_77 = tpu.memref_slice %arg12[%add3A_68, %dma_wait3A_76] : memref<10016x128xf32, #tpu.memory_space<vmem_shared>> -> memref<16x128xf32, #tpu.memory_space<vmem_shared>>
      tpu.wait_dma2 semaphore(%arg18 : memref<!tpu.dma_semaphore, #tpu.memory_space<semaphore_mem>>) src(%dma_wait3A_77 : memref<16x128xf32, #tpu.memory_space<vmem_shared>>) dst(%dma_wait3A_75 : memref<16x128xf32, #tpu.memory_space<hbm>>)
    } else {
    }
    %scan3A_61 = arith.constant 0 : i32
    %scan3A_62 = arith.constant 0 : i32
    %scan3A_63 = arith.constant 6 : i32
    %scan3A_64 = arith.addi %scan3A_62, %scan3A_63 : i32
    %scan3A_65 = arith.constant 1 : i32
    scf.for %scan3A_67 = %scan3A_62 to %scan3A_64 step %scan3A_65  : i32 {
      %mul3A_68 = arith.constant 104 : i32
      %mul3A_69 = arith.muli %scan3A_67, %mul3A_68 : i32
      %add3A_70 = arith.addi %mul3A_49, %mul3A_69 : i32
      %dma_wait3A = arith.constant 0 : i32
      %dma_wait3A_71 = tpu.memref_slice %arg4[%arg0, %add3A_70, %dma_wait3A] : memref<2x10000x128xf32, #tpu.memory_space<hbm>> -> memref<1x104x128xf32, #tpu.memory_space<hbm>>
      %dma_wait3A_72 = tpu.memref_squeeze %dma_wait3A_71 : memref<1x104x128xf32, #tpu.memory_space<hbm>> -> memref<104x128xf32, #tpu.memory_space<hbm>>
      %dma_wait3A_73 = arith.constant 0 : i32
      %dma_wait3A_74 = tpu.memref_slice %arg12[%add3A_70, %dma_wait3A_73] : memref<10016x128xf32, #tpu.memory_space<vmem_shared>> -> memref<104x128xf32, #tpu.memory_space<vmem_shared>>
      tpu.wait_dma2 semaphore(%arg17 : memref<!tpu.dma_semaphore, #tpu.memory_space<semaphore_mem>>) src(%dma_wait3A_74 : memref<104x128xf32, #tpu.memory_space<vmem_shared>>) dst(%dma_wait3A_72 : memref<104x128xf32, #tpu.memory_space<hbm>>)
    }
    %scan3A_66 = arith.constant 6 : i32
    return
  }
}

module attributes {stable_mosaic.version = 14 : i64} {
  func.func @body(%arg0: i32, %arg1: memref<1000x128xf32, #tpu.memory_space<vmem>>, %arg2: memref<128x128xf32, #tpu.memory_space<vmem>>, %arg3: memref<1000x1xf32, #tpu.memory_space<vmem>>, %arg4: memref<1000x128xf32, #tpu.memory_space<vmem>>) attributes {dimension_semantics = [#tpu.dimension_semantics<arbitrary>], iteration_bounds = array<i64: 10>, scalar_prefetch = 0 : i64, scratch_operands = 0 : i64, tpu.core_type = #tpu.core_type<tc>, window_params = [{transform_indices = @transform_0, window_bounds = array<i64: 1000, 128>}, {pipeline_mode = #tpu.pipeline_mode<synchronous>, transform_indices = @transform_1, window_bounds = array<i64: 128, 128>}, {transform_indices = @transform_2, window_bounds = array<i64: 1000, 1>}, {transform_indices = @transform_3, window_bounds = array<i64: 1000, 128>}]} {
    %get3A = arith.constant 0 : index
    %get3A_0 = arith.constant 0 : index
    %get3A_1 = vector.load %arg3[%get3A, %get3A_0] : memref<1000x1xf32, #tpu.memory_space<vmem>>, vector<1000x1xf32>
    %get3A_2 = arith.constant 0 : index
    %get3A_3 = arith.constant 0 : index
    %get3A_4 = vector.load %arg1[%get3A_2, %get3A_3] : memref<1000x128xf32, #tpu.memory_space<vmem>>, vector<1000x128xf32>
    %get3A_5 = arith.constant 0 : index
    %get3A_6 = arith.constant 0 : index
    %get3A_7 = vector.load %arg2[%get3A_5, %get3A_6] : memref<128x128xf32, #tpu.memory_space<vmem>>, vector<128x128xf32>
    %dot_general3A = arith.constant dense<0.000000e+00> : vector<1000x128xf32>
    %dot_general3A_8 = tpu.matmul %get3A_4, %get3A_7, %dot_general3A {dimension_numbers = #tpu.dot_dimension_numbers<[1], [0], [0], [1], [0, 0, 1, 1], [], []>, transpose_lhs_hint = false} : vector<1000x128xf32>, vector<128x128xf32>, vector<1000x128xf32> -> vector<1000x128xf32>
    %mul3A = vector.broadcast %get3A_1 : vector<1000x1xf32> to vector<1000x128xf32>
    %mul3A_9 = arith.mulf %mul3A, %dot_general3A_8 : vector<1000x128xf32>
    %swap3A = arith.constant 0 : index
    %swap3A_10 = arith.constant 0 : index
    %swap3A_11 = vector.load %arg4[%swap3A, %swap3A_10] : memref<1000x128xf32, #tpu.memory_space<vmem>>, vector<1000x128xf32>
    tpu.vector_store %arg4[%swap3A, %swap3A_10], %mul3A_9 {strides = array<i32>} : memref<1000x128xf32, #tpu.memory_space<vmem>>, vector<1000x128xf32>,
    return
  }
  func.func @transform_0(%arg0: i32) -> (i32, i32) {
    %c0_i32 = arith.constant 0 : i32
    %c0_i32_0 = arith.constant 0 : i32
    return %arg0, %c0_i32 : i32, i32
  }
  func.func @transform_1(%arg0: i32) -> (i32, i32) {
    %c0_i32 = arith.constant 0 : i32
    %c0_i32_0 = arith.constant 0 : i32
    %c0_i32_1 = arith.constant 0 : i32
    return %c0_i32, %c0_i32_0 : i32, i32
  }
  func.func @transform_2(%arg0: i32) -> (i32, i32) {
    %c0_i32 = arith.constant 0 : i32
    %c0_i32_0 = arith.constant 0 : i32
    return %arg0, %c0_i32 : i32, i32
  }
  func.func @transform_3(%arg0: i32) -> (i32, i32) {
    %c0_i32 = arith.constant 0 : i32
    %c0_i32_0 = arith.constant 0 : i32
    return %arg0, %c0_i32 : i32, i32
  }
}

module attributes {stable_mosaic.version = 14 : i64} {
  func.func @body(%arg0: i32, %arg1: memref<2x1000x128xf32, #tpu.memory_space<vmem>>, %arg2: memref<1000x128xf32, #tpu.memory_space<vmem>>, %arg3: memref<1x128xf32, #tpu.memory_space<vmem>>, %arg4: memref<128x128xf32, #tpu.memory_space<vmem>>, %arg5: memref<1000x1xf32, #tpu.memory_space<vmem>>, %arg6: memref<1000x128xf32, #tpu.memory_space<vmem>>) attributes {dimension_semantics = [#tpu.dimension_semantics<arbitrary>], iteration_bounds = array<i64: 10>, scalar_prefetch = 0 : i64, scratch_operands = 0 : i64, tpu.core_type = #tpu.core_type<tc>, window_params = [{transform_indices = @transform_0, window_bounds = array<i64: 2, 1000, 128>}, {transform_indices = @transform_1, window_bounds = array<i64: 1000, 128>}, {pipeline_mode = #tpu.pipeline_mode<synchronous>, transform_indices = @transform_2, window_bounds = array<i64: 1, 128>}, {pipeline_mode = #tpu.pipeline_mode<synchronous>, transform_indices = @transform_3, window_bounds = array<i64: 128, 128>}, {transform_indices = @transform_4, window_bounds = array<i64: 1000, 1>}, {transform_indices = @transform_5, window_bounds = array<i64: 1000, 128>}]} {
    %get3A = arith.constant 0 : index
    %get3A_0 = arith.constant 0 : index
    %get3A_1 = vector.load %arg5[%get3A, %get3A_0] : memref<1000x1xf32, #tpu.memory_space<vmem>>, vector<1000x1xf32>
    %get3A_2 = arith.constant 0 : index
    %get3A_3 = arith.constant 0 : index
    %get3A_4 = arith.constant 0 : index
    %get3A_5 = vector.load %arg1[%get3A_2, %get3A_3, %get3A_4] : memref<2x1000x128xf32, #tpu.memory_space<vmem>>, vector<1x1000x128xf32>
    %get3A_6 = vector.shape_cast %get3A_5 : vector<1x1000x128xf32> to vector<1000x128xf32>
    %get3A_7 = arith.constant 1 : index
    %get3A_8 = arith.constant 0 : index
    %get3A_9 = arith.constant 0 : index
    %get3A_10 = vector.load %arg1[%get3A_7, %get3A_8, %get3A_9] : memref<2x1000x128xf32, #tpu.memory_space<vmem>>, vector<1x1000x128xf32>
    %get3A_11 = vector.shape_cast %get3A_10 : vector<1x1000x128xf32> to vector<1000x128xf32>
    %add3A = arith.addf %get3A_6, %get3A_11 : vector<1000x128xf32>
    %get3A_12 = arith.constant 0 : index
    %get3A_13 = arith.constant 0 : index
    %get3A_14 = vector.load %arg2[%get3A_12, %get3A_13] : memref<1000x128xf32, #tpu.memory_space<vmem>>, vector<1000x128xf32>
    %add3A_15 = arith.addf %add3A, %get3A_14 : vector<1000x128xf32>
    %mul3A = vector.broadcast %get3A_1 : vector<1000x1xf32> to vector<1000x128xf32>
    %mul3A_16 = arith.mulf %mul3A, %add3A_15 : vector<1000x128xf32>
    %get3A_17 = arith.constant 0 : index
    %get3A_18 = arith.constant 0 : index
    %get3A_19 = vector.load %arg3[%get3A_17, %get3A_18] : memref<1x128xf32, #tpu.memory_space<vmem>>, vector<1x128xf32>
    %add3A_20 = vector.broadcast %get3A_19 : vector<1x128xf32> to vector<1000x128xf32>
    %add3A_21 = arith.addf %mul3A_16, %add3A_20 : vector<1000x128xf32>
    %max3A = arith.constant 0.000000e+00 : f32
    %max3A_22 = vector.broadcast %max3A : f32 to vector<1000x128xf32>
    %max3A_23 = arith.maximumf %add3A_21, %max3A_22 : vector<1000x128xf32>
    %get3A_24 = arith.constant 0 : index
    %get3A_25 = arith.constant 0 : index
    %get3A_26 = vector.load %arg4[%get3A_24, %get3A_25] : memref<128x128xf32, #tpu.memory_space<vmem>>, vector<128x128xf32>
    %dot_general3A = arith.constant dense<0.000000e+00> : vector<1000x128xf32>
    %dot_general3A_27 = tpu.matmul %max3A_23, %get3A_26, %dot_general3A {dimension_numbers = #tpu.dot_dimension_numbers<[1], [0], [0], [1], [0, 0, 1, 1], [], []>, transpose_lhs_hint = false} : vector<1000x128xf32>, vector<128x128xf32>, vector<1000x128xf32> -> vector<1000x128xf32>
    %mul3A_28 = vector.broadcast %get3A_1 : vector<1000x1xf32> to vector<1000x128xf32>
    %mul3A_29 = arith.mulf %mul3A_28, %dot_general3A_27 : vector<1000x128xf32>
    %swap3A = arith.constant 0 : index
    %swap3A_30 = arith.constant 0 : index
    %swap3A_31 = vector.load %arg6[%swap3A, %swap3A_30] : memref<1000x128xf32, #tpu.memory_space<vmem>>, vector<1000x128xf32>
    tpu.vector_store %arg6[%swap3A, %swap3A_30], %mul3A_29 {strides = array<i32>} : memref<1000x128xf32, #tpu.memory_space<vmem>>, vector<1000x128xf32>,
    return
  }
  func.func @transform_0(%arg0: i32) -> (i32, i32, i32) {
    %c0_i32 = arith.constant 0 : i32
    %c0_i32_0 = arith.constant 0 : i32
    %c0_i32_1 = arith.constant 0 : i32
    return %c0_i32, %arg0, %c0_i32_0 : i32, i32, i32
  }
  func.func @transform_1(%arg0: i32) -> (i32, i32) {
    %c0_i32 = arith.constant 0 : i32
    %c0_i32_0 = arith.constant 0 : i32
    return %arg0, %c0_i32 : i32, i32
  }
  func.func @transform_2(%arg0: i32) -> (i32, i32) {
    %c0_i32 = arith.constant 0 : i32
    %c0_i32_0 = arith.constant 0 : i32
    %c0_i32_1 = arith.constant 0 : i32
    return %c0_i32, %c0_i32_0 : i32, i32
  }
  func.func @transform_3(%arg0: i32) -> (i32, i32) {
    %c0_i32 = arith.constant 0 : i32
    %c0_i32_0 = arith.constant 0 : i32
    %c0_i32_1 = arith.constant 0 : i32
    return %c0_i32, %c0_i32_0 : i32, i32
  }
  func.func @transform_4(%arg0: i32) -> (i32, i32) {
    %c0_i32 = arith.constant 0 : i32
    %c0_i32_0 = arith.constant 0 : i32
    return %arg0, %c0_i32 : i32, i32
  }
  func.func @transform_5(%arg0: i32) -> (i32, i32) {
    %c0_i32 = arith.constant 0 : i32
    %c0_i32_0 = arith.constant 0 : i32
    return %arg0, %c0_i32 : i32, i32
  }
}

module attributes {stable_mosaic.version = 14 : i64} {
  func.func @body(%arg0: i32, %arg1: memref<2x1000x128xf32, #tpu.memory_space<vmem>>, %arg2: memref<1000x128xf32, #tpu.memory_space<vmem>>, %arg3: memref<1x128xf32, #tpu.memory_space<vmem>>, %arg4: memref<1000x1xf32, #tpu.memory_space<vmem>>, %arg5: memref<1000x128xf32, #tpu.memory_space<vmem>>) attributes {dimension_semantics = [#tpu.dimension_semantics<arbitrary>], iteration_bounds = array<i64: 10>, scalar_prefetch = 0 : i64, scratch_operands = 0 : i64, tpu.core_type = #tpu.core_type<tc>, window_params = [{transform_indices = @transform_0, window_bounds = array<i64: 2, 1000, 128>}, {transform_indices = @transform_1, window_bounds = array<i64: 1000, 128>}, {pipeline_mode = #tpu.pipeline_mode<synchronous>, transform_indices = @transform_2, window_bounds = array<i64: 1, 128>}, {transform_indices = @transform_3, window_bounds = array<i64: 1000, 1>}, {transform_indices = @transform_4, window_bounds = array<i64: 1000, 128>}]} {
    %get3A = arith.constant 0 : index
    %get3A_0 = arith.constant 0 : index
    %get3A_1 = vector.load %arg4[%get3A, %get3A_0] : memref<1000x1xf32, #tpu.memory_space<vmem>>, vector<1000x1xf32>
    %get3A_2 = arith.constant 0 : index
    %get3A_3 = arith.constant 0 : index
    %get3A_4 = arith.constant 0 : index
    %get3A_5 = vector.load %arg1[%get3A_2, %get3A_3, %get3A_4] : memref<2x1000x128xf32, #tpu.memory_space<vmem>>, vector<1x1000x128xf32>
    %get3A_6 = vector.shape_cast %get3A_5 : vector<1x1000x128xf32> to vector<1000x128xf32>
    %get3A_7 = arith.constant 1 : index
    %get3A_8 = arith.constant 0 : index
    %get3A_9 = arith.constant 0 : index
    %get3A_10 = vector.load %arg1[%get3A_7, %get3A_8, %get3A_9] : memref<2x1000x128xf32, #tpu.memory_space<vmem>>, vector<1x1000x128xf32>
    %get3A_11 = vector.shape_cast %get3A_10 : vector<1x1000x128xf32> to vector<1000x128xf32>
    %add3A = arith.addf %get3A_6, %get3A_11 : vector<1000x128xf32>
    %get3A_12 = arith.constant 0 : index
    %get3A_13 = arith.constant 0 : index
    %get3A_14 = vector.load %arg2[%get3A_12, %get3A_13] : memref<1000x128xf32, #tpu.memory_space<vmem>>, vector<1000x128xf32>
    %add3A_15 = arith.addf %add3A, %get3A_14 : vector<1000x128xf32>
    %mul3A = vector.broadcast %get3A_1 : vector<1000x1xf32> to vector<1000x128xf32>
    %mul3A_16 = arith.mulf %mul3A, %add3A_15 : vector<1000x128xf32>
    %get3A_17 = arith.constant 0 : index
    %get3A_18 = arith.constant 0 : index
    %get3A_19 = vector.load %arg3[%get3A_17, %get3A_18] : memref<1x128xf32, #tpu.memory_space<vmem>>, vector<1x128xf32>
    %add3A_20 = vector.broadcast %get3A_19 : vector<1x128xf32> to vector<1000x128xf32>
    %add3A_21 = arith.addf %mul3A_16, %add3A_20 : vector<1000x128xf32>
    %swap3A = arith.constant 0 : index
    %swap3A_22 = arith.constant 0 : index
    %swap3A_23 = vector.load %arg5[%swap3A, %swap3A_22] : memref<1000x128xf32, #tpu.memory_space<vmem>>, vector<1000x128xf32>
    tpu.vector_store %arg5[%swap3A, %swap3A_22], %add3A_21 {strides = array<i32>} : memref<1000x128xf32, #tpu.memory_space<vmem>>, vector<1000x128xf32>,
    return
  }
  func.func @transform_0(%arg0: i32) -> (i32, i32, i32) {
    %c0_i32 = arith.constant 0 : i32
    %c0_i32_0 = arith.constant 0 : i32
    %c0_i32_1 = arith.constant 0 : i32
    return %c0_i32, %arg0, %c0_i32_0 : i32, i32, i32
  }
  func.func @transform_1(%arg0: i32) -> (i32, i32) {
    %c0_i32 = arith.constant 0 : i32
    %c0_i32_0 = arith.constant 0 : i32
    return %arg0, %c0_i32 : i32, i32
  }
  func.func @transform_2(%arg0: i32) -> (i32, i32) {
    %c0_i32 = arith.constant 0 : i32
    %c0_i32_0 = arith.constant 0 : i32
    %c0_i32_1 = arith.constant 0 : i32
    return %c0_i32, %c0_i32_0 : i32, i32
  }
  func.func @transform_3(%arg0: i32) -> (i32, i32) {
    %c0_i32 = arith.constant 0 : i32
    %c0_i32_0 = arith.constant 0 : i32
    return %arg0, %c0_i32 : i32, i32
  }
  func.func @transform_4(%arg0: i32) -> (i32, i32) {
    %c0_i32 = arith.constant 0 : i32
    %c0_i32_0 = arith.constant 0 : i32
    return %arg0, %c0_i32 : i32, i32
  }
}

</mosaic_0001>

<sc_bundles>
// kernel: kernel.11.cloned.1.call-start
scs
__scs_entry_jumppad:
0x0: {  	(pc) =	sbr.rel $0x88, $3  }
0x1: {  	(tag) =	ssettag $0x0;
	lr =	simm.s32 $0x1  }
0x2: {  	[smem:$0x3F9B] =	sst lr;
	_ =	strace $0xD0000000  }
0x3: {  	_ = 	snop  }
0x4: {  	_ = 	snop  }
0x5: {  	_ = 	snop  }
0x6: {  	_ = 	snop  }
0x7: {  	_ = 	snop  }
__scs_overlays_trampoline_lowered:
0x8: {  	[smem:$0x3FAA] =	sst s0  }
0x9: {  	[smem:$0x3FAB] =	sst s1  }
0xa: {  	[smem:$0x3FAC] =	sst s2  }
0xb: {  	[smem:$0x3FAD] =	sst s3  }
0xc: {  	[smem:$0x3FAE] =	sst s4  }
0xd: {  	[smem:$0x3FAF] =	sst s5  }
0xe: {  	[smem:$0x3FB0] =	sst s6  }
0xf: {  	[smem:$0x3FB1] =	sst s7  }
0x10: {  	[smem:$0x3FB2] =	sst s8  }
0x11: {  	[smem:$0x3FB3] =	sst s9;
	s0 =	simm.s32 @!p0 $0x0  }
0x12: {  	s1 =	sld [smem:$0x3F99];
	s0 =	simm.s32 @p0 $0x1  }
0x13: {  	[smem:$0x3FB4] =	sst s0;
	s0 =	simm.s32 @!p1 $0x0  }
0x14: {  	s2 =	sld [smem:$0x3F98];
	s0 =	simm.s32 @p1 $0x1  }
0x15: {  	[smem:$0x3FB5] =	sst s0;
	s0 =	simm.s32 @!p2 $0x0  }
0x16: {  	s3 =	sld [smem:$0x3FDB];
	s0 =	simm.s32 @p2 $0x1  }
0x17: {  	s4 =	simm.s32 $0x1BF5;
	[smem:$0x3FB7] =	sst s0  }
0x18: {  	s0 =	sld [smem:$0x3F9A];
	_ =	swait.ge [sflag:s4], $0x0  }
0x19: {  	s7 =	sld [smem:$0x3F9B]  }
0x1a: {  	s8 =	sadd.s32 $0xFFFFE003, lr  }
0x1b: {  	s9 =	sadd.s32 $0xFFFFFEF7, lr;
	s5 =	simm.s32 $0xFFFFFFFF;
	p2 =	slt.u32 s8, $0xFFFFF086  }
0x1c: {  	p1 =	slt.u32 s9, $0xF7A;
	s5 =	simm.s32 @!p2 $0x0  }
0x1d: {  	s5 =	simm.s32 @p1 $0x1;
	p0 =	seq.s32 s7, s2  }
0x1e: {  	s7 =	smul.u32 @!p0 $0xF7A, s2;
	p2 =	seq.s32 @!p0 s5, $0x0  }
0x1f: {  	s9 =	smul.u32 $0xF7A, s1;
	s8 =	simm.s32 @!p0 $0x1BF5;
	p2 =	por !p2, p0  }
0x20: {  	[sflag:s8] =	ssyncset.s32 @!p0 $0xFFFFF086;
	s6 =	sadd.s32 @!p0 s3, s7;
	s7 =	simm.s32 @!p0 $0x108  }
0x21: {  	s3 =	sadd.s32 s3, s9;
	s6 =	sadd.s32 @!p0 $0x88, s6;
	s7 =	simm.s32 @p2 $0x1082  }
0x22: {  	[simem:s7], [sflag:s8] =	dma.local @!p0 [hbm:s6], $0xF7A  }
0x23: {  	s9 =	sor.u32 $0xD0000000, s2;
	s6 =	simm.s32 $0x108;
	_ =	swait.ge @!p0 [sflag:s8], $0x0  }
0x24: {  	s3 =	sadd.s32 $0x88, s3;
	s6 =	simm.s32 @!p1 $0x1082;
	[sflag:s4] =	ssyncset.s32 $0xFFFFF086  }
0x25: {  	[simem:s6], [sflag:s4] =	dma.local [hbm:s3], $0xF7A  }
0x26: {  	[smem:$0x3F9B] =	sst s1;
	(tag) =	ssettag s2;
	_ =	strace s9  }
0x27: {  	s1 =	sld [smem:$0x3FAB]  }
0x28: {  	s2 =	sld [smem:$0x3FAC]  }
0x29: {  	s4 =	sld [smem:$0x3FAE]  }
0x2a: {  	p0 =	seq.s32 s5, $0x0;
	s5 =	sld [smem:$0x3FAF]  }
0x2b: {  	s6 =	sld [smem:$0x3FB0]  }
0x2c: {  	s7 =	sld [smem:$0x3FB1]  }
0x2d: {  	s3 =	simm.s32 $0x108;
	s8 =	sld [smem:$0x3FB2]  }
0x2e: {  	s3 =	simm.s32 @!p0 $0x1082;
	s9 =	sld [smem:$0x3FB3]  }
0x2f: {  	lr =	sadd.s32 s0, s3;
	s0 =	sld [smem:$0x3FAA]  }
0x30: {  	s3 =	sld [smem:$0x3FAD]  }
0x31: {  	[smem:$0x3FB6] =	sst s10  }
0x32: {  	s10 =	sld [smem:$0x3FB4];
	_ =	sdelay $0x3  }
0x33: {  	p0 =	seq.s32 s10, $0x1;
	s10 =	sld [smem:$0x3FB6];
	_ =	sdelay $0x3  }
0x34: {  	[smem:$0x3FB6] =	sst s10  }
0x35: {  	s10 =	sld [smem:$0x3FB5];
	_ =	sdelay $0x3  }
0x36: {  	p1 =	seq.s32 s10, $0x1;
	s10 =	sld [smem:$0x3FB6];
	_ =	sdelay $0x3  }
0x37: {  	[smem:$0x3FB6] =	sst s10  }
0x38: {  	s10 =	sld [smem:$0x3FB7]  }
0x39: {  	_ = 	snop;
	(pc) =	sbr.ind lr, $3  }
0x3a: {  	_ = 	snop  }
0x3b: {  	_ = 	snop  }
0x3c: {  	p2 =	seq.s32 s10, $0x1;
	s10 =	sld [smem:$0x3FB6]  }
0x3d: {  	_ =	shalt  }
0x3e: {  	_ =	shalt  }
0x3f: {  	_ =	shalt  }
0x40: {  	_ =	shalt  }
0x41: {  	_ =	shalt  }
0x42: {  	_ =	shalt  }
0x43: {  	_ =	shalt  }
0x44: {  	_ =	shalt  }
0x45: {  	_ =	shalt  }
0x46: {  	_ =	shalt  }
0x47: {  	_ =	shalt  }
0x48: {  	_ =	shalt  }
0x49: {  	_ =	shalt  }
0x4a: {  	_ =	shalt  }
0x4b: {  	_ =	shalt  }
0x4c: {  	_ =	shalt  }
0x4d: {  	_ =	shalt  }
0x4e: {  	_ =	shalt  }
0x4f: {  	_ =	shalt  }
0x50: {  	_ =	shalt  }
0x51: {  	_ =	shalt  }
0x52: {  	_ =	shalt  }
0x53: {  	_ =	shalt  }
0x54: {  	_ =	shalt  }
0x55: {  	_ =	shalt  }
0x56: {  	_ =	shalt  }
0x57: {  	_ =	shalt  }
0x58: {  	_ =	shalt  }
0x59: {  	_ =	shalt  }
0x5a: {  	_ =	shalt  }
0x5b: {  	_ =	shalt  }
0x5c: {  	_ =	shalt  }
0x5d: {  	_ =	shalt  }
0x5e: {  	_ =	shalt  }
0x5f: {  	_ =	shalt  }
0x60: {  	_ =	shalt  }
0x61: {  	_ =	shalt  }
0x62: {  	_ =	shalt  }
0x63: {  	_ =	shalt  }
0x64: {  	_ =	shalt  }
0x65: {  	_ =	shalt  }
0x66: {  	_ =	shalt  }
0x67: {  	_ =	shalt  }
0x68: {  	_ =	shalt  }
0x69: {  	_ =	shalt  }
0x6a: {  	_ =	shalt  }
0x6b: {  	_ =	shalt  }
0x6c: {  	_ =	shalt  }
0x6d: {  	_ =	shalt  }
0x6e: {  	_ =	shalt  }
0x6f: {  	_ =	shalt  }
0x70: {  	_ =	shalt  }
0x71: {  	_ =	shalt  }
0x72: {  	_ =	shalt  }
0x73: {  	_ =	shalt  }
0x74: {  	_ =	shalt  }
0x75: {  	_ =	shalt  }
0x76: {  	_ =	shalt  }
0x77: {  	_ =	shalt  }
0x78: {  	_ =	shalt  }
0x79: {  	_ =	shalt  }
0x7a: {  	_ =	shalt  }
0x7b: {  	_ =	shalt  }
0x7c: {  	_ =	shalt  }
0x7d: {  	_ =	shalt  }
0x7e: {  	_ =	shalt  }
0x7f: {  	_ =	shalt  }
0x80: {  	_ =	shalt  }
0x81: {  	_ =	shalt  }
0x82: {  	_ =	shalt  }
0x83: {  	_ =	shalt  }
0x84: {  	_ =	shalt  }
0x85: {  	_ =	shalt  }
0x86: {  	_ =	shalt  }
0x87: {  	_ =	shalt  }
.Lfunc_end0:
.L_simem_size_0:
called_computation.1_lowered:
.L_overlay_start_0:
0x88: {  	s2 =	sld [smem:$0x3FD9]  }
0x89: {  	s3 =	sld [smem:$0x3FFE];
	_ =	sdelay $0x1  }
0x8a: {  	s1 =	srdreg.scid  }
0x8b: {  	s0 =	sand.u32 $0x1, s1  }
0x8c: {  	s17 =	sshll.u32 s0, $0xA;
	s2 =	sadd.s32 s3, s2  }
0x8d: {  	s2 =	sadd.s32 s2, s17  }
0x8e: {  	[smem:$0x3FC2] =	sst s2  }
0x8f: {  	_ = 	snop  }
0x90: {  	s2 =	sld [smem:$0x3FD0];
	(tm) =	ssettm $0x1  }
0x91: {  	s18 =	sld [smem:$0x3FFB];
	_ =	sdelay $0x3  }
0x92: {  	_ =	strace s18  }
0x93: {  	s3 =	sld [smem:$0x3FFC];
	_ =	sdelay $0x3  }
0x94: {  	_ =	strace s3  }
0x95: {  	s3 =	sld [smem:$0x3FFD];
	_ =	sdelay $0x3  }
0x96: {  	_ =	strace s3  }
0x97: {  	_ =	strace $0x8FFFFFFF  }
0x98: {  	s19 =	sld [smem:$0x3FDB];
	_ =	sdelay $0x1  }
0x99: {  	s4 =	simm.s32 $_scs_section_size  }
0x9a: {  	s5 =	simm.s32 $_size__tile_overlayer_lowered;
	s6 =	simm.s32 $_tile_overlayer_lowered  }
0x9b: {  	s22 =	simm.s32 $0x1BFF;
	s21 =	sshll.u32 s6, $0x1;
	s3 =	sadd.s32 s4, s19  }
0x9c: {  	s7 =	simm.s32 $0x0;
	s20 =	sshll.u32 s5, $0x1;
	s5 =	sadd.s32 s21, s3  }
0x9d: {  	[timem:s7], [sflag:s22] =	dma.local [hbm:s5], s20  }
0x9e: {  	_ =	swait.ge [sflag:s22], s20  }
0x9f: {  	s4 =	ssub.s32 $0x0, s20;
	[sflag:s22] =	ssyncset.done $0x0  }
0xa0: {  	[sflag:s22] =	ssyncadd.s32 s4;
	_ =	sdelay $0x1  }
0xa1: {  	s23 =	simm.s32 $0x1B8B  }
0xa2: {  	_ =	swait.ge [sflag:s23], $0x1  }
0xa3: {  	[sflag:s23] =	ssyncset.done $0x0  }
0xa4: {  	s25 =	simm.s32 $0x1B8E;
	s24 =	sld [smem:$0x3FFE];
	[sflag:s23] =	ssyncadd.s32 $0xFFFFFFFF  }
0xa5: {  	s26 =	simm.s32 $execute0_lowered;
	[smem:$0x3FD2] =	sst s25  }
0xa6: {  	s5 =	sshll.u32 s26, $0x1;
	_ =	strace $0x80000049;
	[dreg:$0x1] =	wrdreg $0xFFFFFFFF  }
0xa7: {  	s28 =	simm.s32 $_size_execute0_lowered;
	s3 =	sadd.s32 s3, s5;
	[dreg:$0x0] =	wrdreg $0x0  }
0xa8: {  	s5 =	sshll.u32 s28, $0x1;
	[dreg:$0x2] =	wrdreg s3  }
0xa9: {  	[dreg:$0x3] =	wrdreg s5  }
0xaa: {  	[dreg:$0x4] =	wrdreg $0xC0  }
0xab: {  	_ =	task [dreg:s7], $0x5FFFF  }
0xac: {  	[dreg:$0x1] =	wrdreg $0xFFFFFFFF  }
0xad: {  	[dreg:$0x0] =	wrdreg $0x60  }
0xae: {  	[dreg:$0x2] =	wrdreg s2  }
0xaf: {  	[dreg:$0x3] =	wrdreg s24  }
0xb0: {  	[dreg:$0x4] =	wrdreg $0xB8000  }
0xb1: {  	[dreg:$0x5] =	wrdreg $0x9  }
0xb2: {  	_ =	task.clear_ibuf [dreg:s7], $0x6FFFF;
	_ =	strace $0x90000049  }
0xb3: {  	s29 =	simm.s32 $0x9;
	_ =	strace $0x8000004B  }
0xb4: {  	_ =	swait.ge [sflag:s29], $0x1  }
0xb5: {  	[sflag:s29] =	ssyncadd.s32 $0xFFFFFFFF  }
0xb6: {  	_ =	strace $0x9000004B  }
0xb7: {  	_ =	sfence  }
0xb8: {  	s30 =	sld [smem:$0x0];
	_ =	sdelay $0x2  }
0xb9: {  	s31 =	sshll.u32 s1, $0xD;
	s1 =	sshrl.u32 s1, $0x2  }
0xba: {  	s3 =	sand.u32 $0x4000, s31;
	s1 =	sadd.s32 s1, s30  }
0xbb: {  	s0 =	sor.u32 s3, s0;
	s1 =	sshll.u32 s1, $0x11  }
0xbc: {  	s0 =	sor.u32 s1, s0  }
0xbd: {  	s0 =	sadd.s32 $0x8F2B, s0  }
0xbe: {  	[sflag:s0] =	ssyncadd.remote.s32 $0x1  }
0xbf: {  	_ =	sfence.sel $0xFFFF  }
0xc0: {  	[dreg:$0x0] =	wrdreg $0xFFFFFFFF;
	(pc) =	sbr.abs _section_cstart, $3  }
0xc1: {  	[dreg:$0x1] =	wrdreg $0xFFFFFFFF  }
0xc2: {  	_ =	task.clear_ibuf [dreg:s7], $0x2FFFF;
	_ =	strace $0x9FFFFFFF  }
0xc3: {  	(tm) =	ssettm $0x7FFFFFFF  }
tec
execute0_lowered:
.L_overlay_start_1:
0x0: {  	(tag) =	ssettag $0x1  }
0x1: {  	s1 =	rddreg [dreg:$0x0]  }
0x2: {  	s0 =	rddreg [dreg:$0x1]  }
0x3: {  	s3 =	rddreg [dreg:$0x2]  }
0x4: {  	s4 =	simm.s32 $0x0;
	s2 =	srdreg.scid;
	s26 =	stileid.u32  }
0x5: {  	s28 =	simm.s32 $0x7;
	s29 =	simm.s32 $0x80;
	s30 =	simm.s32 $0x100  }
0x6: {  	[smem:$0x7FF] =	sst s4;
	s2 =	sand.u32 $0x1, s2;
	s11 =	smul.u32 $0x13800, s26  }
0x7: {  	s5 =	sshll.u32 s26, $0x1;
	s19 =	smul.u32 $0x4E000, s26;
	p0 =	sne.s32 s26, $0xF  }
0x8: {  	s26 =	simm.s32 $0x8400;
	_ =	strace $0x8000004A;
	s6 =	sor.u32 s2, s5  }
0x9: {  	s5 =	sadd.s32 $0x2800, s0;
	s7 =	ssub.s32 $0x2, s2;
	s2 =	smul.u32 $0x138800, s2  }
0xa: {  	s0 =	sadd.s32 $0x16800, s0;
	s6 =	smul.u32 $0x5000, s6;
	s8 =	sshrl.u32 s7, $0x1  }
0xb: {  	s21 =	sadd.s32 $0x3400, s11;
	s22 =	sadd.s32 $0x6800, s11;
	s23 =	sadd.s32 $0x9C00, s11  }
0xc: {  	s24 =	sadd.s32 $0xD000, s11;
	s25 =	sadd.s32 $0x10400, s11;
	s31 =	sshrl.u32 s19, $0x2  }
0xd: {  	s9 =	ssub.s32 s7, s8;
	s7 =	sadd.s32 $0x138000, s3;
	s10 =	sshrl.u32 s2, $0x3  }
0xe: {  	s11 =	sadd.s32 s2, s11;
	s17 =	sadd.s32 s2, s21;
	s13 =	sadd.s32 s2, s22  }
0xf: {  	s14 =	sadd.s32 s2, s23;
	s21 =	sadd.s32 s21, s3;
	s22 =	sadd.s32 s22, s3  }
0x10: {  	s23 =	sadd.s32 s23, s3;
	s15 =	sshrl.u32 s6, $0x3;
	s10 =	sadd.s32 s0, s10  }
0x11: {  	s11 =	sshrl.u32 s11, $0x3;
	s13 =	sshrl.u32 s13, $0x3;
	s14 =	sshrl.u32 s14, $0x3  }
0x12: {  	s19 =	smax.u32 s9, $0x1;
	s8 =	sadd.s32 s5, s15;
	s11 =	sadd.s32 s0, s11  }
0x13: {  	s20 =	sadd.s32 s0, s13;
	s15 =	sadd.s32 s2, s24;
	s2 =	sadd.s32 s2, s25  }
0x14: {  	s14 =	sadd.s32 s0, s14;
	s24 =	sadd.s32 s24, s3;
	s25 =	sadd.s32 s25, s3  }
0x15: {  	s12 =	sadd.s32 $0x10, s8;
	s16 =	sadd.s32 $0x20, s8;
	[dreg:$0x6] =	wrdreg s11  }
.Ltmp0:
0x16: {  	[dreg:$0x8] =	wrdreg s20;
	s15 =	sshrl.u32 s15, $0x3;
	(pc) =	sbr.rel .LBB2_1-.Ltmp0, $4  }
0x17: {  	s2 =	sshrl.u32 s2, $0x3;
	s20 =	sadd.s32 s31, s3;
	[dreg:$0x4] =	wrdreg s12  }
0x18: {  	[dreg:$0x5] =	wrdreg s16;
	s12 =	sshrl.u32 s17, $0x3;
	s15 =	sadd.s32 s0, s15  }
0x19: {  	s16 =	sadd.s32 s0, s2;
	s17 =	sadd.s32 $0x30, s8;
	s18 =	sadd.s32 s0, s12  }
0x1a: {  	v0 =	vimm.f32 $0.0e+00;
	s2 =	simm.s32 $0x5;
	[dreg:$0x7] =	wrdreg s18;
	s18 =	sadd.s32 $0x27000, s10  }
.LBB2_8:
0x1b: {  	s0 =	stileid.u32  }
0x1c: {  	[bflag:$0x0] =	sbarrier.arrive $0xFFFF;
	s9 =	sshrl.u32 s20, $0x3;
	s0 =	sshll.u32 s0, $0x6  }
0x1d: {  	s31 =	sshrl.u32 s21, $0x3;
	s10 =	rddreg [dreg:$0x6];
	s0 =	sor.u32 $0x1C05, s0  }
0x1e: {  	[hbm:s10], [sflag:s0] =	dma.local [spmem:s9], $0x680  }
0x1f: {  	s11 =	sshrl.u32 s22, $0x3;
	s12 =	sshrl.u32 s23, $0x3;
	s10 =	rddreg [dreg:$0x7]  }
0x20: {  	[hbm:s10], [sflag:s0] =	dma.local [spmem:s31], $0x680  }
0x21: {  	s13 =	sshrl.u32 s24, $0x3;
	s31 =	sshrl.u32 s25, $0x3;
	s10 =	rddreg [dreg:$0x8]  }
0x22: {  	[hbm:s10], [sflag:s0] =	dma.local [spmem:s11], $0x680  }
0x23: {  	[hbm:s14], [sflag:s0] =	dma.local [spmem:s12], $0x680  }
0x24: {  	[hbm:s15], [sflag:s0] =	dma.local [spmem:s13], $0x680  }
0x25: {  	[hbm:s16], [sflag:s0] =	dma.local [spmem:s31], $0x680  }
0x26: {  	s9 =	simm.s32 @!p0 $0x1FC6;
	s0 =	sshrl.u32 @!p0 s7, $0x3  }
0x27: {  	[hbm:s18], [sflag:s9] =	dma.local @!p0 [spmem:s0], $0x100  }
0x28: {  	s0 =	simm.s32 @!p0 $0x6  }
0x29: {  	_ =	swait.ge @!p0 [sflag:s0], $0x100  }
0x2a: {  	[sflag:s0] =	ssyncset.done @!p0 $0x0  }
0x2b: {  	[sflag:s0] =	ssyncadd.s32 @!p0 $0xFFFFFF00  }
0x2c: {  	_ =	swait.ge [sflag:s2], $0x680  }
0x2d: {  	[sflag:s2] =	ssyncset.done $0x0  }
0x2e: {  	[sflag:s2] =	ssyncadd.s32 $0xFFFFF980  }
0x2f: {  	_ =	swait.ge [sflag:s2], $0x680  }
0x30: {  	[sflag:s2] =	ssyncset.done $0x0  }
0x31: {  	[sflag:s2] =	ssyncadd.s32 $0xFFFFF980  }
0x32: {  	_ =	swait.ge [sflag:s2], $0x680  }
0x33: {  	[sflag:s2] =	ssyncset.done $0x0  }
0x34: {  	[sflag:s2] =	ssyncadd.s32 $0xFFFFF980  }
0x35: {  	_ =	swait.ge [sflag:s2], $0x680  }
0x36: {  	[sflag:s2] =	ssyncset.done $0x0  }
0x37: {  	s4 =	sadd.s32 $0x1, s4;
	[sflag:s2] =	ssyncadd.s32 $0xFFFFF980  }
0x38: {  	p1 =	sne.s32 s4, s19;
	_ =	swait.ge [sflag:s2], $0x680  }
.Ltmp1:
0x39: {  	[sflag:s2] =	ssyncset.done $0x0;
	(pc) =	sbr.rel @!p1 .LBB2_9-.Ltmp1, $4  }
0x3a: {  	[sflag:s2] =	ssyncadd.s32 $0xFFFFF980  }
0x3b: {  	_ =	swait.ge [sflag:s2], $0x680  }
0x3c: {  	[sflag:s2] =	ssyncset.done $0x0  }
0x3d: {  	[sflag:s2] =	ssyncadd.s32 $0xFFFFF980  }
.LBB2_1:
0x3e: {  	s0 =	simm.s32 $0x0;
	s9 =	simm.s32 $0x200  }
.LBB2_2:
0x3f: {  	p1 =	sne.s32 s9, $0xCE00;
	[tilespmem:s0+$0x8470] =	vst v0  }
0x40: {  	[tilespmem:s0+$0x8400] =	vst v0  }
0x41: {  	[tilespmem:s0+$0x8410] =	vst v0  }
.Ltmp2:
0x42: {  	[tilespmem:s0+$0x8420] =	vst v0;
	(pc) =	sbr.rel @p1 .LBB2_2-.Ltmp2, $4  }
0x43: {  	[tilespmem:s0+$0x8430] =	vst v0  }
0x44: {  	[tilespmem:s0+$0x8440] =	vst v0  }
0x45: {  	[tilespmem:s0+$0x8450] =	vst v0  }
0x46: {  	[tilespmem:s0+$0x8460] =	vst v0;
	s0 =	sshra.s32 s9, $0x2;
	s9 =	sadd.s32 $0x200, s9  }
0x47: {  	[tilespmem:s0+$0x8470] =	vst v0  }
0x48: {  	[tilespmem:s0+$0x8400] =	vst v0  }
0x49: {  	[tilespmem:s0+$0x8410] =	vst v0  }
0x4a: {  	[tilespmem:s0+$0x8420] =	vst v0  }
0x4b: {  	[tilespmem:s0+$0x8430] =	vst v0  }
0x4c: {  	[tilespmem:s0+$0x8440] =	vst v0  }
0x4d: {  	[tilespmem:s0+$0x8450] =	vst v0  }
0x4e: {  	[tilespmem:s0+$0x8460] =	vst v0  }
0x4f: {  	[spmem:s20] =	stream.linear.scatter [tilespmem:s26], [sflag:$0x7], $0x3400, $0x38;
	[tilespmem:$0x1F100] =	vst v63  }
0x50: {  	_ =	swait.ge [sflag:s28], $0x3400  }
0x51: {  	[sflag:s28] =	ssyncset.done $0x0  }
0x52: {  	[sflag:s28] =	ssyncadd.s32 $0xFFFFCC00  }
0x53: {  	[spmem:s21] =	stream.linear.scatter [tilespmem:s26], [sflag:$0x7], $0x3400, $0x38;
	[tilespmem:$0x1F100] =	vst v63  }
0x54: {  	_ =	swait.ge [sflag:s28], $0x3400  }
0x55: {  	[sflag:s28] =	ssyncset.done $0x0  }
0x56: {  	[sflag:s28] =	ssyncadd.s32 $0xFFFFCC00  }
0x57: {  	[spmem:s22] =	stream.linear.scatter [tilespmem:s26], [sflag:$0x7], $0x3400, $0x38;
	[tilespmem:$0x1F100] =	vst v63  }
0x58: {  	_ =	swait.ge [sflag:s28], $0x3400  }
0x59: {  	[sflag:s28] =	ssyncset.done $0x0  }
0x5a: {  	[sflag:s28] =	ssyncadd.s32 $0xFFFFCC00  }
0x5b: {  	[spmem:s23] =	stream.linear.scatter [tilespmem:s26], [sflag:$0x7], $0x3400, $0x38;
	[tilespmem:$0x1F100] =	vst v63  }
0x5c: {  	_ =	swait.ge [sflag:s28], $0x3400  }
0x5d: {  	[sflag:s28] =	ssyncset.done $0x0  }
0x5e: {  	[sflag:s28] =	ssyncadd.s32 $0xFFFFCC00  }
0x5f: {  	[spmem:s24] =	stream.linear.scatter [tilespmem:s26], [sflag:$0x7], $0x3400, $0x38;
	[tilespmem:$0x1F100] =	vst v63  }
0x60: {  	_ =	swait.ge [sflag:s28], $0x3400  }
0x61: {  	[sflag:s28] =	ssyncset.done $0x0  }
0x62: {  	[sflag:s28] =	ssyncadd.s32 $0xFFFFCC00  }
0x63: {  	[spmem:s25] =	stream.linear.scatter [tilespmem:s26], [sflag:$0x7], $0x3400, $0x38;
	[tilespmem:$0x1F100] =	vst v63  }
0x64: {  	_ =	swait.ge [sflag:s28], $0x3400  }
0x65: {  	[sflag:s28] =	ssyncset.done $0x0  }
0x66: {  	s0 =	simm.s32 @!p0 $0x8400;
	[sflag:s28] =	ssyncadd.s32 $0xFFFFCC00  }
0x67: {  	[spmem:s7] =	stream.linear.scatter @!p0 [tilespmem:s0], [sflag:$0x7], $0x1000, $0x38;
	[tilespmem:$0x1F100] =	vst v63  }
0x68: {  	s0 =	simm.s32 @!p0 $0x7  }
0x69: {  	_ =	swait.ge @!p0 [sflag:s0], $0x1000  }
0x6a: {  	[sflag:s0] =	ssyncset.done @!p0 $0x0  }
0x6b: {  	[sflag:s0] =	ssyncadd.s32 @!p0 $0xFFFFF000  }
0x6c: {  	s31 =	simm.s32 $0x400;
	s0 =	simm.s32 $0x0;
	[bflag:$0x0] =	sbarrier.arrive $0xFFFF  }
0x6d: {  	[tilespmem:s0], [sflag:$0x7] =	stream.strided.gather [hbm4b:s8+s29], $0x100, s31, s29, $0x38;
	[tilespmem:$0x1F100] =	vst v63  }
0x6e: {  	_ =	swait.ge [sflag:s28], $0x100  }
0x6f: {  	[sflag:s28] =	ssyncset.done $0x0  }
0x70: {  	[sflag:s28] =	ssyncadd.s32 $0xFFFFFF00  }
0x71: {  	[tilespmem:s31], [sflag:$0x5] =	stream.indirect.gather [hbm4b:s1+s29], $0x80, s0, s29, $0xb8;
	[tilespmem:$0x1F100] =	vst v63  }
0x72: {  	s9 =	rddreg [dreg:$0x4]  }
0x73: {  	[tilespmem:s30], [sflag:$0x7] =	stream.strided.gather [hbm4b:s9+s29], $0x100, s31, s29, $0x38;
	[tilespmem:$0x1F100] =	vst v63  }
0x74: {  	_ =	swait.ge [sflag:s28], $0x100  }
0x75: {  	[sflag:s28] =	ssyncset.done $0x0  }
0x76: {  	s12 =	simm.s32 $0x4400;
	[sflag:s28] =	ssyncadd.s32 $0xFFFFFF00  }
0x77: {  	[tilespmem:s12], [sflag:$0x6] =	stream.indirect.gather [hbm4b:s1+s29], $0x80, s30, s29, $0xb8;
	[tilespmem:$0x1F100] =	vst v63  }
.Ltmp3:
0x78: {  	_ = 	snop;
	(pc) =	sbr.rel .LBB2_4-.Ltmp3, $4  }
0x79: {  	s9 =	simm.s32 $0x200;
	s10 =	rddreg [dreg:$0x5]  }
0x7a: {  	[tilespmem:s9], [sflag:$0x3] =	stream.strided.gather [hbm4b:s10+s29], $0x100, s31, s29, $0x38;
	[tilespmem:$0x1F100] =	vst v63  }
0x7b: {  	s13 =	simm.s32 $0x300  }
0x7c: {  	[tilespmem:s13], [sflag:$0x4] =	stream.strided.gather [hbm4b:s17+s29], $0x100, s31, s29, $0x38;
	[tilespmem:$0x1F100] =	vst v63  }
.LBB2_6:
0x7d: {  	p1 =	seq.s32 s10, $0x2  }
0x7e: {  	s10 =	simm.s32 @p1 $0x5  }
0x7f: {  	_ =	swait.ge @p1 [sflag:s10], $0x4000  }
0x80: {  	s11 =	simm.s32 @p1 $0x280;
	[sflag:s10] =	ssyncset.done @p1 $0x0  }
0x81: {  	s12 =	simm.s32 @p1 $0x400;
	[sflag:s10] =	ssyncadd.s32 @p1 $0xFFFFC000;
	s10 =	simm.s32 @p1 $0x80  }
0x82: {  	[spmem:s3] =	stream.indirect.scatter.add.f32 @p1 [tilespmem:s12], [sflag:$0x7], $0x80, s11, s10, $0xb8;
	[tilespmem:$0x1F100] =	vst v63  }
0x83: {  	s10 =	simm.s32 @p1 $0x7  }
0x84: {  	p2 =	sgt.u32 @p1 s0, $0x4C;
	_ =	swait.ge @p1 [sflag:s10], $0x4000  }
0x85: {  	p3 =	por p2, !p1;
	[sflag:s10] =	ssyncset.done @p1 $0x0  }
0x86: {  	[sflag:s10] =	ssyncadd.s32 @p1 $0xFFFFC000;
	s10 =	simm.s32 @!p3 $0x1  }
0x87: {  	_ =	swait.ge @!p3 [sflag:s10], $0x100  }
0x88: {  	s11 =	simm.s32 @!p3 $0x0;
	[sflag:s10] =	ssyncset.done @!p3 $0x0  }
0x89: {  	s12 =	simm.s32 @!p3 $0x400;
	[sflag:s10] =	ssyncadd.s32 @!p3 $0xFFFFFF00;
	s10 =	simm.s32 @!p3 $0x80  }
0x8a: {  	[tilespmem:s12], [sflag:$0x5] =	stream.indirect.gather @!p3 [hbm4b:s1+s10], $0x80, s11, s10, $0xb8;
	[tilespmem:$0x1F100] =	vst v63  }
0x8b: {  	p3 =	sgt.u32 @!p3 s0, $0x4A  }
0x8c: {  	p2 =	por @p1 p3, p2  }
0x8d: {  	p2 =	por p2, !p1  }
0x8e: {  	s10 =	sand.u32 @!p2 $0xF800, s31  }
0x8f: {  	s11 =	sand.u32 @!p2 $0x380, s9;
	s10 =	sadd.s32 @!p2 s6, s10  }
0x90: {  	s10 =	sor.u32 @!p2 s11, s10  }
0x91: {  	s12 =	simm.s32 @!p2 $0x400;
	s10 =	sshrl.u32 @!p2 s10, $0x3  }
0x92: {  	s13 =	simm.s32 @!p2 $0x200;
	s11 =	simm.s32 @!p2 $0x80;
	s10 =	sadd.s32 @!p2 s5, s10  }
0x93: {  	[tilespmem:s13], [sflag:$0x3] =	stream.strided.gather @!p2 [hbm4b:s10+s11], $0x100, s12, s11, $0x38;
	[tilespmem:$0x1F100] =	vst v63  }
0x94: {  	s10 =	simm.s32 @!p1 $0x6  }
0x95: {  	_ =	swait.ge @!p1 [sflag:s10], $0x4000  }
0x96: {  	s11 =	simm.s32 @!p1 $0x380;
	[sflag:s10] =	ssyncset.done @!p1 $0x0  }
0x97: {  	s12 =	simm.s32 @!p1 $0x4400;
	[sflag:s10] =	ssyncadd.s32 @!p1 $0xFFFFC000;
	s10 =	simm.s32 @!p1 $0x80  }
0x98: {  	[spmem:s3] =	stream.indirect.scatter.add.f32 @!p1 [tilespmem:s12], [sflag:$0x7], $0x80, s11, s10, $0xb8;
	[tilespmem:$0x1F100] =	vst v63  }
0x99: {  	s10 =	simm.s32 @!p1 $0x7  }
0x9a: {  	p2 =	sgt.u32 @!p1 s0, $0x4C;
	_ =	swait.ge @!p1 [sflag:s10], $0x4000  }
0x9b: {  	p3 =	por p2, p1;
	[sflag:s10] =	ssyncset.done @!p1 $0x0  }
0x9c: {  	[sflag:s10] =	ssyncadd.s32 @!p1 $0xFFFFC000;
	s10 =	simm.s32 @!p3 $0x2  }
0x9d: {  	_ =	swait.ge @!p3 [sflag:s10], $0x100  }
0x9e: {  	s11 =	simm.s32 @!p3 $0x100;
	[sflag:s10] =	ssyncset.done @!p3 $0x0  }
0x9f: {  	s12 =	simm.s32 @!p3 $0x4400;
	[sflag:s10] =	ssyncadd.s32 @!p3 $0xFFFFFF00;
	s10 =	simm.s32 @!p3 $0x80  }
0xa0: {  	[tilespmem:s12], [sflag:$0x6] =	stream.indirect.gather @!p3 [hbm4b:s1+s10], $0x80, s11, s10, $0xb8;
	[tilespmem:$0x1F100] =	vst v63  }
0xa1: {  	p3 =	sgt.u32 @!p3 s0, $0x4A  }
0xa2: {  	p2 =	por @!p1 p3, p2  }
0xa3: {  	p1 =	por p2, p1  }
0xa4: {  	s10 =	sand.u32 @!p1 $0xF800, s31  }
0xa5: {  	s11 =	sand.u32 @!p1 $0x380, s9;
	s10 =	sadd.s32 @!p1 s6, s10  }
0xa6: {  	s10 =	sor.u32 @!p1 s11, s10  }
0xa7: {  	s12 =	simm.s32 @!p1 $0x400;
	s10 =	sshrl.u32 @!p1 s10, $0x3  }
0xa8: {  	s13 =	simm.s32 @!p1 $0x300;
	s11 =	simm.s32 @!p1 $0x80;
	s10 =	sadd.s32 @!p1 s5, s10  }
0xa9: {  	[tilespmem:s13], [sflag:$0x4] =	stream.strided.gather @!p1 [hbm4b:s10+s11], $0x100, s12, s11, $0x38;
	[tilespmem:$0x1F100] =	vst v63  }
.LBB2_7:
0xaa: {  	s0 =	sadd.s32 $0x1, s0  }
0xab: {  	p1 =	sne.s32 s0, $0x4F  }
.Ltmp4:
0xac: {  	_ = 	snop;
	(pc) =	sbr.rel @!p1 .LBB2_8-.Ltmp4, $2  }
0xad: {  	_ =	sdelay $0x2  }
0xae: {  	s31 =	sadd.s32 $0x100, s31;
	s9 =	sadd.s32 $0x80, s9  }
.LBB2_4:
0xaf: {  	s10 =	sand.u32 $0x3, s0  }
0xb0: {  	p1 =	sgt.s32 s10, $0x1  }
.Ltmp5:
0xb1: {  	_ = 	snop;
	(pc) =	sbr.rel @p1 .LBB2_6-.Ltmp5, $1  }
0xb2: {  	_ =	sdelay $0x3  }
0xb3: {  	p1 =	seq.s32 s10, $0x0  }
0xb4: {  	s10 =	simm.s32 @p1 $0x5  }
0xb5: {  	_ =	swait.ge @p1 [sflag:s10], $0x4000  }
0xb6: {  	[sflag:s10] =	ssyncset.done @p1 $0x0  }
0xb7: {  	s11 =	simm.s32 @p1 $0x400;
	[sflag:s10] =	ssyncadd.s32 @p1 $0xFFFFC000;
	s10 =	simm.s32 @p1 $0x80  }
0xb8: {  	[spmem:s3] =	stream.indirect.scatter.add.f32 @p1 [tilespmem:s11], [sflag:$0x7], $0x80, s10, s10, $0xb8;
	[tilespmem:$0x1F100] =	vst v63  }
0xb9: {  	s10 =	simm.s32 @p1 $0x7  }
0xba: {  	p2 =	sgt.u32 @p1 s0, $0x4C;
	_ =	swait.ge @p1 [sflag:s10], $0x4000  }
0xbb: {  	p3 =	por p2, !p1;
	[sflag:s10] =	ssyncset.done @p1 $0x0  }
0xbc: {  	[sflag:s10] =	ssyncadd.s32 @p1 $0xFFFFC000;
	s10 =	simm.s32 @!p3 $0x3  }
0xbd: {  	_ =	swait.ge @!p3 [sflag:s10], $0x100  }
0xbe: {  	s12 =	simm.s32 @!p3 $0x400;
	[sflag:s10] =	ssyncset.done @!p3 $0x0  }
0xbf: {  	s11 =	simm.s32 @!p3 $0x200;
	[sflag:s10] =	ssyncadd.s32 @!p3 $0xFFFFFF00;
	s10 =	simm.s32 @!p3 $0x80  }
0xc0: {  	[tilespmem:s12], [sflag:$0x5] =	stream.indirect.gather @!p3 [hbm4b:s1+s10], $0x80, s11, s10, $0xb8;
	[tilespmem:$0x1F100] =	vst v63  }
0xc1: {  	p3 =	sgt.u32 @!p3 s0, $0x4A  }
0xc2: {  	p2 =	por @p1 p3, p2  }
0xc3: {  	p2 =	por p2, !p1  }
0xc4: {  	s10 =	sand.u32 @!p2 $0xF800, s31  }
0xc5: {  	s11 =	sand.u32 @!p2 $0x380, s9;
	s10 =	sadd.s32 @!p2 s6, s10  }
0xc6: {  	s10 =	sor.u32 @!p2 s11, s10  }
0xc7: {  	s12 =	simm.s32 @!p2 $0x400;
	s10 =	sshrl.u32 @!p2 s10, $0x3  }
0xc8: {  	s13 =	simm.s32 @!p2 $0x0;
	s11 =	simm.s32 @!p2 $0x80;
	s10 =	sadd.s32 @!p2 s5, s10  }
0xc9: {  	[tilespmem:s13], [sflag:$0x1] =	stream.strided.gather @!p2 [hbm4b:s10+s11], $0x100, s12, s11, $0x38;
	[tilespmem:$0x1F100] =	vst v63  }
0xca: {  	s10 =	simm.s32 @!p1 $0x6  }
0xcb: {  	_ =	swait.ge @!p1 [sflag:s10], $0x4000  }
0xcc: {  	s11 =	simm.s32 @!p1 $0x180;
	[sflag:s10] =	ssyncset.done @!p1 $0x0  }
0xcd: {  	s12 =	simm.s32 @!p1 $0x4400;
	[sflag:s10] =	ssyncadd.s32 @!p1 $0xFFFFC000;
	s10 =	simm.s32 @!p1 $0x80  }
0xce: {  	[spmem:s3] =	stream.indirect.scatter.add.f32 @!p1 [tilespmem:s12], [sflag:$0x7], $0x80, s11, s10, $0xb8;
	[tilespmem:$0x1F100] =	vst v63  }
0xcf: {  	s10 =	simm.s32 @!p1 $0x7  }
0xd0: {  	p2 =	sgt.u32 @!p1 s0, $0x4C;
	_ =	swait.ge @!p1 [sflag:s10], $0x4000  }
0xd1: {  	p3 =	por p2, p1;
	[sflag:s10] =	ssyncset.done @!p1 $0x0  }
0xd2: {  	[sflag:s10] =	ssyncadd.s32 @!p1 $0xFFFFC000;
	s10 =	simm.s32 @!p3 $0x4  }
0xd3: {  	_ =	swait.ge @!p3 [sflag:s10], $0x100  }
0xd4: {  	s11 =	simm.s32 @!p3 $0x300;
	[sflag:s10] =	ssyncset.done @!p3 $0x0  }
0xd5: {  	s12 =	simm.s32 @!p3 $0x4400;
	[sflag:s10] =	ssyncadd.s32 @!p3 $0xFFFFFF00;
	s10 =	simm.s32 @!p3 $0x80  }
0xd6: {  	[tilespmem:s12], [sflag:$0x6] =	stream.indirect.gather @!p3 [hbm4b:s1+s10], $0x80, s11, s10, $0xb8;
	[tilespmem:$0x1F100] =	vst v63  }
0xd7: {  	p3 =	sgt.u32 @!p3 s0, $0x4A  }
0xd8: {  	p2 =	por @!p1 p3, p2  }
0xd9: {  	p1 =	por p2, p1  }
0xda: {  	s10 =	sand.u32 @!p1 $0xF800, s31  }
.Ltmp6:
0xdb: {  	s11 =	sand.u32 @!p1 $0x380, s9;
	s10 =	sadd.s32 @!p1 s6, s10;
	(pc) =	sbr.rel .LBB2_7-.Ltmp6, $4  }
0xdc: {  	s10 =	sor.u32 @!p1 s11, s10  }
0xdd: {  	s12 =	simm.s32 @!p1 $0x400;
	s10 =	sshrl.u32 @!p1 s10, $0x3  }
0xde: {  	s13 =	simm.s32 @!p1 $0x100;
	s11 =	simm.s32 @!p1 $0x80;
	s10 =	sadd.s32 @!p1 s5, s10  }
0xdf: {  	[tilespmem:s13], [sflag:$0x2] =	stream.strided.gather @!p1 [hbm4b:s10+s11], $0x100, s12, s11, $0x38;
	[tilespmem:$0x1F100] =	vst v63  }
.LBB2_9:
0xe0: {  	_ =	sfence.sel $0x180000  }
0xe1: {  	[bflag:$0x0] =	sbarrier.arrive $0xFFFF  }
0xe2: {  	_ =	strace $0x9000004A  }
0xe3: {  	s0 =	stileid.u32;
	[bflag:$0x2] =	sbarrier.arrive $0xFFFF  }
0xe4: {  	p0 =	sne.s32 s0, $0x0;
	s0 =	rddreg [dreg:$0x3]  }
0xe5: {  	s0 =	sadd.s32 @!p0 $0x100000, s0  }
0xe6: {  	[sflag:s0] =	ssyncadd.tile.s32 @!p0 $0x1;
	_ =	shalt  }
.Lfunc_end2:
_tile_overlayer_lowered:
.L_overlay_start_2:
0xe7: {  	(tag) =	ssettag $0x2  }
0xe8: {  	s0 =	rddreg [dreg:$0x0];
	s2 =	stileid.u32  }
0xe9: {  	s1 =	rddreg [dreg:$0x1];
	p0 =	sne.s32 s2, $0x0  }
0xea: {  	s3 =	rddreg [dreg:$0x2];
	[bflag:$0x3] =	sbarrier.arrive $0xFFFF;
	s2 =	simm.s32 @!p0 $0x1C07  }
0xeb: {  	[timem:s3], [sflag:s2] =	dma.local @!p0 [hbm:s0], s1  }
0xec: {  	s0 =	simm.s32 @!p0 $0x7  }
0xed: {  	_ =	swait.ge @!p0 [sflag:s0], s1  }
0xee: {  	s1 =	ssub.s32 @!p0 $0x0, s1;
	[sflag:s0] =	ssyncset.done @!p0 $0x0  }
0xef: {  	[sflag:s0] =	ssyncadd.s32 @!p0 s1  }
0xf0: {  	[bflag:$0x3] =	sbarrier.arrive $0xFFFF  }
0xf1: {  	_ =	shalt  }

// kernel: kernel.14.cloned.1.call-start
scs
__scs_entry_jumppad:
0x0: {  	(pc) =	sbr.rel $0x88, $3  }
0x1: {  	(tag) =	ssettag $0x0;
	lr =	simm.s32 $0x1  }
0x2: {  	[smem:$0x3F9B] =	sst lr;
	_ =	strace $0xD0000000  }
0x3: {  	_ = 	snop  }
0x4: {  	_ = 	snop  }
0x5: {  	_ = 	snop  }
0x6: {  	_ = 	snop  }
0x7: {  	_ = 	snop  }
__scs_overlays_trampoline_lowered:
0x8: {  	[smem:$0x3FAA] =	sst s0  }
0x9: {  	[smem:$0x3FAB] =	sst s1  }
0xa: {  	[smem:$0x3FAC] =	sst s2  }
0xb: {  	[smem:$0x3FAD] =	sst s3  }
0xc: {  	[smem:$0x3FAE] =	sst s4  }
0xd: {  	[smem:$0x3FAF] =	sst s5  }
0xe: {  	[smem:$0x3FB0] =	sst s6  }
0xf: {  	[smem:$0x3FB1] =	sst s7  }
0x10: {  	[smem:$0x3FB2] =	sst s8  }
0x11: {  	[smem:$0x3FB3] =	sst s9;
	s0 =	simm.s32 @!p0 $0x0  }
0x12: {  	s1 =	sld [smem:$0x3F99];
	s0 =	simm.s32 @p0 $0x1  }
0x13: {  	[smem:$0x3FB4] =	sst s0;
	s0 =	simm.s32 @!p1 $0x0  }
0x14: {  	s2 =	sld [smem:$0x3F98];
	s0 =	simm.s32 @p1 $0x1  }
0x15: {  	[smem:$0x3FB5] =	sst s0;
	s0 =	simm.s32 @!p2 $0x0  }
0x16: {  	s3 =	sld [smem:$0x3FDB];
	s0 =	simm.s32 @p2 $0x1  }
0x17: {  	s4 =	simm.s32 $0x1BF5;
	[smem:$0x3FB7] =	sst s0  }
0x18: {  	s0 =	sld [smem:$0x3F9A];
	_ =	swait.ge [sflag:s4], $0x0  }
0x19: {  	s7 =	sld [smem:$0x3F9B]  }
0x1a: {  	s8 =	sadd.s32 $0xFFFFE003, lr  }
0x1b: {  	s9 =	sadd.s32 $0xFFFFFEF7, lr;
	s5 =	simm.s32 $0xFFFFFFFF;
	p2 =	slt.u32 s8, $0xFFFFF086  }
0x1c: {  	p1 =	slt.u32 s9, $0xF7A;
	s5 =	simm.s32 @!p2 $0x0  }
0x1d: {  	s5 =	simm.s32 @p1 $0x1;
	p0 =	seq.s32 s7, s2  }
0x1e: {  	s7 =	smul.u32 @!p0 $0xF7A, s2;
	p2 =	seq.s32 @!p0 s5, $0x0  }
0x1f: {  	s9 =	smul.u32 $0xF7A, s1;
	s8 =	simm.s32 @!p0 $0x1BF5;
	p2 =	por !p2, p0  }
0x20: {  	[sflag:s8] =	ssyncset.s32 @!p0 $0xFFFFF086;
	s6 =	sadd.s32 @!p0 s3, s7;
	s7 =	simm.s32 @!p0 $0x108  }
0x21: {  	s3 =	sadd.s32 s3, s9;
	s6 =	sadd.s32 @!p0 $0x88, s6;
	s7 =	simm.s32 @p2 $0x1082  }
0x22: {  	[simem:s7], [sflag:s8] =	dma.local @!p0 [hbm:s6], $0xF7A  }
0x23: {  	s9 =	sor.u32 $0xD0000000, s2;
	s6 =	simm.s32 $0x108;
	_ =	swait.ge @!p0 [sflag:s8], $0x0  }
0x24: {  	s3 =	sadd.s32 $0x88, s3;
	s6 =	simm.s32 @!p1 $0x1082;
	[sflag:s4] =	ssyncset.s32 $0xFFFFF086  }
0x25: {  	[simem:s6], [sflag:s4] =	dma.local [hbm:s3], $0xF7A  }
0x26: {  	[smem:$0x3F9B] =	sst s1;
	(tag) =	ssettag s2;
	_ =	strace s9  }
0x27: {  	s1 =	sld [smem:$0x3FAB]  }
0x28: {  	s2 =	sld [smem:$0x3FAC]  }
0x29: {  	s4 =	sld [smem:$0x3FAE]  }
0x2a: {  	p0 =	seq.s32 s5, $0x0;
	s5 =	sld [smem:$0x3FAF]  }
0x2b: {  	s6 =	sld [smem:$0x3FB0]  }
0x2c: {  	s7 =	sld [smem:$0x3FB1]  }
0x2d: {  	s3 =	simm.s32 $0x108;
	s8 =	sld [smem:$0x3FB2]  }
0x2e: {  	s3 =	simm.s32 @!p0 $0x1082;
	s9 =	sld [smem:$0x3FB3]  }
0x2f: {  	lr =	sadd.s32 s0, s3;
	s0 =	sld [smem:$0x3FAA]  }
0x30: {  	s3 =	sld [smem:$0x3FAD]  }
0x31: {  	[smem:$0x3FB6] =	sst s10  }
0x32: {  	s10 =	sld [smem:$0x3FB4];
	_ =	sdelay $0x3  }
0x33: {  	p0 =	seq.s32 s10, $0x1;
	s10 =	sld [smem:$0x3FB6];
	_ =	sdelay $0x3  }
0x34: {  	[smem:$0x3FB6] =	sst s10  }
0x35: {  	s10 =	sld [smem:$0x3FB5];
	_ =	sdelay $0x3  }
0x36: {  	p1 =	seq.s32 s10, $0x1;
	s10 =	sld [smem:$0x3FB6];
	_ =	sdelay $0x3  }
0x37: {  	[smem:$0x3FB6] =	sst s10  }
0x38: {  	s10 =	sld [smem:$0x3FB7]  }
0x39: {  	_ = 	snop;
	(pc) =	sbr.ind lr, $3  }
0x3a: {  	_ = 	snop  }
0x3b: {  	_ = 	snop  }
0x3c: {  	p2 =	seq.s32 s10, $0x1;
	s10 =	sld [smem:$0x3FB6]  }
0x3d: {  	_ =	shalt  }
0x3e: {  	_ =	shalt  }
0x3f: {  	_ =	shalt  }
0x40: {  	_ =	shalt  }
0x41: {  	_ =	shalt  }
0x42: {  	_ =	shalt  }
0x43: {  	_ =	shalt  }
0x44: {  	_ =	shalt  }
0x45: {  	_ =	shalt  }
0x46: {  	_ =	shalt  }
0x47: {  	_ =	shalt  }
0x48: {  	_ =	shalt  }
0x49: {  	_ =	shalt  }
0x4a: {  	_ =	shalt  }
0x4b: {  	_ =	shalt  }
0x4c: {  	_ =	shalt  }
0x4d: {  	_ =	shalt  }
0x4e: {  	_ =	shalt  }
0x4f: {  	_ =	shalt  }
0x50: {  	_ =	shalt  }
0x51: {  	_ =	shalt  }
0x52: {  	_ =	shalt  }
0x53: {  	_ =	shalt  }
0x54: {  	_ =	shalt  }
0x55: {  	_ =	shalt  }
0x56: {  	_ =	shalt  }
0x57: {  	_ =	shalt  }
0x58: {  	_ =	shalt  }
0x59: {  	_ =	shalt  }
0x5a: {  	_ =	shalt  }
0x5b: {  	_ =	shalt  }
0x5c: {  	_ =	shalt  }
0x5d: {  	_ =	shalt  }
0x5e: {  	_ =	shalt  }
0x5f: {  	_ =	shalt  }
0x60: {  	_ =	shalt  }
0x61: {  	_ =	shalt  }
0x62: {  	_ =	shalt  }
0x63: {  	_ =	shalt  }
0x64: {  	_ =	shalt  }
0x65: {  	_ =	shalt  }
0x66: {  	_ =	shalt  }
0x67: {  	_ =	shalt  }
0x68: {  	_ =	shalt  }
0x69: {  	_ =	shalt  }
0x6a: {  	_ =	shalt  }
0x6b: {  	_ =	shalt  }
0x6c: {  	_ =	shalt  }
0x6d: {  	_ =	shalt  }
0x6e: {  	_ =	shalt  }
0x6f: {  	_ =	shalt  }
0x70: {  	_ =	shalt  }
0x71: {  	_ =	shalt  }
0x72: {  	_ =	shalt  }
0x73: {  	_ =	shalt  }
0x74: {  	_ =	shalt  }
0x75: {  	_ =	shalt  }
0x76: {  	_ =	shalt  }
0x77: {  	_ =	shalt  }
0x78: {  	_ =	shalt  }
0x79: {  	_ =	shalt  }
0x7a: {  	_ =	shalt  }
0x7b: {  	_ =	shalt  }
0x7c: {  	_ =	shalt  }
0x7d: {  	_ =	shalt  }
0x7e: {  	_ =	shalt  }
0x7f: {  	_ =	shalt  }
0x80: {  	_ =	shalt  }
0x81: {  	_ =	shalt  }
0x82: {  	_ =	shalt  }
0x83: {  	_ =	shalt  }
0x84: {  	_ =	shalt  }
0x85: {  	_ =	shalt  }
0x86: {  	_ =	shalt  }
0x87: {  	_ =	shalt  }
.Lfunc_end0:
.L_simem_size_0:
called_computation.2_lowered:
.L_overlay_start_0:
0x88: {  	s2 =	sld [smem:$0x3FD9]  }
0x89: {  	s3 =	sld [smem:$0x3FFE];
	_ =	sdelay $0x1  }
0x8a: {  	s1 =	srdreg.scid  }
0x8b: {  	s0 =	sand.u32 $0x1, s1  }
0x8c: {  	s17 =	sshll.u32 s0, $0xA;
	s2 =	sadd.s32 s3, s2  }
0x8d: {  	s2 =	sadd.s32 s2, s17  }
0x8e: {  	[smem:$0x3FC2] =	sst s2  }
0x8f: {  	_ = 	snop  }
0x90: {  	s2 =	sld [smem:$0x3FD0];
	(tm) =	ssettm $0x1  }
0x91: {  	s18 =	sld [smem:$0x3FFB];
	_ =	sdelay $0x3  }
0x92: {  	_ =	strace s18  }
0x93: {  	s3 =	sld [smem:$0x3FFC];
	_ =	sdelay $0x3  }
0x94: {  	_ =	strace s3  }
0x95: {  	s3 =	sld [smem:$0x3FFD];
	_ =	sdelay $0x3  }
0x96: {  	_ =	strace s3  }
0x97: {  	_ =	strace $0x8FFFFFFF  }
0x98: {  	s19 =	sld [smem:$0x3FDB];
	_ =	sdelay $0x1  }
0x99: {  	s4 =	simm.s32 $_scs_section_size  }
0x9a: {  	s5 =	simm.s32 $_size__tile_overlayer_lowered;
	s6 =	simm.s32 $_tile_overlayer_lowered  }
0x9b: {  	s22 =	simm.s32 $0x1BFF;
	s21 =	sshll.u32 s6, $0x1;
	s3 =	sadd.s32 s4, s19  }
0x9c: {  	s7 =	simm.s32 $0x0;
	s20 =	sshll.u32 s5, $0x1;
	s5 =	sadd.s32 s21, s3  }
0x9d: {  	[timem:s7], [sflag:s22] =	dma.local [hbm:s5], s20  }
0x9e: {  	_ =	swait.ge [sflag:s22], s20  }
0x9f: {  	s4 =	ssub.s32 $0x0, s20;
	[sflag:s22] =	ssyncset.done $0x0  }
0xa0: {  	[sflag:s22] =	ssyncadd.s32 s4;
	_ =	sdelay $0x1  }
0xa1: {  	s23 =	simm.s32 $0x1B8B  }
0xa2: {  	_ =	swait.ge [sflag:s23], $0x1  }
0xa3: {  	[sflag:s23] =	ssyncset.done $0x0  }
0xa4: {  	s25 =	simm.s32 $0x1B8E;
	s24 =	sld [smem:$0x3FFE];
	[sflag:s23] =	ssyncadd.s32 $0xFFFFFFFF  }
0xa5: {  	s26 =	simm.s32 $execute0_lowered;
	[smem:$0x3FD2] =	sst s25  }
0xa6: {  	s5 =	sshll.u32 s26, $0x1;
	_ =	strace $0x8000004C;
	[dreg:$0x1] =	wrdreg $0xFFFFFFFF  }
0xa7: {  	s28 =	simm.s32 $_size_execute0_lowered;
	s3 =	sadd.s32 s3, s5;
	[dreg:$0x0] =	wrdreg $0x0  }
0xa8: {  	s5 =	sshll.u32 s28, $0x1;
	[dreg:$0x2] =	wrdreg s3  }
0xa9: {  	[dreg:$0x3] =	wrdreg s5  }
0xaa: {  	[dreg:$0x4] =	wrdreg $0xC0  }
0xab: {  	_ =	task [dreg:s7], $0x5FFFF  }
0xac: {  	[dreg:$0x1] =	wrdreg $0xFFFFFFFF  }
0xad: {  	[dreg:$0x0] =	wrdreg $0x60  }
0xae: {  	[dreg:$0x2] =	wrdreg s2  }
0xaf: {  	[dreg:$0x3] =	wrdreg s24  }
0xb0: {  	[dreg:$0x4] =	wrdreg $0xB8000  }
0xb1: {  	[dreg:$0x5] =	wrdreg $0x9  }
0xb2: {  	_ =	task.clear_ibuf [dreg:s7], $0x6FFFF;
	_ =	strace $0x9000004C  }
0xb3: {  	s29 =	simm.s32 $0x9;
	_ =	strace $0x8000004E  }
0xb4: {  	_ =	swait.ge [sflag:s29], $0x1  }
0xb5: {  	[sflag:s29] =	ssyncadd.s32 $0xFFFFFFFF  }
0xb6: {  	_ =	strace $0x9000004E  }
0xb7: {  	_ =	sfence  }
0xb8: {  	s30 =	sld [smem:$0x0];
	_ =	sdelay $0x2  }
0xb9: {  	s31 =	sshll.u32 s1, $0xD;
	s1 =	sshrl.u32 s1, $0x2  }
0xba: {  	s3 =	sand.u32 $0x4000, s31;
	s1 =	sadd.s32 s1, s30  }
0xbb: {  	s0 =	sor.u32 s3, s0;
	s1 =	sshll.u32 s1, $0x11  }
0xbc: {  	s0 =	sor.u32 s1, s0  }
0xbd: {  	s0 =	sadd.s32 $0x8F2B, s0  }
0xbe: {  	[sflag:s0] =	ssyncadd.remote.s32 $0x1  }
0xbf: {  	_ =	sfence.sel $0xFFFF  }
0xc0: {  	[dreg:$0x0] =	wrdreg $0xFFFFFFFF;
	(pc) =	sbr.abs _section_cstart, $3  }
0xc1: {  	[dreg:$0x1] =	wrdreg $0xFFFFFFFF  }
0xc2: {  	_ =	task.clear_ibuf [dreg:s7], $0x2FFFF;
	_ =	strace $0x9FFFFFFF  }
0xc3: {  	(tm) =	ssettm $0x7FFFFFFF  }
tec
execute0_lowered:
.L_overlay_start_1:
0x0: {  	(tag) =	ssettag $0x1  }
0x1: {  	s1 =	rddreg [dreg:$0x0]  }
0x2: {  	s0 =	rddreg [dreg:$0x1]  }
0x3: {  	s3 =	rddreg [dreg:$0x2]  }
0x4: {  	s4 =	simm.s32 $0x0;
	s2 =	srdreg.scid;
	s26 =	stileid.u32  }
0x5: {  	s28 =	simm.s32 $0x7;
	s29 =	simm.s32 $0x80;
	s30 =	simm.s32 $0x100  }
0x6: {  	[smem:$0x7FF] =	sst s4;
	s2 =	sand.u32 $0x1, s2;
	s11 =	smul.u32 $0x13800, s26  }
0x7: {  	s5 =	sshll.u32 s26, $0x1;
	s19 =	smul.u32 $0x4E000, s26;
	p0 =	sne.s32 s26, $0xF  }
0x8: {  	s26 =	simm.s32 $0x8400;
	_ =	strace $0x8000004D;
	s6 =	sor.u32 s2, s5  }
0x9: {  	s5 =	sadd.s32 $0x2800, s0;
	s7 =	ssub.s32 $0x2, s2;
	s2 =	smul.u32 $0x138800, s2  }
0xa: {  	s0 =	sadd.s32 $0x16800, s0;
	s6 =	smul.u32 $0x5000, s6;
	s8 =	sshrl.u32 s7, $0x1  }
0xb: {  	s21 =	sadd.s32 $0x3400, s11;
	s22 =	sadd.s32 $0x6800, s11;
	s23 =	sadd.s32 $0x9C00, s11  }
0xc: {  	s24 =	sadd.s32 $0xD000, s11;
	s25 =	sadd.s32 $0x10400, s11;
	s31 =	sshrl.u32 s19, $0x2  }
0xd: {  	s9 =	ssub.s32 s7, s8;
	s7 =	sadd.s32 $0x138000, s3;
	s10 =	sshrl.u32 s2, $0x3  }
0xe: {  	s11 =	sadd.s32 s2, s11;
	s17 =	sadd.s32 s2, s21;
	s13 =	sadd.s32 s2, s22  }
0xf: {  	s14 =	sadd.s32 s2, s23;
	s21 =	sadd.s32 s21, s3;
	s22 =	sadd.s32 s22, s3  }
0x10: {  	s23 =	sadd.s32 s23, s3;
	s15 =	sshrl.u32 s6, $0x3;
	s10 =	sadd.s32 s0, s10  }
0x11: {  	s11 =	sshrl.u32 s11, $0x3;
	s13 =	sshrl.u32 s13, $0x3;
	s14 =	sshrl.u32 s14, $0x3  }
0x12: {  	s19 =	smax.u32 s9, $0x1;
	s8 =	sadd.s32 s5, s15;
	s11 =	sadd.s32 s0, s11  }
0x13: {  	s20 =	sadd.s32 s0, s13;
	s15 =	sadd.s32 s2, s24;
	s2 =	sadd.s32 s2, s25  }
0x14: {  	s14 =	sadd.s32 s0, s14;
	s24 =	sadd.s32 s24, s3;
	s25 =	sadd.s32 s25, s3  }
0x15: {  	s12 =	sadd.s32 $0x10, s8;
	s16 =	sadd.s32 $0x20, s8;
	[dreg:$0x6] =	wrdreg s11  }
.Ltmp0:
0x16: {  	[dreg:$0x8] =	wrdreg s20;
	s15 =	sshrl.u32 s15, $0x3;
	(pc) =	sbr.rel .LBB2_1-.Ltmp0, $4  }
0x17: {  	s2 =	sshrl.u32 s2, $0x3;
	s20 =	sadd.s32 s31, s3;
	[dreg:$0x4] =	wrdreg s12  }
0x18: {  	[dreg:$0x5] =	wrdreg s16;
	s12 =	sshrl.u32 s17, $0x3;
	s15 =	sadd.s32 s0, s15  }
0x19: {  	s16 =	sadd.s32 s0, s2;
	s17 =	sadd.s32 $0x30, s8;
	s18 =	sadd.s32 s0, s12  }
0x1a: {  	v0 =	vimm.f32 $0.0e+00;
	s2 =	simm.s32 $0x5;
	[dreg:$0x7] =	wrdreg s18;
	s18 =	sadd.s32 $0x27000, s10  }
.LBB2_8:
0x1b: {  	s0 =	stileid.u32  }
0x1c: {  	[bflag:$0x0] =	sbarrier.arrive $0xFFFF;
	s9 =	sshrl.u32 s20, $0x3;
	s0 =	sshll.u32 s0, $0x6  }
0x1d: {  	s31 =	sshrl.u32 s21, $0x3;
	s10 =	rddreg [dreg:$0x6];
	s0 =	sor.u32 $0x1C05, s0  }
0x1e: {  	[hbm:s10], [sflag:s0] =	dma.local [spmem:s9], $0x680  }
0x1f: {  	s11 =	sshrl.u32 s22, $0x3;
	s12 =	sshrl.u32 s23, $0x3;
	s10 =	rddreg [dreg:$0x7]  }
0x20: {  	[hbm:s10], [sflag:s0] =	dma.local [spmem:s31], $0x680  }
0x21: {  	s13 =	sshrl.u32 s24, $0x3;
	s31 =	sshrl.u32 s25, $0x3;
	s10 =	rddreg [dreg:$0x8]  }
0x22: {  	[hbm:s10], [sflag:s0] =	dma.local [spmem:s11], $0x680  }
0x23: {  	[hbm:s14], [sflag:s0] =	dma.local [spmem:s12], $0x680  }
0x24: {  	[hbm:s15], [sflag:s0] =	dma.local [spmem:s13], $0x680  }
0x25: {  	[hbm:s16], [sflag:s0] =	dma.local [spmem:s31], $0x680  }
0x26: {  	s9 =	simm.s32 @!p0 $0x1FC6;
	s0 =	sshrl.u32 @!p0 s7, $0x3  }
0x27: {  	[hbm:s18], [sflag:s9] =	dma.local @!p0 [spmem:s0], $0x100  }
0x28: {  	s0 =	simm.s32 @!p0 $0x6  }
0x29: {  	_ =	swait.ge @!p0 [sflag:s0], $0x100  }
0x2a: {  	[sflag:s0] =	ssyncset.done @!p0 $0x0  }
0x2b: {  	[sflag:s0] =	ssyncadd.s32 @!p0 $0xFFFFFF00  }
0x2c: {  	_ =	swait.ge [sflag:s2], $0x680  }
0x2d: {  	[sflag:s2] =	ssyncset.done $0x0  }
0x2e: {  	[sflag:s2] =	ssyncadd.s32 $0xFFFFF980  }
0x2f: {  	_ =	swait.ge [sflag:s2], $0x680  }
0x30: {  	[sflag:s2] =	ssyncset.done $0x0  }
0x31: {  	[sflag:s2] =	ssyncadd.s32 $0xFFFFF980  }
0x32: {  	_ =	swait.ge [sflag:s2], $0x680  }
0x33: {  	[sflag:s2] =	ssyncset.done $0x0  }
0x34: {  	[sflag:s2] =	ssyncadd.s32 $0xFFFFF980  }
0x35: {  	_ =	swait.ge [sflag:s2], $0x680  }
0x36: {  	[sflag:s2] =	ssyncset.done $0x0  }
0x37: {  	s4 =	sadd.s32 $0x1, s4;
	[sflag:s2] =	ssyncadd.s32 $0xFFFFF980  }
0x38: {  	p1 =	sne.s32 s4, s19;
	_ =	swait.ge [sflag:s2], $0x680  }
.Ltmp1:
0x39: {  	[sflag:s2] =	ssyncset.done $0x0;
	(pc) =	sbr.rel @!p1 .LBB2_9-.Ltmp1, $4  }
0x3a: {  	[sflag:s2] =	ssyncadd.s32 $0xFFFFF980  }
0x3b: {  	_ =	swait.ge [sflag:s2], $0x680  }
0x3c: {  	[sflag:s2] =	ssyncset.done $0x0  }
0x3d: {  	[sflag:s2] =	ssyncadd.s32 $0xFFFFF980  }
.LBB2_1:
0x3e: {  	s0 =	simm.s32 $0x0;
	s9 =	simm.s32 $0x200  }
.LBB2_2:
0x3f: {  	p1 =	sne.s32 s9, $0xCE00;
	[tilespmem:s0+$0x8470] =	vst v0  }
0x40: {  	[tilespmem:s0+$0x8400] =	vst v0  }
0x41: {  	[tilespmem:s0+$0x8410] =	vst v0  }
.Ltmp2:
0x42: {  	[tilespmem:s0+$0x8420] =	vst v0;
	(pc) =	sbr.rel @p1 .LBB2_2-.Ltmp2, $4  }
0x43: {  	[tilespmem:s0+$0x8430] =	vst v0  }
0x44: {  	[tilespmem:s0+$0x8440] =	vst v0  }
0x45: {  	[tilespmem:s0+$0x8450] =	vst v0  }
0x46: {  	[tilespmem:s0+$0x8460] =	vst v0;
	s0 =	sshra.s32 s9, $0x2;
	s9 =	sadd.s32 $0x200, s9  }
0x47: {  	[tilespmem:s0+$0x8470] =	vst v0  }
0x48: {  	[tilespmem:s0+$0x8400] =	vst v0  }
0x49: {  	[tilespmem:s0+$0x8410] =	vst v0  }
0x4a: {  	[tilespmem:s0+$0x8420] =	vst v0  }
0x4b: {  	[tilespmem:s0+$0x8430] =	vst v0  }
0x4c: {  	[tilespmem:s0+$0x8440] =	vst v0  }
0x4d: {  	[tilespmem:s0+$0x8450] =	vst v0  }
0x4e: {  	[tilespmem:s0+$0x8460] =	vst v0  }
0x4f: {  	[spmem:s20] =	stream.linear.scatter [tilespmem:s26], [sflag:$0x7], $0x3400, $0x38;
	[tilespmem:$0x1F100] =	vst v63  }
0x50: {  	_ =	swait.ge [sflag:s28], $0x3400  }
0x51: {  	[sflag:s28] =	ssyncset.done $0x0  }
0x52: {  	[sflag:s28] =	ssyncadd.s32 $0xFFFFCC00  }
0x53: {  	[spmem:s21] =	stream.linear.scatter [tilespmem:s26], [sflag:$0x7], $0x3400, $0x38;
	[tilespmem:$0x1F100] =	vst v63  }
0x54: {  	_ =	swait.ge [sflag:s28], $0x3400  }
0x55: {  	[sflag:s28] =	ssyncset.done $0x0  }
0x56: {  	[sflag:s28] =	ssyncadd.s32 $0xFFFFCC00  }
0x57: {  	[spmem:s22] =	stream.linear.scatter [tilespmem:s26], [sflag:$0x7], $0x3400, $0x38;
	[tilespmem:$0x1F100] =	vst v63  }
0x58: {  	_ =	swait.ge [sflag:s28], $0x3400  }
0x59: {  	[sflag:s28] =	ssyncset.done $0x0  }
0x5a: {  	[sflag:s28] =	ssyncadd.s32 $0xFFFFCC00  }
0x5b: {  	[spmem:s23] =	stream.linear.scatter [tilespmem:s26], [sflag:$0x7], $0x3400, $0x38;
	[tilespmem:$0x1F100] =	vst v63  }
0x5c: {  	_ =	swait.ge [sflag:s28], $0x3400  }
0x5d: {  	[sflag:s28] =	ssyncset.done $0x0  }
0x5e: {  	[sflag:s28] =	ssyncadd.s32 $0xFFFFCC00  }
0x5f: {  	[spmem:s24] =	stream.linear.scatter [tilespmem:s26], [sflag:$0x7], $0x3400, $0x38;
	[tilespmem:$0x1F100] =	vst v63  }
0x60: {  	_ =	swait.ge [sflag:s28], $0x3400  }
0x61: {  	[sflag:s28] =	ssyncset.done $0x0  }
0x62: {  	[sflag:s28] =	ssyncadd.s32 $0xFFFFCC00  }
0x63: {  	[spmem:s25] =	stream.linear.scatter [tilespmem:s26], [sflag:$0x7], $0x3400, $0x38;
	[tilespmem:$0x1F100] =	vst v63  }
0x64: {  	_ =	swait.ge [sflag:s28], $0x3400  }
0x65: {  	[sflag:s28] =	ssyncset.done $0x0  }
0x66: {  	s0 =	simm.s32 @!p0 $0x8400;
	[sflag:s28] =	ssyncadd.s32 $0xFFFFCC00  }
0x67: {  	[spmem:s7] =	stream.linear.scatter @!p0 [tilespmem:s0], [sflag:$0x7], $0x1000, $0x38;
	[tilespmem:$0x1F100] =	vst v63  }
0x68: {  	s0 =	simm.s32 @!p0 $0x7  }
0x69: {  	_ =	swait.ge @!p0 [sflag:s0], $0x1000  }
0x6a: {  	[sflag:s0] =	ssyncset.done @!p0 $0x0  }
0x6b: {  	[sflag:s0] =	ssyncadd.s32 @!p0 $0xFFFFF000  }
0x6c: {  	s31 =	simm.s32 $0x400;
	s0 =	simm.s32 $0x0;
	[bflag:$0x0] =	sbarrier.arrive $0xFFFF  }
0x6d: {  	[tilespmem:s0], [sflag:$0x7] =	stream.strided.gather [hbm4b:s8+s29], $0x100, s31, s29, $0x38;
	[tilespmem:$0x1F100] =	vst v63  }
0x6e: {  	_ =	swait.ge [sflag:s28], $0x100  }
0x6f: {  	[sflag:s28] =	ssyncset.done $0x0  }
0x70: {  	[sflag:s28] =	ssyncadd.s32 $0xFFFFFF00  }
0x71: {  	[tilespmem:s31], [sflag:$0x5] =	stream.indirect.gather [hbm4b:s1+s29], $0x80, s0, s29, $0xb8;
	[tilespmem:$0x1F100] =	vst v63  }
0x72: {  	s9 =	rddreg [dreg:$0x4]  }
0x73: {  	[tilespmem:s30], [sflag:$0x7] =	stream.strided.gather [hbm4b:s9+s29], $0x100, s31, s29, $0x38;
	[tilespmem:$0x1F100] =	vst v63  }
0x74: {  	_ =	swait.ge [sflag:s28], $0x100  }
0x75: {  	[sflag:s28] =	ssyncset.done $0x0  }
0x76: {  	s12 =	simm.s32 $0x4400;
	[sflag:s28] =	ssyncadd.s32 $0xFFFFFF00  }
0x77: {  	[tilespmem:s12], [sflag:$0x6] =	stream.indirect.gather [hbm4b:s1+s29], $0x80, s30, s29, $0xb8;
	[tilespmem:$0x1F100] =	vst v63  }
.Ltmp3:
0x78: {  	_ = 	snop;
	(pc) =	sbr.rel .LBB2_4-.Ltmp3, $4  }
0x79: {  	s9 =	simm.s32 $0x200;
	s10 =	rddreg [dreg:$0x5]  }
0x7a: {  	[tilespmem:s9], [sflag:$0x3] =	stream.strided.gather [hbm4b:s10+s29], $0x100, s31, s29, $0x38;
	[tilespmem:$0x1F100] =	vst v63  }
0x7b: {  	s13 =	simm.s32 $0x300  }
0x7c: {  	[tilespmem:s13], [sflag:$0x4] =	stream.strided.gather [hbm4b:s17+s29], $0x100, s31, s29, $0x38;
	[tilespmem:$0x1F100] =	vst v63  }
.LBB2_6:
0x7d: {  	p1 =	seq.s32 s10, $0x2  }
0x7e: {  	s10 =	simm.s32 @p1 $0x5  }
0x7f: {  	_ =	swait.ge @p1 [sflag:s10], $0x4000  }
0x80: {  	s11 =	simm.s32 @p1 $0x280;
	[sflag:s10] =	ssyncset.done @p1 $0x0  }
0x81: {  	s12 =	simm.s32 @p1 $0x400;
	[sflag:s10] =	ssyncadd.s32 @p1 $0xFFFFC000;
	s10 =	simm.s32 @p1 $0x80  }
0x82: {  	[spmem:s3] =	stream.indirect.scatter.add.f32 @p1 [tilespmem:s12], [sflag:$0x7], $0x80, s11, s10, $0xb8;
	[tilespmem:$0x1F100] =	vst v63  }
0x83: {  	s10 =	simm.s32 @p1 $0x7  }
0x84: {  	p2 =	sgt.u32 @p1 s0, $0x4C;
	_ =	swait.ge @p1 [sflag:s10], $0x4000  }
0x85: {  	p3 =	por p2, !p1;
	[sflag:s10] =	ssyncset.done @p1 $0x0  }
0x86: {  	[sflag:s10] =	ssyncadd.s32 @p1 $0xFFFFC000;
	s10 =	simm.s32 @!p3 $0x1  }
0x87: {  	_ =	swait.ge @!p3 [sflag:s10], $0x100  }
0x88: {  	s11 =	simm.s32 @!p3 $0x0;
	[sflag:s10] =	ssyncset.done @!p3 $0x0  }
0x89: {  	s12 =	simm.s32 @!p3 $0x400;
	[sflag:s10] =	ssyncadd.s32 @!p3 $0xFFFFFF00;
	s10 =	simm.s32 @!p3 $0x80  }
0x8a: {  	[tilespmem:s12], [sflag:$0x5] =	stream.indirect.gather @!p3 [hbm4b:s1+s10], $0x80, s11, s10, $0xb8;
	[tilespmem:$0x1F100] =	vst v63  }
0x8b: {  	p3 =	sgt.u32 @!p3 s0, $0x4A  }
0x8c: {  	p2 =	por @p1 p3, p2  }
0x8d: {  	p2 =	por p2, !p1  }
0x8e: {  	s10 =	sand.u32 @!p2 $0xF800, s31  }
0x8f: {  	s11 =	sand.u32 @!p2 $0x380, s9;
	s10 =	sadd.s32 @!p2 s6, s10  }
0x90: {  	s10 =	sor.u32 @!p2 s11, s10  }
0x91: {  	s12 =	simm.s32 @!p2 $0x400;
	s10 =	sshrl.u32 @!p2 s10, $0x3  }
0x92: {  	s13 =	simm.s32 @!p2 $0x200;
	s11 =	simm.s32 @!p2 $0x80;
	s10 =	sadd.s32 @!p2 s5, s10  }
0x93: {  	[tilespmem:s13], [sflag:$0x3] =	stream.strided.gather @!p2 [hbm4b:s10+s11], $0x100, s12, s11, $0x38;
	[tilespmem:$0x1F100] =	vst v63  }
0x94: {  	s10 =	simm.s32 @!p1 $0x6  }
0x95: {  	_ =	swait.ge @!p1 [sflag:s10], $0x4000  }
0x96: {  	s11 =	simm.s32 @!p1 $0x380;
	[sflag:s10] =	ssyncset.done @!p1 $0x0  }
0x97: {  	s12 =	simm.s32 @!p1 $0x4400;
	[sflag:s10] =	ssyncadd.s32 @!p1 $0xFFFFC000;
	s10 =	simm.s32 @!p1 $0x80  }
0x98: {  	[spmem:s3] =	stream.indirect.scatter.add.f32 @!p1 [tilespmem:s12], [sflag:$0x7], $0x80, s11, s10, $0xb8;
	[tilespmem:$0x1F100] =	vst v63  }
0x99: {  	s10 =	simm.s32 @!p1 $0x7  }
0x9a: {  	p2 =	sgt.u32 @!p1 s0, $0x4C;
	_ =	swait.ge @!p1 [sflag:s10], $0x4000  }
0x9b: {  	p3 =	por p2, p1;
	[sflag:s10] =	ssyncset.done @!p1 $0x0  }
0x9c: {  	[sflag:s10] =	ssyncadd.s32 @!p1 $0xFFFFC000;
	s10 =	simm.s32 @!p3 $0x2  }
0x9d: {  	_ =	swait.ge @!p3 [sflag:s10], $0x100  }
0x9e: {  	s11 =	simm.s32 @!p3 $0x100;
	[sflag:s10] =	ssyncset.done @!p3 $0x0  }
0x9f: {  	s12 =	simm.s32 @!p3 $0x4400;
	[sflag:s10] =	ssyncadd.s32 @!p3 $0xFFFFFF00;
	s10 =	simm.s32 @!p3 $0x80  }
0xa0: {  	[tilespmem:s12], [sflag:$0x6] =	stream.indirect.gather @!p3 [hbm4b:s1+s10], $0x80, s11, s10, $0xb8;
	[tilespmem:$0x1F100] =	vst v63  }
0xa1: {  	p3 =	sgt.u32 @!p3 s0, $0x4A  }
0xa2: {  	p2 =	por @!p1 p3, p2  }
0xa3: {  	p1 =	por p2, p1  }
0xa4: {  	s10 =	sand.u32 @!p1 $0xF800, s31  }
0xa5: {  	s11 =	sand.u32 @!p1 $0x380, s9;
	s10 =	sadd.s32 @!p1 s6, s10  }
0xa6: {  	s10 =	sor.u32 @!p1 s11, s10  }
0xa7: {  	s12 =	simm.s32 @!p1 $0x400;
	s10 =	sshrl.u32 @!p1 s10, $0x3  }
0xa8: {  	s13 =	simm.s32 @!p1 $0x300;
	s11 =	simm.s32 @!p1 $0x80;
	s10 =	sadd.s32 @!p1 s5, s10  }
0xa9: {  	[tilespmem:s13], [sflag:$0x4] =	stream.strided.gather @!p1 [hbm4b:s10+s11], $0x100, s12, s11, $0x38;
	[tilespmem:$0x1F100] =	vst v63  }
.LBB2_7:
0xaa: {  	s0 =	sadd.s32 $0x1, s0  }
0xab: {  	p1 =	sne.s32 s0, $0x4F  }
.Ltmp4:
0xac: {  	_ = 	snop;
	(pc) =	sbr.rel @!p1 .LBB2_8-.Ltmp4, $2  }
0xad: {  	_ =	sdelay $0x2  }
0xae: {  	s31 =	sadd.s32 $0x100, s31;
	s9 =	sadd.s32 $0x80, s9  }
.LBB2_4:
0xaf: {  	s10 =	sand.u32 $0x3, s0  }
0xb0: {  	p1 =	sgt.s32 s10, $0x1  }
.Ltmp5:
0xb1: {  	_ = 	snop;
	(pc) =	sbr.rel @p1 .LBB2_6-.Ltmp5, $1  }
0xb2: {  	_ =	sdelay $0x3  }
0xb3: {  	p1 =	seq.s32 s10, $0x0  }
0xb4: {  	s10 =	simm.s32 @p1 $0x5  }
0xb5: {  	_ =	swait.ge @p1 [sflag:s10], $0x4000  }
0xb6: {  	[sflag:s10] =	ssyncset.done @p1 $0x0  }
0xb7: {  	s11 =	simm.s32 @p1 $0x400;
	[sflag:s10] =	ssyncadd.s32 @p1 $0xFFFFC000;
	s10 =	simm.s32 @p1 $0x80  }
0xb8: {  	[spmem:s3] =	stream.indirect.scatter.add.f32 @p1 [tilespmem:s11], [sflag:$0x7], $0x80, s10, s10, $0xb8;
	[tilespmem:$0x1F100] =	vst v63  }
0xb9: {  	s10 =	simm.s32 @p1 $0x7  }
0xba: {  	p2 =	sgt.u32 @p1 s0, $0x4C;
	_ =	swait.ge @p1 [sflag:s10], $0x4000  }
0xbb: {  	p3 =	por p2, !p1;
	[sflag:s10] =	ssyncset.done @p1 $0x0  }
0xbc: {  	[sflag:s10] =	ssyncadd.s32 @p1 $0xFFFFC000;
	s10 =	simm.s32 @!p3 $0x3  }
0xbd: {  	_ =	swait.ge @!p3 [sflag:s10], $0x100  }
0xbe: {  	s12 =	simm.s32 @!p3 $0x400;
	[sflag:s10] =	ssyncset.done @!p3 $0x0  }
0xbf: {  	s11 =	simm.s32 @!p3 $0x200;
	[sflag:s10] =	ssyncadd.s32 @!p3 $0xFFFFFF00;
	s10 =	simm.s32 @!p3 $0x80  }
0xc0: {  	[tilespmem:s12], [sflag:$0x5] =	stream.indirect.gather @!p3 [hbm4b:s1+s10], $0x80, s11, s10, $0xb8;
	[tilespmem:$0x1F100] =	vst v63  }
0xc1: {  	p3 =	sgt.u32 @!p3 s0, $0x4A  }
0xc2: {  	p2 =	por @p1 p3, p2  }
0xc3: {  	p2 =	por p2, !p1  }
0xc4: {  	s10 =	sand.u32 @!p2 $0xF800, s31  }
0xc5: {  	s11 =	sand.u32 @!p2 $0x380, s9;
	s10 =	sadd.s32 @!p2 s6, s10  }
0xc6: {  	s10 =	sor.u32 @!p2 s11, s10  }
0xc7: {  	s12 =	simm.s32 @!p2 $0x400;
	s10 =	sshrl.u32 @!p2 s10, $0x3  }
0xc8: {  	s13 =	simm.s32 @!p2 $0x0;
	s11 =	simm.s32 @!p2 $0x80;
	s10 =	sadd.s32 @!p2 s5, s10  }
0xc9: {  	[tilespmem:s13], [sflag:$0x1] =	stream.strided.gather @!p2 [hbm4b:s10+s11], $0x100, s12, s11, $0x38;
	[tilespmem:$0x1F100] =	vst v63  }
0xca: {  	s10 =	simm.s32 @!p1 $0x6  }
0xcb: {  	_ =	swait.ge @!p1 [sflag:s10], $0x4000  }
0xcc: {  	s11 =	simm.s32 @!p1 $0x180;
	[sflag:s10] =	ssyncset.done @!p1 $0x0  }
0xcd: {  	s12 =	simm.s32 @!p1 $0x4400;
	[sflag:s10] =	ssyncadd.s32 @!p1 $0xFFFFC000;
	s10 =	simm.s32 @!p1 $0x80  }
0xce: {  	[spmem:s3] =	stream.indirect.scatter.add.f32 @!p1 [tilespmem:s12], [sflag:$0x7], $0x80, s11, s10, $0xb8;
	[tilespmem:$0x1F100] =	vst v63  }
0xcf: {  	s10 =	simm.s32 @!p1 $0x7  }
0xd0: {  	p2 =	sgt.u32 @!p1 s0, $0x4C;
	_ =	swait.ge @!p1 [sflag:s10], $0x4000  }
0xd1: {  	p3 =	por p2, p1;
	[sflag:s10] =	ssyncset.done @!p1 $0x0  }
0xd2: {  	[sflag:s10] =	ssyncadd.s32 @!p1 $0xFFFFC000;
	s10 =	simm.s32 @!p3 $0x4  }
0xd3: {  	_ =	swait.ge @!p3 [sflag:s10], $0x100  }
0xd4: {  	s11 =	simm.s32 @!p3 $0x300;
	[sflag:s10] =	ssyncset.done @!p3 $0x0  }
0xd5: {  	s12 =	simm.s32 @!p3 $0x4400;
	[sflag:s10] =	ssyncadd.s32 @!p3 $0xFFFFFF00;
	s10 =	simm.s32 @!p3 $0x80  }
0xd6: {  	[tilespmem:s12], [sflag:$0x6] =	stream.indirect.gather @!p3 [hbm4b:s1+s10], $0x80, s11, s10, $0xb8;
	[tilespmem:$0x1F100] =	vst v63  }
0xd7: {  	p3 =	sgt.u32 @!p3 s0, $0x4A  }
0xd8: {  	p2 =	por @!p1 p3, p2  }
0xd9: {  	p1 =	por p2, p1  }
0xda: {  	s10 =	sand.u32 @!p1 $0xF800, s31  }
.Ltmp6:
0xdb: {  	s11 =	sand.u32 @!p1 $0x380, s9;
	s10 =	sadd.s32 @!p1 s6, s10;
	(pc) =	sbr.rel .LBB2_7-.Ltmp6, $4  }
0xdc: {  	s10 =	sor.u32 @!p1 s11, s10  }
0xdd: {  	s12 =	simm.s32 @!p1 $0x400;
	s10 =	sshrl.u32 @!p1 s10, $0x3  }
0xde: {  	s13 =	simm.s32 @!p1 $0x100;
	s11 =	simm.s32 @!p1 $0x80;
	s10 =	sadd.s32 @!p1 s5, s10  }
0xdf: {  	[tilespmem:s13], [sflag:$0x2] =	stream.strided.gather @!p1 [hbm4b:s10+s11], $0x100, s12, s11, $0x38;
	[tilespmem:$0x1F100] =	vst v63  }
.LBB2_9:
0xe0: {  	_ =	sfence.sel $0x180000  }
0xe1: {  	[bflag:$0x0] =	sbarrier.arrive $0xFFFF  }
0xe2: {  	_ =	strace $0x9000004D  }
0xe3: {  	s0 =	stileid.u32;
	[bflag:$0x2] =	sbarrier.arrive $0xFFFF  }
0xe4: {  	p0 =	sne.s32 s0, $0x0;
	s0 =	rddreg [dreg:$0x3]  }
0xe5: {  	s0 =	sadd.s32 @!p0 $0x100000, s0  }
0xe6: {  	[sflag:s0] =	ssyncadd.tile.s32 @!p0 $0x1;
	_ =	shalt  }
.Lfunc_end2:
_tile_overlayer_lowered:
.L_overlay_start_2:
0xe7: {  	(tag) =	ssettag $0x2  }
0xe8: {  	s0 =	rddreg [dreg:$0x0];
	s2 =	stileid.u32  }
0xe9: {  	s1 =	rddreg [dreg:$0x1];
	p0 =	sne.s32 s2, $0x0  }
0xea: {  	s3 =	rddreg [dreg:$0x2];
	[bflag:$0x3] =	sbarrier.arrive $0xFFFF;
	s2 =	simm.s32 @!p0 $0x1C07  }
0xeb: {  	[timem:s3], [sflag:s2] =	dma.local @!p0 [hbm:s0], s1  }
0xec: {  	s0 =	simm.s32 @!p0 $0x7  }
0xed: {  	_ =	swait.ge @!p0 [sflag:s0], s1  }
0xee: {  	s1 =	ssub.s32 @!p0 $0x0, s1;
	[sflag:s0] =	ssyncset.done @!p0 $0x0  }
0xef: {  	[sflag:s0] =	ssyncadd.s32 @!p0 s1  }
0xf0: {  	[bflag:$0x3] =	sbarrier.arrive $0xFFFF  }
0xf1: {  	_ =	shalt  }

// kernel: kernel.8.cloned.1.call-start
scs
__scs_entry_jumppad:
0x0: {  	(pc) =	sbr.rel $0x88, $3  }
0x1: {  	(tag) =	ssettag $0x0;
	lr =	simm.s32 $0x1  }
0x2: {  	[smem:$0x3F9B] =	sst lr;
	_ =	strace $0xD0000000  }
0x3: {  	_ = 	snop  }
0x4: {  	_ = 	snop  }
0x5: {  	_ = 	snop  }
0x6: {  	_ = 	snop  }
0x7: {  	_ = 	snop  }
__scs_overlays_trampoline_lowered:
0x8: {  	[smem:$0x3FAA] =	sst s0  }
0x9: {  	[smem:$0x3FAB] =	sst s1  }
0xa: {  	[smem:$0x3FAC] =	sst s2  }
0xb: {  	[smem:$0x3FAD] =	sst s3  }
0xc: {  	[smem:$0x3FAE] =	sst s4  }
0xd: {  	[smem:$0x3FAF] =	sst s5  }
0xe: {  	[smem:$0x3FB0] =	sst s6  }
0xf: {  	[smem:$0x3FB1] =	sst s7  }
0x10: {  	[smem:$0x3FB2] =	sst s8  }
0x11: {  	[smem:$0x3FB3] =	sst s9;
	s0 =	simm.s32 @!p0 $0x0  }
0x12: {  	s1 =	sld [smem:$0x3F99];
	s0 =	simm.s32 @p0 $0x1  }
0x13: {  	[smem:$0x3FB4] =	sst s0;
	s0 =	simm.s32 @!p1 $0x0  }
0x14: {  	s2 =	sld [smem:$0x3F98];
	s0 =	simm.s32 @p1 $0x1  }
0x15: {  	[smem:$0x3FB5] =	sst s0;
	s0 =	simm.s32 @!p2 $0x0  }
0x16: {  	s3 =	sld [smem:$0x3FDB];
	s0 =	simm.s32 @p2 $0x1  }
0x17: {  	s4 =	simm.s32 $0x1BF5;
	[smem:$0x3FB7] =	sst s0  }
0x18: {  	s0 =	sld [smem:$0x3F9A];
	_ =	swait.ge [sflag:s4], $0x0  }
0x19: {  	s7 =	sld [smem:$0x3F9B]  }
0x1a: {  	s8 =	sadd.s32 $0xFFFFE003, lr  }
0x1b: {  	s9 =	sadd.s32 $0xFFFFFEF7, lr;
	s5 =	simm.s32 $0xFFFFFFFF;
	p2 =	slt.u32 s8, $0xFFFFF086  }
0x1c: {  	p1 =	slt.u32 s9, $0xF7A;
	s5 =	simm.s32 @!p2 $0x0  }
0x1d: {  	s5 =	simm.s32 @p1 $0x1;
	p0 =	seq.s32 s7, s2  }
0x1e: {  	s7 =	smul.u32 @!p0 $0xF7A, s2;
	p2 =	seq.s32 @!p0 s5, $0x0  }
0x1f: {  	s9 =	smul.u32 $0xF7A, s1;
	s8 =	simm.s32 @!p0 $0x1BF5;
	p2 =	por !p2, p0  }
0x20: {  	[sflag:s8] =	ssyncset.s32 @!p0 $0xFFFFF086;
	s6 =	sadd.s32 @!p0 s3, s7;
	s7 =	simm.s32 @!p0 $0x108  }
0x21: {  	s3 =	sadd.s32 s3, s9;
	s6 =	sadd.s32 @!p0 $0x88, s6;
	s7 =	simm.s32 @p2 $0x1082  }
0x22: {  	[simem:s7], [sflag:s8] =	dma.local @!p0 [hbm:s6], $0xF7A  }
0x23: {  	s9 =	sor.u32 $0xD0000000, s2;
	s6 =	simm.s32 $0x108;
	_ =	swait.ge @!p0 [sflag:s8], $0x0  }
0x24: {  	s3 =	sadd.s32 $0x88, s3;
	s6 =	simm.s32 @!p1 $0x1082;
	[sflag:s4] =	ssyncset.s32 $0xFFFFF086  }
0x25: {  	[simem:s6], [sflag:s4] =	dma.local [hbm:s3], $0xF7A  }
0x26: {  	[smem:$0x3F9B] =	sst s1;
	(tag) =	ssettag s2;
	_ =	strace s9  }
0x27: {  	s1 =	sld [smem:$0x3FAB]  }
0x28: {  	s2 =	sld [smem:$0x3FAC]  }
0x29: {  	s4 =	sld [smem:$0x3FAE]  }
0x2a: {  	p0 =	seq.s32 s5, $0x0;
	s5 =	sld [smem:$0x3FAF]  }
0x2b: {  	s6 =	sld [smem:$0x3FB0]  }
0x2c: {  	s7 =	sld [smem:$0x3FB1]  }
0x2d: {  	s3 =	simm.s32 $0x108;
	s8 =	sld [smem:$0x3FB2]  }
0x2e: {  	s3 =	simm.s32 @!p0 $0x1082;
	s9 =	sld [smem:$0x3FB3]  }
0x2f: {  	lr =	sadd.s32 s0, s3;
	s0 =	sld [smem:$0x3FAA]  }
0x30: {  	s3 =	sld [smem:$0x3FAD]  }
0x31: {  	[smem:$0x3FB6] =	sst s10  }
0x32: {  	s10 =	sld [smem:$0x3FB4];
	_ =	sdelay $0x3  }
0x33: {  	p0 =	seq.s32 s10, $0x1;
	s10 =	sld [smem:$0x3FB6];
	_ =	sdelay $0x3  }
0x34: {  	[smem:$0x3FB6] =	sst s10  }
0x35: {  	s10 =	sld [smem:$0x3FB5];
	_ =	sdelay $0x3  }
0x36: {  	p1 =	seq.s32 s10, $0x1;
	s10 =	sld [smem:$0x3FB6];
	_ =	sdelay $0x3  }
0x37: {  	[smem:$0x3FB6] =	sst s10  }
0x38: {  	s10 =	sld [smem:$0x3FB7]  }
0x39: {  	_ = 	snop;
	(pc) =	sbr.ind lr, $3  }
0x3a: {  	_ = 	snop  }
0x3b: {  	_ = 	snop  }
0x3c: {  	p2 =	seq.s32 s10, $0x1;
	s10 =	sld [smem:$0x3FB6]  }
0x3d: {  	_ =	shalt  }
0x3e: {  	_ =	shalt  }
0x3f: {  	_ =	shalt  }
0x40: {  	_ =	shalt  }
0x41: {  	_ =	shalt  }
0x42: {  	_ =	shalt  }
0x43: {  	_ =	shalt  }
0x44: {  	_ =	shalt  }
0x45: {  	_ =	shalt  }
0x46: {  	_ =	shalt  }
0x47: {  	_ =	shalt  }
0x48: {  	_ =	shalt  }
0x49: {  	_ =	shalt  }
0x4a: {  	_ =	shalt  }
0x4b: {  	_ =	shalt  }
0x4c: {  	_ =	shalt  }
0x4d: {  	_ =	shalt  }
0x4e: {  	_ =	shalt  }
0x4f: {  	_ =	shalt  }
0x50: {  	_ =	shalt  }
0x51: {  	_ =	shalt  }
0x52: {  	_ =	shalt  }
0x53: {  	_ =	shalt  }
0x54: {  	_ =	shalt  }
0x55: {  	_ =	shalt  }
0x56: {  	_ =	shalt  }
0x57: {  	_ =	shalt  }
0x58: {  	_ =	shalt  }
0x59: {  	_ =	shalt  }
0x5a: {  	_ =	shalt  }
0x5b: {  	_ =	shalt  }
0x5c: {  	_ =	shalt  }
0x5d: {  	_ =	shalt  }
0x5e: {  	_ =	shalt  }
0x5f: {  	_ =	shalt  }
0x60: {  	_ =	shalt  }
0x61: {  	_ =	shalt  }
0x62: {  	_ =	shalt  }
0x63: {  	_ =	shalt  }
0x64: {  	_ =	shalt  }
0x65: {  	_ =	shalt  }
0x66: {  	_ =	shalt  }
0x67: {  	_ =	shalt  }
0x68: {  	_ =	shalt  }
0x69: {  	_ =	shalt  }
0x6a: {  	_ =	shalt  }
0x6b: {  	_ =	shalt  }
0x6c: {  	_ =	shalt  }
0x6d: {  	_ =	shalt  }
0x6e: {  	_ =	shalt  }
0x6f: {  	_ =	shalt  }
0x70: {  	_ =	shalt  }
0x71: {  	_ =	shalt  }
0x72: {  	_ =	shalt  }
0x73: {  	_ =	shalt  }
0x74: {  	_ =	shalt  }
0x75: {  	_ =	shalt  }
0x76: {  	_ =	shalt  }
0x77: {  	_ =	shalt  }
0x78: {  	_ =	shalt  }
0x79: {  	_ =	shalt  }
0x7a: {  	_ =	shalt  }
0x7b: {  	_ =	shalt  }
0x7c: {  	_ =	shalt  }
0x7d: {  	_ =	shalt  }
0x7e: {  	_ =	shalt  }
0x7f: {  	_ =	shalt  }
0x80: {  	_ =	shalt  }
0x81: {  	_ =	shalt  }
0x82: {  	_ =	shalt  }
0x83: {  	_ =	shalt  }
0x84: {  	_ =	shalt  }
0x85: {  	_ =	shalt  }
0x86: {  	_ =	shalt  }
0x87: {  	_ =	shalt  }
.Lfunc_end0:
.L_simem_size_0:
called_computation_lowered:
.L_overlay_start_0:
0x88: {  	s2 =	sld [smem:$0x3FD9]  }
0x89: {  	s3 =	sld [smem:$0x3FFE];
	_ =	sdelay $0x1  }
0x8a: {  	s1 =	srdreg.scid  }
0x8b: {  	s0 =	sand.u32 $0x1, s1  }
0x8c: {  	s17 =	sshll.u32 s0, $0xA;
	s2 =	sadd.s32 s3, s2  }
0x8d: {  	s2 =	sadd.s32 s2, s17  }
0x8e: {  	[smem:$0x3FC2] =	sst s2  }
0x8f: {  	_ = 	snop  }
0x90: {  	s2 =	sld [smem:$0x3FD0];
	(tm) =	ssettm $0x1  }
0x91: {  	s18 =	sld [smem:$0x3FFB];
	_ =	sdelay $0x3  }
0x92: {  	_ =	strace s18  }
0x93: {  	s3 =	sld [smem:$0x3FFC];
	_ =	sdelay $0x3  }
0x94: {  	_ =	strace s3  }
0x95: {  	s3 =	sld [smem:$0x3FFD];
	_ =	sdelay $0x3  }
0x96: {  	_ =	strace s3  }
0x97: {  	_ =	strace $0x8FFFFFFF  }
0x98: {  	s19 =	sld [smem:$0x3FDB];
	_ =	sdelay $0x1  }
0x99: {  	s4 =	simm.s32 $_scs_section_size  }
0x9a: {  	s5 =	simm.s32 $_size__tile_overlayer_lowered;
	s6 =	simm.s32 $_tile_overlayer_lowered  }
0x9b: {  	s22 =	simm.s32 $0x1BFF;
	s21 =	sshll.u32 s6, $0x1;
	s3 =	sadd.s32 s4, s19  }
0x9c: {  	s7 =	simm.s32 $0x0;
	s20 =	sshll.u32 s5, $0x1;
	s5 =	sadd.s32 s21, s3  }
0x9d: {  	[timem:s7], [sflag:s22] =	dma.local [hbm:s5], s20  }
0x9e: {  	_ =	swait.ge [sflag:s22], s20  }
0x9f: {  	s4 =	ssub.s32 $0x0, s20;
	[sflag:s22] =	ssyncset.done $0x0  }
0xa0: {  	[sflag:s22] =	ssyncadd.s32 s4;
	_ =	sdelay $0x1  }
0xa1: {  	s23 =	simm.s32 $0x1B8B  }
0xa2: {  	_ =	swait.ge [sflag:s23], $0x1  }
0xa3: {  	[sflag:s23] =	ssyncset.done $0x0  }
0xa4: {  	s25 =	simm.s32 $0x1B8E;
	s24 =	sld [smem:$0x3FFE];
	[sflag:s23] =	ssyncadd.s32 $0xFFFFFFFF  }
0xa5: {  	s26 =	simm.s32 $execute0_lowered;
	[smem:$0x3FD2] =	sst s25  }
0xa6: {  	s5 =	sshll.u32 s26, $0x1;
	_ =	strace $0x80000046;
	[dreg:$0x1] =	wrdreg $0xFFFFFFFF  }
0xa7: {  	s28 =	simm.s32 $_size_execute0_lowered;
	s3 =	sadd.s32 s3, s5;
	[dreg:$0x0] =	wrdreg $0x0  }
0xa8: {  	s5 =	sshll.u32 s28, $0x1;
	[dreg:$0x2] =	wrdreg s3  }
0xa9: {  	[dreg:$0x3] =	wrdreg s5  }
0xaa: {  	[dreg:$0x4] =	wrdreg $0xC0  }
0xab: {  	_ =	task [dreg:s7], $0x5FFFF  }
0xac: {  	[dreg:$0x1] =	wrdreg $0xFFFFFFFF  }
0xad: {  	[dreg:$0x0] =	wrdreg $0x60  }
0xae: {  	[dreg:$0x2] =	wrdreg s2  }
0xaf: {  	[dreg:$0x3] =	wrdreg s24  }
0xb0: {  	[dreg:$0x4] =	wrdreg $0x2B800  }
0xb1: {  	[dreg:$0x5] =	wrdreg $0x9  }
0xb2: {  	_ =	task.clear_ibuf [dreg:s7], $0x6FFFF;
	_ =	strace $0x90000046  }
0xb3: {  	s29 =	simm.s32 $0x9;
	_ =	strace $0x80000048  }
0xb4: {  	_ =	swait.ge [sflag:s29], $0x1  }
0xb5: {  	[sflag:s29] =	ssyncadd.s32 $0xFFFFFFFF  }
0xb6: {  	_ =	strace $0x90000048  }
0xb7: {  	_ =	sfence  }
0xb8: {  	s30 =	sld [smem:$0x0];
	_ =	sdelay $0x2  }
0xb9: {  	s31 =	sshll.u32 s1, $0xD;
	s1 =	sshrl.u32 s1, $0x2  }
0xba: {  	s3 =	sand.u32 $0x4000, s31;
	s1 =	sadd.s32 s1, s30  }
0xbb: {  	s0 =	sor.u32 s3, s0;
	s1 =	sshll.u32 s1, $0x11  }
0xbc: {  	s0 =	sor.u32 s1, s0  }
0xbd: {  	s0 =	sadd.s32 $0x8F2B, s0  }
0xbe: {  	[sflag:s0] =	ssyncadd.remote.s32 $0x1  }
0xbf: {  	_ =	sfence.sel $0xFFFF  }
0xc0: {  	[dreg:$0x0] =	wrdreg $0xFFFFFFFF;
	(pc) =	sbr.abs _section_cstart, $3  }
0xc1: {  	[dreg:$0x1] =	wrdreg $0xFFFFFFFF  }
0xc2: {  	_ =	task.clear_ibuf [dreg:s7], $0x2FFFF;
	_ =	strace $0x9FFFFFFF  }
0xc3: {  	(tm) =	ssettm $0x7FFFFFFF  }
tec
execute0_lowered:
.L_overlay_start_1:
0x0: {  	(tag) =	ssettag $0x1  }
0x1: {  	s6 =	rddreg [dreg:$0x0]  }
0x2: {  	s4 =	rddreg [dreg:$0x1]  }
0x3: {  	s1 =	rddreg [dreg:$0x2]  }
0x4: {  	s0 =	rddreg [dreg:$0x3]  }
0x5: {  	s3 =	simm.s32 $0x0;
	s5 =	srdreg.scid;
	s2 =	stileid.u32  }
0x6: {  	s14 =	simm.s32 $0x0;
	[smem:$0x7FF] =	sst s3;
	s5 =	sand.u32 $0x1, s5  }
0x7: {  	s8 =	sadd.s32 $0x1E00, s4;
	s7 =	smul.u32 $0x9C0, s2;
	s10 =	sshll.u32 s2, $0x1  }
0x8: {  	s11 =	smul.u32 $0x270, s2;
	p0 =	seq.s32 s2, $0xF;
	_ =	strace $0x80000047  }
0x9: {  	s28 =	ssub.s32 $0x2, s5;
	s10 =	sor.u32 s5, s10;
	s12 =	smul.u32 $0x2710, s5  }
0xa: {  	s5 =	sadd.s32 $0x2490, s1;
	s9 =	sshrl.u32 s28, $0x1;
	s7 =	sshrl.u32 s7, $0x2  }
0xb: {  	s29 =	smul.u32 $0x500, s10;
	s13 =	ssub.s32 s28, s9;
	s4 =	sadd.s32 s7, s1  }
0xc: {  	s30 =	sadd.s32 s11, s12;
	s31 =	sshrl.u32 s12, $0x3;
	s7 =	sadd.s32 s11, s1  }
0xd: {  	s11 =	simm.s32 $0x1;
	s12 =	simm.s32 $0x80;
	s9 =	sshrl.u32 s30, $0x3  }
0xe: {  	s6 =	sadd.s32 s6, s29;
	s10 =	sadd.s32 s8, s31;
	s8 =	sadd.s32 s8, s9  }
0xf: {  	v0 =	vimm.f32 $1.000000000e+00;
	v1 =	vimm.f32 $0.0e+00;
	s9 =	sadd.s32 $0x492, s10;
	s10 =	smax.u32 s13, $0x1;
	s13 =	simm.s32 $0x2800  }
.LBB2_1:
0x10: {  	[tilespmem:$0x2800] =	vst v0  }
0x11: {  	[tilespmem:$0x2810] =	vst v0  }
0x12: {  	[tilespmem:$0x2820] =	vst v0  }
0x13: {  	[tilespmem:$0x2830] =	vst v0  }
0x14: {  	[tilespmem:$0x2840] =	vst v0  }
0x15: {  	[tilespmem:$0x2850] =	vst v0  }
0x16: {  	[tilespmem:$0x2860] =	vst v0  }
0x17: {  	[tilespmem:$0x2870] =	vst v0  }
0x18: {  	[tilespmem:$0x2880] =	vst v1  }
0x19: {  	[tilespmem:$0x2890] =	vst v1  }
0x1a: {  	[tilespmem:$0x28A0] =	vst v1  }
0x1b: {  	[tilespmem:$0x28B0] =	vst v1  }
0x1c: {  	[tilespmem:$0x28C0] =	vst v1  }
0x1d: {  	[tilespmem:$0x28D0] =	vst v1  }
0x1e: {  	[tilespmem:$0x28E0] =	vst v1  }
0x1f: {  	[tilespmem:$0x28F0] =	vst v1  }
0x20: {  	[tilespmem:$0x2900] =	vst v1  }
0x21: {  	[tilespmem:$0x2910] =	vst v1  }
0x22: {  	[tilespmem:$0x2920] =	vst v1  }
0x23: {  	[tilespmem:$0x2930] =	vst v1  }
0x24: {  	[tilespmem:$0x2940] =	vst v1  }
0x25: {  	[tilespmem:$0x2950] =	vst v1  }
0x26: {  	[tilespmem:$0x2960] =	vst v1  }
0x27: {  	[tilespmem:$0x2970] =	vst v1  }
0x28: {  	[tilespmem:$0x2980] =	vst v1  }
0x29: {  	[tilespmem:$0x2990] =	vst v1  }
0x2a: {  	[tilespmem:$0x29A0] =	vst v1  }
0x2b: {  	[tilespmem:$0x29B0] =	vst v1  }
0x2c: {  	[tilespmem:$0x29C0] =	vst v1  }
0x2d: {  	[tilespmem:$0x29D0] =	vst v1  }
0x2e: {  	[tilespmem:$0x29E0] =	vst v1  }
0x2f: {  	[tilespmem:$0x29F0] =	vst v1  }
0x30: {  	[tilespmem:$0x2A00] =	vst v1  }
0x31: {  	[tilespmem:$0x2A10] =	vst v1  }
0x32: {  	[tilespmem:$0x2A20] =	vst v1  }
0x33: {  	[tilespmem:$0x2A30] =	vst v1  }
0x34: {  	[tilespmem:$0x2A40] =	vst v1  }
0x35: {  	[tilespmem:$0x2A50] =	vst v1  }
0x36: {  	[tilespmem:$0x2A60] =	vst v1  }
0x37: {  	[tilespmem:$0x2A70] =	vst v1  }
0x38: {  	[tilespmem:$0x2A80] =	vst v1  }
0x39: {  	[tilespmem:$0x2A90] =	vst v1  }
0x3a: {  	[tilespmem:$0x2AA0] =	vst v1  }
0x3b: {  	[tilespmem:$0x2AB0] =	vst v1  }
0x3c: {  	[tilespmem:$0x2AC0] =	vst v1  }
0x3d: {  	[tilespmem:$0x2AD0] =	vst v1  }
0x3e: {  	[tilespmem:$0x2AE0] =	vst v1  }
0x3f: {  	[tilespmem:$0x2AF0] =	vst v1  }
0x40: {  	[tilespmem:$0x2B00] =	vst v1;
	s15 =	simm.s32 @p0 $0x2880  }
0x41: {  	[spmem:s5] =	stream.linear.scatter @p0 [tilespmem:s15], [sflag:$0x1], $0x290, $0x38;
	[tilespmem:$0x2DF8] =	vst v63  }
0x42: {  	s15 =	simm.s32 @p0 $0x1  }
0x43: {  	_ =	swait.ge @p0 [sflag:s15], $0x290  }
0x44: {  	[sflag:s15] =	ssyncset.done @p0 $0x0  }
0x45: {  	[sflag:s15] =	ssyncadd.s32 @p0 $0xFFFFFD70;
	s15 =	simm.s32 @!p0 $0x2880  }
0x46: {  	[spmem:s4] =	stream.linear.scatter @!p0 [tilespmem:s15], [sflag:$0x1], $0x270, $0x38;
	[tilespmem:$0x2DF8] =	vst v63  }
0x47: {  	s15 =	simm.s32 @!p0 $0x1  }
0x48: {  	_ =	swait.ge @!p0 [sflag:s15], $0x270  }
0x49: {  	[sflag:s15] =	ssyncset.done @!p0 $0x0  }
0x4a: {  	[sflag:s15] =	ssyncadd.s32 @!p0 $0xFFFFFD90  }
0x4b: {  	[bflag:$0x0] =	sbarrier.arrive $0xFFFF  }
0x4c: {  	[tilespmem:s3], [sflag:$0x1] =	stream.linear.gather [hbm4b:s6+s3], $0x2780, $0x38;
	[tilespmem:$0x2DF8] =	vst v63  }
0x4d: {  	_ =	swait.ge [sflag:s11], $0x2780  }
0x4e: {  	[sflag:s11] =	ssyncset.done $0x0  }
0x4f: {  	s31 =	simm.s32 $0x0;
	[sflag:s11] =	ssyncadd.s32 $0xFFFFD880  }
0x50: {  	[spmem:s1] =	stream.indirect.scatter.add.f32 [tilespmem:s13], [sflag:$0x1], $0x1, s31, s12, $0xb8;
	[tilespmem:$0x2DF8] =	vst v63  }
0x51: {  	_ =	swait.ge [sflag:s11], $0x80  }
0x52: {  	s15 =	simm.s32 $0x200;
	[sflag:s11] =	ssyncset.done $0x0  }
.LBB2_2:
0x53: {  	s16 =	sshra.s32 s15, $0x2;
	[sflag:s11] =	ssyncadd.s32 $0xFFFFFF80;
	p1 =	sne.s32 s15, $0x9C00  }
0x54: {  	[spmem:s1] =	stream.indirect.scatter.add.f32 [tilespmem:s13], [sflag:$0x1], $0x1, s16, s12, $0xb8;
	[tilespmem:$0x2DF8] =	vst v63  }
.Ltmp0:
0x55: {  	_ = 	snop;
	(pc) =	sbr.rel @p1 .LBB2_2-.Ltmp0, $4  }
0x56: {  	_ = 	snop  }
0x57: {  	s15 =	sadd.s32 $0x200, s15  }
0x58: {  	_ =	swait.ge [sflag:s11], $0x80  }
0x59: {  	[sflag:s11] =	ssyncset.done $0x0  }
0x5a: {  	[sflag:s11] =	ssyncadd.s32 $0xFFFFFF80  }
0x5b: {  	s15 =	simm.s32 @p0 $0x2880;
	s16 =	simm.s32 @p0 $0x1;
	[bflag:$0x0] =	sbarrier.arrive $0xFFFF  }
0x5c: {  	[tilespmem:s15], [sflag:$0x1] =	stream.linear.gather @p0 [spmem:s5], $0x280, $0x38;
	[tilespmem:$0x2DF8] =	vst v63  }
0x5d: {  	_ =	swait.ge @p0 [sflag:s16], $0x280  }
0x5e: {  	[sflag:s16] =	ssyncset.done @p0 $0x0  }
0x5f: {  	s17 =	simm.s32 @p0 $0x0;
	[sflag:s16] =	ssyncadd.s32 @p0 $0xFFFFFD80  }
0x60: {  	[hbm4b:s9+s17] =	stream.linear.scatter @p0 [tilespmem:s15], [sflag:$0x1], $0x280, $0x38;
	[tilespmem:$0x2DF8] =	vst v63  }
0x61: {  	_ =	swait.ge @p0 [sflag:s16], $0x280  }
0x62: {  	[sflag:s16] =	ssyncset.done @p0 $0x0  }
0x63: {  	s15 =	simm.s32 @!p0 $0x2880;
	[sflag:s16] =	ssyncadd.s32 @p0 $0xFFFFFD80;
	s16 =	simm.s32 @!p0 $0x1  }
0x64: {  	[tilespmem:s15], [sflag:$0x1] =	stream.linear.gather @!p0 [spmem:s7], $0x270, $0x38;
	[tilespmem:$0x2DF8] =	vst v63  }
0x65: {  	s14 =	sadd.s32 $0x1, s14;
	_ =	swait.ge @!p0 [sflag:s16], $0x270  }
0x66: {  	p1 =	sne.s32 s14, s10;
	[sflag:s16] =	ssyncset.done @!p0 $0x0  }
.Ltmp1:
0x67: {  	s17 =	simm.s32 @!p0 $0x0;
	[sflag:s16] =	ssyncadd.s32 @!p0 $0xFFFFFD90;
	(pc) =	sbr.rel @p1 .LBB2_1-.Ltmp1, $4  }
0x68: {  	[hbm4b:s8+s17] =	stream.linear.scatter @!p0 [tilespmem:s15], [sflag:$0x1], $0x270, $0x38;
	[tilespmem:$0x2DF8] =	vst v63  }
0x69: {  	_ =	swait.ge @!p0 [sflag:s16], $0x270  }
0x6a: {  	[sflag:s16] =	ssyncset.done @!p0 $0x0  }
0x6b: {  	[sflag:s16] =	ssyncadd.s32 @!p0 $0xFFFFFD90  }
0x6c: {  	_ =	sfence.sel $0x180000  }
0x6d: {  	[bflag:$0x0] =	sbarrier.arrive $0xFFFF  }
0x6e: {  	p0 =	sne.s32 s2, $0x0;
	_ =	strace $0x90000047  }
0x6f: {  	s0 =	sadd.s32 @!p0 $0x100000, s0;
	[bflag:$0x2] =	sbarrier.arrive $0xFFFF  }
0x70: {  	[sflag:s0] =	ssyncadd.tile.s32 @!p0 $0x1;
	_ =	shalt  }
.Lfunc_end2:
_tile_overlayer_lowered:
.L_overlay_start_2:
0x71: {  	(tag) =	ssettag $0x2  }
0x72: {  	s0 =	rddreg [dreg:$0x0];
	s2 =	stileid.u32  }
0x73: {  	s1 =	rddreg [dreg:$0x1];
	p0 =	sne.s32 s2, $0x0  }
0x74: {  	s3 =	rddreg [dreg:$0x2];
	[bflag:$0x3] =	sbarrier.arrive $0xFFFF;
	s2 =	simm.s32 @!p0 $0x1C01  }
0x75: {  	[timem:s3], [sflag:s2] =	dma.local @!p0 [hbm:s0], s1  }
0x76: {  	s0 =	simm.s32 @!p0 $0x1  }
0x77: {  	_ =	swait.ge @!p0 [sflag:s0], s1  }
0x78: {  	s1 =	ssub.s32 @!p0 $0x0, s1;
	[sflag:s0] =	ssyncset.done @!p0 $0x0  }
0x79: {  	[sflag:s0] =	ssyncadd.s32 @!p0 s1  }
0x7a: {  	[bflag:$0x3] =	sbarrier.arrive $0xFFFF  }
0x7b: {  	_ =	shalt  }

</sc_bundles>
